<compile_context>
chip_gen: v7x
topology: tpu7x:2x2x1
jax: 0.10.2.dev20260603
libtpu: 0.0.44.dev20260713+nightly
codegen_flags: <defaults>
</compile_context>

<pallas_src>
import functools

import jax
import jax.numpy as jnp
from jax import lax
from jax.experimental import pallas as pl
from jax.experimental.pallas import tpu as pltpu
from jax.experimental.pallas import tpu_sc as plsc

_N = 10000
_E = 160000
_D = 256
_H = 128
_EP = 163840
_NCH = _EP // 128
_NS = 16
_EC = 128
_NCHS = _EP // _EC
_CPS = _NCHS // _NS
_TBL = 10112
_RPS = _TBL // _NS
_GARB = _N
_R = 1000


def _deg_sc(dst2d, zrows, ones128):
    mesh = plsc.VectorSubcoreMesh(core_axis_name="c", subcore_axis_name="s")

    @functools.partial(
        pl.kernel,
        out_type=jax.ShapeDtypeStruct((2 * _TBL, 128), jnp.float32),
        mesh=mesh,
        scratch_types=[
            pltpu.VMEM((_NCH // 32, 128), jnp.int32),
            pltpu.VMEM((128, 128), jnp.float32),
            pltpu.VMEM_SHARED((_TBL, 128), jnp.float32),
        ],
    )
    def k(dst_hbm, z_hbm, ones_hbm, deg_hbm, dst_v, ones_v, deg_sh):
        cid = lax.axis_index("c")
        sid = lax.axis_index("s")
        cps = _NCH // 32
        r0 = sid * _RPS
        pltpu.sync_copy(z_hbm, deg_sh.at[pl.ds(r0, _RPS)])
        pltpu.sync_copy(ones_hbm, ones_v)
        pltpu.sync_copy(dst_hbm.at[pl.ds(cid * (_NCH // 2) + sid * cps, cps)], dst_v)
        plsc.subcore_barrier()

        @pl.loop(0, cps)
        def _(j):
            pltpu.sync_copy(ones_v, deg_sh.at[dst_v.at[j]], add=True)

        plsc.subcore_barrier()
        pltpu.sync_copy(deg_sh.at[pl.ds(r0, _RPS)],
                        deg_hbm.at[pl.ds(cid * _TBL + r0, _RPS)])

    return k(dst2d, zrows, ones128)


def _scatter_sc(gcat, srcs2d, dst2d, zrows):
    mesh = plsc.VectorSubcoreMesh(core_axis_name="c", subcore_axis_name="s")

    nb = 2

    @functools.partial(
        pl.kernel,
        out_type=jax.ShapeDtypeStruct((2 * _TBL, _H), jnp.float32),
        mesh=mesh,
        scratch_types=(
            [pltpu.VMEM((_CPS, _EC), jnp.int32)]
            + [pltpu.VMEM((_EC,), jnp.int32)] * nb
            + [pltpu.VMEM((_EC, _H), jnp.float32)] * nb
            + [pltpu.SemaphoreType.DMA] * (3 * nb)
            + [pltpu.VMEM_SHARED((_TBL, _H), jnp.float32)]
        ),
    )
    def k(gcat_hbm, srcs_hbm, dst_hbm, z_hbm, u_hbm, src_v, *rest):
        didx = rest[:nb]
        rows = rest[nb:2 * nb]
        si = rest[2 * nb:3 * nb]
        sg = rest[3 * nb:4 * nb]
        ss = rest[4 * nb:5 * nb]
        u_sh = rest[5 * nb]
        cid = lax.axis_index("c")
        sid = lax.axis_index("s")
        r0 = sid * _RPS
        base = cid * _NCHS + sid * _CPS
        dbase = sid * _CPS
        pltpu.sync_copy(srcs_hbm.at[pl.ds(base, _CPS)], src_v)
        for b in range(nb):
            pltpu.async_copy(dst_hbm.at[dbase + b], didx[b], si[b])
        pltpu.sync_copy(z_hbm, u_sh.at[pl.ds(r0, _RPS)])
        plsc.subcore_barrier()

        for b in range(nb):
            pltpu.async_copy(gcat_hbm.at[src_v.at[b]], rows[b], sg[b])

        @pl.loop(0, _CPS, step=nb)
        def _(j):
            for b in range(nb):
                pltpu.make_async_copy(gcat_hbm.at[src_v.at[j + b]],
                                      rows[b], sg[b]).wait()
                pltpu.make_async_copy(dst_hbm.at[dbase + j + b],
                                      didx[b], si[b]).wait()
                pltpu.async_copy(rows[b], u_sh.at[didx[b]], ss[b], add=True)
            for b in range(nb):
                pltpu.make_async_copy(rows[b], u_sh.at[didx[b]], ss[b]).wait()

                @pl.when(j + nb + b < _CPS)
                def _():
                    pltpu.async_copy(gcat_hbm.at[src_v.at[j + nb + b]],
                                     rows[b], sg[b])
                    pltpu.async_copy(dst_hbm.at[dbase + j + nb + b],
                                     didx[b], si[b])

        plsc.subcore_barrier()
        pltpu.sync_copy(u_sh.at[pl.ds(r0, _RPS)],
                        u_hbm.at[pl.ds(cid * _TBL + r0, _RPS)])

    return k(gcat, srcs2d, dst2d, zrows)


def _dinv_of(d_ref):
    tot = d_ref[0, :, 0] + d_ref[1, :, 0] + 1.0
    return (1.0 / jnp.sqrt(tot))[:, None]


def _k0(x, W_in, b_in, W1, deg):

    def body(x_ref, wi_ref, bi_ref, w1_ref, d_ref, g_ref):
        dinv = _dinv_of(d_ref)
        t = jnp.maximum(
            jnp.dot(x_ref[...], wi_ref[...], preferred_element_type=jnp.float32)
            + bi_ref[...], 0.0)
        g = jnp.dot(t, w1_ref[...], preferred_element_type=jnp.float32) * dinv
        g_ref[0] = g[:, :_H]
        g_ref[1] = g[:, _H:]

    return pl.pallas_call(
        body,
        grid=(_N // _R,),
        in_specs=[
            pl.BlockSpec((_R, _D), lambda i: (i, 0)),
            pl.BlockSpec((_D, _D), lambda i: (0, 0)),
            pl.BlockSpec((1, _D), lambda i: (0, 0)),
            pl.BlockSpec((_D, _D), lambda i: (0, 0)),
            pl.BlockSpec((2, _R, 128), lambda i: (0, i, 0)),
        ],
        out_specs=[pl.BlockSpec((2, _R, _H), lambda i: (0, i, 0))],
        out_shape=[jax.ShapeDtypeStruct((2, _N, _H), jnp.float32)],
    )(x, W_in, b_in.reshape(1, _D), W1, deg)[0]


def _layer(u, g, deg, b, W_next):

    def body(u_ref, g_ref, d_ref, b_ref, wn_ref, h_ref, n_ref):
        dinv = _dinv_of(d_ref)
        left = (u_ref[0] + g_ref[0]) * dinv
        right = (u_ref[1] + g_ref[1]) * dinv
        h = jnp.maximum(jnp.concatenate([left, right], axis=1) + b_ref[...], 0.0)
        h_ref[...] = h
        gn = jnp.dot(h, wn_ref[...], preferred_element_type=jnp.float32) * dinv
        n_ref[0] = gn[:, :_H]
        n_ref[1] = gn[:, _H:]

    return pl.pallas_call(
        body,
        grid=(_N // _R,),
        in_specs=[
            pl.BlockSpec((2, _R, _H), lambda i: (0, i, 0)),
            pl.BlockSpec((2, _R, _H), lambda i: (0, i, 0)),
            pl.BlockSpec((2, _R, 128), lambda i: (0, i, 0)),
            pl.BlockSpec((1, _D), lambda i: (0, 0)),
            pl.BlockSpec((_D, _D), lambda i: (0, 0)),
        ],
        out_specs=[
            pl.BlockSpec((_R, _D), lambda i: (i, 0)),
            pl.BlockSpec((2, _R, _H), lambda i: (0, i, 0)),
        ],
        out_shape=[
            jax.ShapeDtypeStruct((_N, _D), jnp.float32),
            jax.ShapeDtypeStruct((2, _N, _H), jnp.float32),
        ],
    )(u, g, deg, b.reshape(1, _D), W_next)


def _layer_last(u, g, deg, b, W_cls, b_cls):

    def body(u_ref, g_ref, d_ref, b_ref, wc_ref, bc_ref, h_ref, y_ref):
        dinv = _dinv_of(d_ref)
        left = (u_ref[0] + g_ref[0]) * dinv
        right = (u_ref[1] + g_ref[1]) * dinv
        h = jnp.maximum(jnp.concatenate([left, right], axis=1) + b_ref[...], 0.0)
        h_ref[...] = h
        y_ref[...] = jnp.dot(h, wc_ref[...],
                             preferred_element_type=jnp.float32) + bc_ref[...]

    d_out = W_cls.shape[1]
    return pl.pallas_call(
        body,
        grid=(_N // _R,),
        in_specs=[
            pl.BlockSpec((2, _R, _H), lambda i: (0, i, 0)),
            pl.BlockSpec((2, _R, _H), lambda i: (0, i, 0)),
            pl.BlockSpec((2, _R, 128), lambda i: (0, i, 0)),
            pl.BlockSpec((1, _D), lambda i: (0, 0)),
            pl.BlockSpec((_D, d_out), lambda i: (0, 0)),
            pl.BlockSpec((1, d_out), lambda i: (0, 0)),
        ],
        out_specs=[
            pl.BlockSpec((_R, _D), lambda i: (i, 0)),
            pl.BlockSpec((_R, d_out), lambda i: (i, 0)),
        ],
        out_shape=[
            jax.ShapeDtypeStruct((_N, _D), jnp.float32),
            jax.ShapeDtypeStruct((_N, d_out), jnp.float32),
        ],
    )(u, g, deg, b.reshape(1, _D), W_cls, b_cls.reshape(1, d_out))


def kernel(x, edge_index, W_in, b_in, W1, b1, W2, b2, W3, b3, W4, b4, W_cls, b_cls):
    src = edge_index[0]
    dst = edge_index[1]
    pad = _EP - _E
    src_p = jnp.concatenate([src, jnp.zeros((pad,), jnp.int32)])
    dst_p = jnp.concatenate([dst, jnp.full((pad,), _GARB, jnp.int32)])
    src2d = src_p.reshape(_NCHS, _EC)
    srcs2d = jnp.concatenate([src2d, src2d + _N], axis=0)
    dst2d = dst_p.reshape(_NCHS, _EC)
    dstdeg = dst_p.reshape(_NCH, 128)
    zrows = jnp.zeros((_RPS, _H), jnp.float32)
    ones128 = jnp.ones((128, 128), jnp.float32)

    deg = _deg_sc(dstdeg, zrows, ones128).reshape(2, _TBL, 128)
    g = _k0(x, W_in, b_in, W1, deg)

    def sc(gx):
        return _scatter_sc(gx.reshape(2 * _N, _H), srcs2d, dst2d,
                           zrows).reshape(2, _TBL, _H)

    h1, g = _layer(sc(g), g, deg, b1, W2)
    h2, g = _layer(sc(g), g, deg, b2, W3)
    h3, g = _layer(sc(g), g, deg, b3, W4)
    h4, y = _layer_last(sc(g), g, deg, b4, W_cls, b_cls)
    return h1, h2, h3, h4, y

# --- scband reference (transcript-rebuilt; emitter-appended) ---
"""Pipeline reference for scband-base-dgn-26328149525204 (READ-ONLY COPY).

The authoritative reference and input builder live on the scoring server;
editing this copy changes nothing except your own understanding.
"""

import jax, jax.numpy as jnp
import numpy as np

N = 10000
E = 160000
D_IN = 256
D_H = 256
D_OUT = 40
N_LAYERS = 4


def setup_inputs(seed: int = 0) -> dict:
    key = jax.random.key(seed)
    ks = jax.random.split(key, 2 + 2 + 2 * N_LAYERS + 2)
    inp = {}
    inp['x'] = jax.random.normal(ks[0], (N, D_IN), dtype=jnp.float32)
    inp['edge_index'] = jax.random.randint(ks[1], (2, E), 0, N, dtype=jnp.int32)
    # input linear
    inp['W_in'] = jax.random.normal(ks[2], (D_IN, D_H), dtype=jnp.float32) * (1.0 / np.sqrt(D_IN))
    inp['b_in'] = jnp.zeros((D_H,), dtype=jnp.float32)
    # GCN conv layers
    for i in range(N_LAYERS):
        inp[f'W{i+1}'] = jax.random.normal(ks[4 + 2 * i], (D_H, D_H), dtype=jnp.float32) * (1.0 / np.sqrt(D_H))
        inp[f'b{i+1}'] = jnp.zeros((D_H,), dtype=jnp.float32)
    # final classifier
    inp['W_cls'] = jax.random.normal(ks[4 + 2 * N_LAYERS], (D_H, D_OUT), dtype=jnp.float32) * (1.0 / np.sqrt(D_H))
    inp['b_cls'] = jnp.zeros((D_OUT,), dtype=jnp.float32)
    return inp


def _gcn_conv(h_in, W, b, src, dst, n):
    # GCNConv with added self-loops and symmetric degree normalization
    loop = jnp.arange(n, dtype=src.dtype)
    src2 = jnp.concatenate([src, loop])
    dst2 = jnp.concatenate([dst, loop])
    deg = jax.ops.segment_sum(jnp.ones_like(dst2, dtype=jnp.float32), dst2, num_segments=n)
    dinv = jnp.where(deg > 0, 1.0 / jnp.sqrt(deg), 0.0)
    h = h_in @ W
    norm = dinv[src2] * dinv[dst2]
    msg = jnp.take(h, src2, axis=0) * norm[:, None]
    out = jax.ops.segment_sum(msg, dst2, num_segments=n)
    return out + b


def reference(x, edge_index, W_in, b_in, W1, b1, W2, b2, W3, b3, W4, b4, W_cls, b_cls):
    # eval mode: dropout is identity
    src = edge_index[0]
    dst = edge_index[1]
    t = jax.nn.relu(x @ W_in + b_in)
    h_list = []
    layer_input = t
    params = [(W1, b1), (W2, b2), (W3, b3), (W4, b4)]
    for (W, b) in params:
        h = _gcn_conv(layer_input, W, b, src, dst, N)
        h = jax.nn.relu(h)
        h_list.append(h)
        layer_input = h
    y_pred = h_list[-1] @ W_cls + b_cls
    return (*h_list, y_pred)

if __name__ == "__main__":
    import jax
    _d = setup_inputs()
    print(jax.jit(kernel)(*tuple(_d.values())))

</pallas_src>

<mosaic_0001>
#map = affine_map<(d0, d1) -> (0, 0)>
module attributes {stable_mosaic.version = 14 : i64} {
  func.func @k(%arg0: i32, %arg1: i32, %arg2: memref<1280x128xi32, #tpu.memory_space<hbm>>, %arg3: memref<632x128xf32, #tpu.memory_space<hbm>>, %arg4: memref<128x128xf32, #tpu.memory_space<hbm>>, %arg5: memref<20224x128xf32, #tpu.memory_space<hbm>>, %arg6: memref<40x128xi32, #tpu.memory_space<vmem>>, %arg7: memref<128x128xf32, #tpu.memory_space<vmem>>, %arg8: memref<10112x128xf32, #tpu.memory_space<vmem_shared>>) attributes {dimension_semantics = [#tpu.dimension_semantics<core_parallel>, #tpu.dimension_semantics<subcore_parallel>], iteration_bounds = array<i64: 2, 16>, scalar_prefetch = 0 : i64, scratch_operands = 3 : i64, tpu.core_type = #tpu.core_type<sc_vector_subcore>, window_params = [{transform_indices = #map}, {transform_indices = #map}, {transform_indices = #map}, {transform_indices = #map}]} {
    %mul3A = arith.constant 632 : i32
    %mul3A_0 = arith.muli %arg1, %mul3A : i32
    "tpu.region"() ({
      %run_scoped3A = tpu.sem_alloc : memref<!tpu.dma_semaphore, #tpu.memory_space<semaphore_mem>>
      %dma_start3A = arith.constant 0 : i32
      %dma_start3A_13 = tpu.memref_slice %arg8[%mul3A_0, %dma_start3A] : memref<10112x128xf32, #tpu.memory_space<vmem_shared>> -> memref<632x128xf32, #tpu.memory_space<vmem_shared>>
      tpu.enqueue_dma source(%arg3 : memref<632x128xf32, #tpu.memory_space<hbm>>) target(%dma_start3A_13 : memref<632x128xf32, #tpu.memory_space<vmem_shared>>) target_semaphore(%run_scoped3A : memref<!tpu.dma_semaphore, #tpu.memory_space<semaphore_mem>>)
      %dma_wait3A = arith.constant 0 : i32
      %dma_wait3A_14 = tpu.memref_slice %arg8[%mul3A_0, %dma_wait3A] : memref<10112x128xf32, #tpu.memory_space<vmem_shared>> -> memref<632x128xf32, #tpu.memory_space<vmem_shared>>
      tpu.wait_dma2 semaphore(%run_scoped3A : memref<!tpu.dma_semaphore, #tpu.memory_space<semaphore_mem>>) src(%arg3 : memref<632x128xf32, #tpu.memory_space<hbm>>) dst(%dma_wait3A_14 : memref<632x128xf32, #tpu.memory_space<vmem_shared>>)
      tpu.yield
    }) : () -> ()
    "tpu.region"() ({
      %run_scoped3A = tpu.sem_alloc : memref<!tpu.dma_semaphore, #tpu.memory_space<semaphore_mem>>
      tpu.enqueue_dma source(%arg4 : memref<128x128xf32, #tpu.memory_space<hbm>>) target(%arg7 : memref<128x128xf32, #tpu.memory_space<vmem>>) target_semaphore(%run_scoped3A : memref<!tpu.dma_semaphore, #tpu.memory_space<semaphore_mem>>)
      tpu.wait_dma2 semaphore(%run_scoped3A : memref<!tpu.dma_semaphore, #tpu.memory_space<semaphore_mem>>) src(%arg4 : memref<128x128xf32, #tpu.memory_space<hbm>>) dst(%arg7 : memref<128x128xf32, #tpu.memory_space<vmem>>)
      tpu.yield
    }) : () -> ()
    %mul3A_1 = arith.constant 640 : i32
    %mul3A_2 = arith.muli %arg0, %mul3A_1 : i32
    %mul3A_3 = arith.constant 40 : i32
    %mul3A_4 = arith.muli %arg1, %mul3A_3 : i32
    %add3A = arith.addi %mul3A_2, %mul3A_4 : i32
    "tpu.region"() ({
      %run_scoped3A = tpu.sem_alloc : memref<!tpu.dma_semaphore, #tpu.memory_space<semaphore_mem>>
      %dma_start3A = arith.constant 0 : i32
      %dma_start3A_13 = tpu.memref_slice %arg2[%add3A, %dma_start3A] : memref<1280x128xi32, #tpu.memory_space<hbm>> -> memref<40x128xi32, #tpu.memory_space<hbm>>
      %dma_start3A_14 = arith.constant 0 : i32
      %dma_start3A_15 = tpu.memref_slice %arg2[%add3A, %dma_start3A_14] : memref<1280x128xi32, #tpu.memory_space<hbm>> -> memref<40x128xi32, #tpu.memory_space<hbm>>
      tpu.enqueue_dma source(%dma_start3A_15 : memref<40x128xi32, #tpu.memory_space<hbm>>) target(%arg6 : memref<40x128xi32, #tpu.memory_space<vmem>>) target_semaphore(%run_scoped3A : memref<!tpu.dma_semaphore, #tpu.memory_space<semaphore_mem>>)
      %dma_wait3A = arith.constant 0 : i32
      %dma_wait3A_16 = tpu.memref_slice %arg2[%add3A, %dma_wait3A] : memref<1280x128xi32, #tpu.memory_space<hbm>> -> memref<40x128xi32, #tpu.memory_space<hbm>>
      %dma_wait3A_17 = arith.constant 0 : i32
      %dma_wait3A_18 = tpu.memref_slice %arg2[%add3A, %dma_wait3A_17] : memref<1280x128xi32, #tpu.memory_space<hbm>> -> memref<40x128xi32, #tpu.memory_space<hbm>>
      tpu.wait_dma2 semaphore(%run_scoped3A : memref<!tpu.dma_semaphore, #tpu.memory_space<semaphore_mem>>) src(%dma_wait3A_18 : memref<40x128xi32, #tpu.memory_space<hbm>>) dst(%arg6 : memref<40x128xi32, #tpu.memory_space<vmem>>)
      tpu.yield
    }) : () -> ()
    %barrier3A = arith.constant 0 : index
    tpu.barrier barrier_id(%barrier3A)
    %scan3A = arith.constant 0 : i32
    %scan3A_5 = arith.constant 40 : i32
    %scan3A_6 = arith.addi %scan3A, %scan3A_5 : i32
    %scan3A_7 = arith.constant 1 : i32
    scf.for %scan3A_13 = %scan3A to %scan3A_6 step %scan3A_7  : i32 {
      %mul3A_14 = arith.constant 1 : i32
      %mul3A_15 = arith.muli %scan3A_13, %mul3A_14 : i32
      %add3A_16 = arith.constant 0 : i32
      %add3A_17 = arith.addi %add3A_16, %mul3A_15 : i32
      "tpu.region"() ({
        %run_scoped3A = tpu.sem_alloc : memref<!tpu.dma_semaphore, #tpu.memory_space<semaphore_mem>>
        %dma_start3A = arith.constant 0 : i32
        %dma_start3A_18 = tpu.memref_slice %arg6[%add3A_17, %dma_start3A] : memref<40x128xi32, #tpu.memory_space<vmem>> -> memref<1x128xi32, #tpu.memory_space<vmem>>
        %dma_start3A_19 = tpu.memref_squeeze %dma_start3A_18 : memref<1x128xi32, #tpu.memory_space<vmem>> -> memref<128xi32, #tpu.memory_space<vmem>>
        %dma_start3A_20 = arith.constant 0 : i32
        %dma_start3A_21 = arith.constant 0 : i32
        %dma_start3A_22 = tpu.memref_slice %arg8[%dma_start3A_20, %dma_start3A_21] : memref<10112x128xf32, #tpu.memory_space<vmem_shared>> -> memref<10112x128xf32, #tpu.memory_space<vmem_shared>>
        tpu.enqueue_indirect_dma source(%arg7 : memref<128x128xf32, #tpu.memory_space<vmem>>) target(%dma_start3A_22 : memref<10112x128xf32, #tpu.memory_space<vmem_shared>>) offsets(%dma_start3A_19 : memref<128xi32, #tpu.memory_space<vmem>>) semaphore(%run_scoped3A : memref<!tpu.dma_semaphore, #tpu.memory_space<semaphore_mem>>) {add = true}
        %dma_wait3A = arith.constant 0 : i32
        %dma_wait3A_23 = tpu.memref_slice %arg6[%add3A_17, %dma_wait3A] : memref<40x128xi32, #tpu.memory_space<vmem>> -> memref<1x128xi32, #tpu.memory_space<vmem>>
        %dma_wait3A_24 = tpu.memref_squeeze %dma_wait3A_23 : memref<1x128xi32, #tpu.memory_space<vmem>> -> memref<128xi32, #tpu.memory_space<vmem>>
        %dma_wait3A_25 = arith.constant 0 : i32
        %dma_wait3A_26 = arith.constant 0 : i32
        %dma_wait3A_27 = tpu.memref_slice %arg8[%dma_wait3A_25, %dma_wait3A_26] : memref<10112x128xf32, #tpu.memory_space<vmem_shared>> -> memref<10112x128xf32, #tpu.memory_space<vmem_shared>>
        tpu.wait_indirect_dma semaphore(%run_scoped3A : memref<!tpu.dma_semaphore, #tpu.memory_space<semaphore_mem>>) src(%arg7 : memref<128x128xf32, #tpu.memory_space<vmem>>) dst(%dma_wait3A_27 : memref<10112x128xf32, #tpu.memory_space<vmem_shared>>)
        tpu.yield
      }) : () -> ()
    }
    %scan3A_8 = arith.constant 40 : i32
    %barrier3A_9 = arith.constant 0 : index
    tpu.barrier barrier_id(%barrier3A_9)
    %mul3A_10 = arith.constant 10112 : i32
    %mul3A_11 = arith.muli %arg0, %mul3A_10 : i32
    %add3A_12 = arith.addi %mul3A_11, %mul3A_0 : i32
    "tpu.region"() ({
      %run_scoped3A = tpu.sem_alloc : memref<!tpu.dma_semaphore, #tpu.memory_space<semaphore_mem>>
      %dma_start3A = arith.constant 0 : i32
      %dma_start3A_13 = tpu.memref_slice %arg5[%add3A_12, %dma_start3A] : memref<20224x128xf32, #tpu.memory_space<hbm>> -> memref<632x128xf32, #tpu.memory_space<hbm>>
      %dma_start3A_14 = arith.constant 0 : i32
      %dma_start3A_15 = tpu.memref_slice %arg8[%mul3A_0, %dma_start3A_14] : memref<10112x128xf32, #tpu.memory_space<vmem_shared>> -> memref<632x128xf32, #tpu.memory_space<vmem_shared>>
      tpu.enqueue_dma source(%dma_start3A_15 : memref<632x128xf32, #tpu.memory_space<vmem_shared>>) target(%dma_start3A_13 : memref<632x128xf32, #tpu.memory_space<hbm>>) target_semaphore(%run_scoped3A : memref<!tpu.dma_semaphore, #tpu.memory_space<semaphore_mem>>)
      %dma_wait3A = arith.constant 0 : i32
      %dma_wait3A_16 = tpu.memref_slice %arg5[%add3A_12, %dma_wait3A] : memref<20224x128xf32, #tpu.memory_space<hbm>> -> memref<632x128xf32, #tpu.memory_space<hbm>>
      %dma_wait3A_17 = arith.constant 0 : i32
      %dma_wait3A_18 = tpu.memref_slice %arg8[%mul3A_0, %dma_wait3A_17] : memref<10112x128xf32, #tpu.memory_space<vmem_shared>> -> memref<632x128xf32, #tpu.memory_space<vmem_shared>>
      tpu.wait_dma2 semaphore(%run_scoped3A : memref<!tpu.dma_semaphore, #tpu.memory_space<semaphore_mem>>) src(%dma_wait3A_18 : memref<632x128xf32, #tpu.memory_space<vmem_shared>>) dst(%dma_wait3A_16 : memref<632x128xf32, #tpu.memory_space<hbm>>)
      tpu.yield
    }) : () -> ()
    return
  }
}

#map = affine_map<(d0, d1) -> (0, 0)>
module attributes {stable_mosaic.version = 14 : i64} {
  func.func @k(%arg0: i32, %arg1: i32, %arg2: memref<20000x128xf32, #tpu.memory_space<hbm>>, %arg3: memref<2560x128xi32, #tpu.memory_space<hbm>>, %arg4: memref<1280x128xi32, #tpu.memory_space<hbm>>, %arg5: memref<632x128xf32, #tpu.memory_space<hbm>>, %arg6: memref<20224x128xf32, #tpu.memory_space<hbm>>, %arg7: memref<80x128xi32, #tpu.memory_space<vmem>>, %arg8: memref<128xi32, #tpu.memory_space<vmem>>, %arg9: memref<128xi32, #tpu.memory_space<vmem>>, %arg10: memref<128x128xf32, #tpu.memory_space<vmem>>, %arg11: memref<128x128xf32, #tpu.memory_space<vmem>>, %arg12: memref<!tpu.dma_semaphore, #tpu.memory_space<semaphore_mem>>, %arg13: memref<!tpu.dma_semaphore, #tpu.memory_space<semaphore_mem>>, %arg14: memref<!tpu.dma_semaphore, #tpu.memory_space<semaphore_mem>>, %arg15: memref<!tpu.dma_semaphore, #tpu.memory_space<semaphore_mem>>, %arg16: memref<!tpu.dma_semaphore, #tpu.memory_space<semaphore_mem>>, %arg17: memref<!tpu.dma_semaphore, #tpu.memory_space<semaphore_mem>>, %arg18: memref<10112x128xf32, #tpu.memory_space<vmem_shared>>) attributes {dimension_semantics = [#tpu.dimension_semantics<core_parallel>, #tpu.dimension_semantics<subcore_parallel>], iteration_bounds = array<i64: 2, 16>, scalar_prefetch = 0 : i64, scratch_operands = 12 : i64, tpu.core_type = #tpu.core_type<sc_vector_subcore>, window_params = [{transform_indices = #map}, {transform_indices = #map}, {transform_indices = #map}, {transform_indices = #map}, {transform_indices = #map}]} {
    %mul3A = arith.constant 632 : i32
    %mul3A_0 = arith.muli %arg1, %mul3A : i32
    %mul3A_1 = arith.constant 1280 : i32
    %mul3A_2 = arith.muli %arg0, %mul3A_1 : i32
    %mul3A_3 = arith.constant 80 : i32
    %mul3A_4 = arith.muli %arg1, %mul3A_3 : i32
    %add3A = arith.addi %mul3A_2, %mul3A_4 : i32
    %mul3A_5 = arith.constant 80 : i32
    %mul3A_6 = arith.muli %arg1, %mul3A_5 : i32
    "tpu.region"() ({
      %run_scoped3A = tpu.sem_alloc : memref<!tpu.dma_semaphore, #tpu.memory_space<semaphore_mem>>
      %dma_start3A_44 = arith.constant 0 : i32
      %dma_start3A_45 = tpu.memref_slice %arg3[%add3A, %dma_start3A_44] : memref<2560x128xi32, #tpu.memory_space<hbm>> -> memref<80x128xi32, #tpu.memory_space<hbm>>
      %dma_start3A_46 = arith.constant 0 : i32
      %dma_start3A_47 = tpu.memref_slice %arg3[%add3A, %dma_start3A_46] : memref<2560x128xi32, #tpu.memory_space<hbm>> -> memref<80x128xi32, #tpu.memory_space<hbm>>
      tpu.enqueue_dma source(%dma_start3A_47 : memref<80x128xi32, #tpu.memory_space<hbm>>) target(%arg7 : memref<80x128xi32, #tpu.memory_space<vmem>>) target_semaphore(%run_scoped3A : memref<!tpu.dma_semaphore, #tpu.memory_space<semaphore_mem>>)
      %dma_wait3A = arith.constant 0 : i32
      %dma_wait3A_48 = tpu.memref_slice %arg3[%add3A, %dma_wait3A] : memref<2560x128xi32, #tpu.memory_space<hbm>> -> memref<80x128xi32, #tpu.memory_space<hbm>>
      %dma_wait3A_49 = arith.constant 0 : i32
      %dma_wait3A_50 = tpu.memref_slice %arg3[%add3A, %dma_wait3A_49] : memref<2560x128xi32, #tpu.memory_space<hbm>> -> memref<80x128xi32, #tpu.memory_space<hbm>>
      tpu.wait_dma2 semaphore(%run_scoped3A : memref<!tpu.dma_semaphore, #tpu.memory_space<semaphore_mem>>) src(%dma_wait3A_50 : memref<80x128xi32, #tpu.memory_space<hbm>>) dst(%arg7 : memref<80x128xi32, #tpu.memory_space<vmem>>)
      tpu.yield
    }) : () -> ()
    %add3A_7 = arith.constant 0 : i32
    %add3A_8 = arith.addi %mul3A_6, %add3A_7 : i32
    %dma_start3A = arith.constant 0 : i32
    %dma_start3A_9 = tpu.memref_slice %arg4[%add3A_8, %dma_start3A] : memref<1280x128xi32, #tpu.memory_space<hbm>> -> memref<1x128xi32, #tpu.memory_space<hbm>>
    %dma_start3A_10 = tpu.memref_squeeze %dma_start3A_9 : memref<1x128xi32, #tpu.memory_space<hbm>> -> memref<128xi32, #tpu.memory_space<hbm>>
    %dma_start3A_11 = arith.constant 0 : i32
    %dma_start3A_12 = tpu.memref_slice %arg4[%add3A_8, %dma_start3A_11] : memref<1280x128xi32, #tpu.memory_space<hbm>> -> memref<1x128xi32, #tpu.memory_space<hbm>>
    %dma_start3A_13 = tpu.memref_squeeze %dma_start3A_12 : memref<1x128xi32, #tpu.memory_space<hbm>> -> memref<128xi32, #tpu.memory_space<hbm>>
    tpu.enqueue_dma source(%dma_start3A_13 : memref<128xi32, #tpu.memory_space<hbm>>) target(%arg8 : memref<128xi32, #tpu.memory_space<vmem>>) target_semaphore(%arg12 : memref<!tpu.dma_semaphore, #tpu.memory_space<semaphore_mem>>)
    %add3A_14 = arith.constant 1 : i32
    %add3A_15 = arith.addi %mul3A_6, %add3A_14 : i32
    %dma_start3A_16 = arith.constant 0 : i32
    %dma_start3A_17 = tpu.memref_slice %arg4[%add3A_15, %dma_start3A_16] : memref<1280x128xi32, #tpu.memory_space<hbm>> -> memref<1x128xi32, #tpu.memory_space<hbm>>
    %dma_start3A_18 = tpu.memref_squeeze %dma_start3A_17 : memref<1x128xi32, #tpu.memory_space<hbm>> -> memref<128xi32, #tpu.memory_space<hbm>>
    %dma_start3A_19 = arith.constant 0 : i32
    %dma_start3A_20 = tpu.memref_slice %arg4[%add3A_15, %dma_start3A_19] : memref<1280x128xi32, #tpu.memory_space<hbm>> -> memref<1x128xi32, #tpu.memory_space<hbm>>
    %dma_start3A_21 = tpu.memref_squeeze %dma_start3A_20 : memref<1x128xi32, #tpu.memory_space<hbm>> -> memref<128xi32, #tpu.memory_space<hbm>>
    tpu.enqueue_dma source(%dma_start3A_21 : memref<128xi32, #tpu.memory_space<hbm>>) target(%arg9 : memref<128xi32, #tpu.memory_space<vmem>>) target_semaphore(%arg13 : memref<!tpu.dma_semaphore, #tpu.memory_space<semaphore_mem>>)
    "tpu.region"() ({
      %run_scoped3A = tpu.sem_alloc : memref<!tpu.dma_semaphore, #tpu.memory_space<semaphore_mem>>
      %dma_start3A_44 = arith.constant 0 : i32
      %dma_start3A_45 = tpu.memref_slice %arg18[%mul3A_0, %dma_start3A_44] : memref<10112x128xf32, #tpu.memory_space<vmem_shared>> -> memref<632x128xf32, #tpu.memory_space<vmem_shared>>
      tpu.enqueue_dma source(%arg5 : memref<632x128xf32, #tpu.memory_space<hbm>>) target(%dma_start3A_45 : memref<632x128xf32, #tpu.memory_space<vmem_shared>>) target_semaphore(%run_scoped3A : memref<!tpu.dma_semaphore, #tpu.memory_space<semaphore_mem>>)
      %dma_wait3A = arith.constant 0 : i32
      %dma_wait3A_46 = tpu.memref_slice %arg18[%mul3A_0, %dma_wait3A] : memref<10112x128xf32, #tpu.memory_space<vmem_shared>> -> memref<632x128xf32, #tpu.memory_space<vmem_shared>>
      tpu.wait_dma2 semaphore(%run_scoped3A : memref<!tpu.dma_semaphore, #tpu.memory_space<semaphore_mem>>) src(%arg5 : memref<632x128xf32, #tpu.memory_space<hbm>>) dst(%dma_wait3A_46 : memref<632x128xf32, #tpu.memory_space<vmem_shared>>)
      tpu.yield
    }) : () -> ()
    %barrier3A = arith.constant 0 : index
    tpu.barrier barrier_id(%barrier3A)
    %dma_start3A_22 = arith.constant 0 : i32
    %dma_start3A_23 = arith.constant 0 : i32
    %dma_start3A_24 = tpu.memref_slice %arg7[%dma_start3A_22, %dma_start3A_23] : memref<80x128xi32, #tpu.memory_space<vmem>> -> memref<1x128xi32, #tpu.memory_space<vmem>>
    %dma_start3A_25 = tpu.memref_squeeze %dma_start3A_24 : memref<1x128xi32, #tpu.memory_space<vmem>> -> memref<128xi32, #tpu.memory_space<vmem>>
    %dma_start3A_26 = arith.constant 0 : i32
    %dma_start3A_27 = arith.constant 0 : i32
    %dma_start3A_28 = tpu.memref_slice %arg2[%dma_start3A_26, %dma_start3A_27] : memref<20000x128xf32, #tpu.memory_space<hbm>> -> memref<20000x128xf32, #tpu.memory_space<hbm>>
    tpu.enqueue_indirect_dma source(%dma_start3A_28 : memref<20000x128xf32, #tpu.memory_space<hbm>>) target(%arg10 : memref<128x128xf32, #tpu.memory_space<vmem>>) offsets(%dma_start3A_25 : memref<128xi32, #tpu.memory_space<vmem>>) semaphore(%arg14 : memref<!tpu.dma_semaphore, #tpu.memory_space<semaphore_mem>>)
    %dma_start3A_29 = arith.constant 1 : i32
    %dma_start3A_30 = arith.constant 0 : i32
    %dma_start3A_31 = tpu.memref_slice %arg7[%dma_start3A_29, %dma_start3A_30] : memref<80x128xi32, #tpu.memory_space<vmem>> -> memref<1x128xi32, #tpu.memory_space<vmem>>
    %dma_start3A_32 = tpu.memref_squeeze %dma_start3A_31 : memref<1x128xi32, #tpu.memory_space<vmem>> -> memref<128xi32, #tpu.memory_space<vmem>>
    %dma_start3A_33 = arith.constant 0 : i32
    %dma_start3A_34 = arith.constant 0 : i32
    %dma_start3A_35 = tpu.memref_slice %arg2[%dma_start3A_33, %dma_start3A_34] : memref<20000x128xf32, #tpu.memory_space<hbm>> -> memref<20000x128xf32, #tpu.memory_space<hbm>>
    tpu.enqueue_indirect_dma source(%dma_start3A_35 : memref<20000x128xf32, #tpu.memory_space<hbm>>) target(%arg11 : memref<128x128xf32, #tpu.memory_space<vmem>>) offsets(%dma_start3A_32 : memref<128xi32, #tpu.memory_space<vmem>>) semaphore(%arg15 : memref<!tpu.dma_semaphore, #tpu.memory_space<semaphore_mem>>)
    %scan3A = arith.constant 0 : i32
    %scan3A_36 = arith.constant 40 : i32
    %scan3A_37 = arith.addi %scan3A, %scan3A_36 : i32
    %scan3A_38 = arith.constant 1 : i32
    scf.for %scan3A_44 = %scan3A to %scan3A_37 step %scan3A_38  : i32 {
      %mul3A_45 = arith.constant 2 : i32
      %mul3A_46 = arith.muli %scan3A_44, %mul3A_45 : i32
      %add3A_47 = arith.constant 0 : i32
      %add3A_48 = arith.addi %add3A_47, %mul3A_46 : i32
      %add3A_49 = arith.constant 0 : i32
      %add3A_50 = arith.addi %add3A_48, %add3A_49 : i32
      %dma_wait3A = arith.constant 0 : i32
      %dma_wait3A_51 = tpu.memref_slice %arg7[%add3A_50, %dma_wait3A] : memref<80x128xi32, #tpu.memory_space<vmem>> -> memref<1x128xi32, #tpu.memory_space<vmem>>
      %dma_wait3A_52 = tpu.memref_squeeze %dma_wait3A_51 : memref<1x128xi32, #tpu.memory_space<vmem>> -> memref<128xi32, #tpu.memory_space<vmem>>
      %dma_wait3A_53 = arith.constant 0 : i32
      %dma_wait3A_54 = arith.constant 0 : i32
      %dma_wait3A_55 = tpu.memref_slice %arg2[%dma_wait3A_53, %dma_wait3A_54] : memref<20000x128xf32, #tpu.memory_space<hbm>> -> memref<20000x128xf32, #tpu.memory_space<hbm>>
      tpu.wait_indirect_dma semaphore(%arg14 : memref<!tpu.dma_semaphore, #tpu.memory_space<semaphore_mem>>) src(%dma_wait3A_55 : memref<20000x128xf32, #tpu.memory_space<hbm>>) dst(%arg10 : memref<128x128xf32, #tpu.memory_space<vmem>>)
      %add3A_56 = arith.addi %mul3A_6, %add3A_48 : i32
      %add3A_57 = arith.constant 0 : i32
      %add3A_58 = arith.addi %add3A_56, %add3A_57 : i32
      %dma_wait3A_59 = arith.constant 0 : i32
      %dma_wait3A_60 = tpu.memref_slice %arg4[%add3A_58, %dma_wait3A_59] : memref<1280x128xi32, #tpu.memory_space<hbm>> -> memref<1x128xi32, #tpu.memory_space<hbm>>
      %dma_wait3A_61 = tpu.memref_squeeze %dma_wait3A_60 : memref<1x128xi32, #tpu.memory_space<hbm>> -> memref<128xi32, #tpu.memory_space<hbm>>
      %dma_wait3A_62 = arith.constant 0 : i32
      %dma_wait3A_63 = tpu.memref_slice %arg4[%add3A_58, %dma_wait3A_62] : memref<1280x128xi32, #tpu.memory_space<hbm>> -> memref<1x128xi32, #tpu.memory_space<hbm>>
      %dma_wait3A_64 = tpu.memref_squeeze %dma_wait3A_63 : memref<1x128xi32, #tpu.memory_space<hbm>> -> memref<128xi32, #tpu.memory_space<hbm>>
      tpu.wait_dma2 semaphore(%arg12 : memref<!tpu.dma_semaphore, #tpu.memory_space<semaphore_mem>>) src(%dma_wait3A_64 : memref<128xi32, #tpu.memory_space<hbm>>) dst(%arg8 : memref<128xi32, #tpu.memory_space<vmem>>)
      %dma_start3A_65 = arith.constant 0 : i32
      %dma_start3A_66 = arith.constant 0 : i32
      %dma_start3A_67 = tpu.memref_slice %arg18[%dma_start3A_65, %dma_start3A_66] : memref<10112x128xf32, #tpu.memory_space<vmem_shared>> -> memref<10112x128xf32, #tpu.memory_space<vmem_shared>>
      tpu.enqueue_indirect_dma source(%arg10 : memref<128x128xf32, #tpu.memory_space<vmem>>) target(%dma_start3A_67 : memref<10112x128xf32, #tpu.memory_space<vmem_shared>>) offsets(%arg8 : memref<128xi32, #tpu.memory_space<vmem>>) semaphore(%arg16 : memref<!tpu.dma_semaphore, #tpu.memory_space<semaphore_mem>>) {add = true}
      %add3A_68 = arith.constant 1 : i32
      %add3A_69 = arith.addi %add3A_48, %add3A_68 : i32
      %dma_wait3A_70 = arith.constant 0 : i32
      %dma_wait3A_71 = tpu.memref_slice %arg7[%add3A_69, %dma_wait3A_70] : memref<80x128xi32, #tpu.memory_space<vmem>> -> memref<1x128xi32, #tpu.memory_space<vmem>>
      %dma_wait3A_72 = tpu.memref_squeeze %dma_wait3A_71 : memref<1x128xi32, #tpu.memory_space<vmem>> -> memref<128xi32, #tpu.memory_space<vmem>>
      %dma_wait3A_73 = arith.constant 0 : i32
      %dma_wait3A_74 = arith.constant 0 : i32
      %dma_wait3A_75 = tpu.memref_slice %arg2[%dma_wait3A_73, %dma_wait3A_74] : memref<20000x128xf32, #tpu.memory_space<hbm>> -> memref<20000x128xf32, #tpu.memory_space<hbm>>
      tpu.wait_indirect_dma semaphore(%arg15 : memref<!tpu.dma_semaphore, #tpu.memory_space<semaphore_mem>>) src(%dma_wait3A_75 : memref<20000x128xf32, #tpu.memory_space<hbm>>) dst(%arg11 : memref<128x128xf32, #tpu.memory_space<vmem>>)
      %add3A_76 = arith.addi %mul3A_6, %add3A_48 : i32
      %add3A_77 = arith.constant 1 : i32
      %add3A_78 = arith.addi %add3A_76, %add3A_77 : i32
      %dma_wait3A_79 = arith.constant 0 : i32
      %dma_wait3A_80 = tpu.memref_slice %arg4[%add3A_78, %dma_wait3A_79] : memref<1280x128xi32, #tpu.memory_space<hbm>> -> memref<1x128xi32, #tpu.memory_space<hbm>>
      %dma_wait3A_81 = tpu.memref_squeeze %dma_wait3A_80 : memref<1x128xi32, #tpu.memory_space<hbm>> -> memref<128xi32, #tpu.memory_space<hbm>>
      %dma_wait3A_82 = arith.constant 0 : i32
      %dma_wait3A_83 = tpu.memref_slice %arg4[%add3A_78, %dma_wait3A_82] : memref<1280x128xi32, #tpu.memory_space<hbm>> -> memref<1x128xi32, #tpu.memory_space<hbm>>
      %dma_wait3A_84 = tpu.memref_squeeze %dma_wait3A_83 : memref<1x128xi32, #tpu.memory_space<hbm>> -> memref<128xi32, #tpu.memory_space<hbm>>
      tpu.wait_dma2 semaphore(%arg13 : memref<!tpu.dma_semaphore, #tpu.memory_space<semaphore_mem>>) src(%dma_wait3A_84 : memref<128xi32, #tpu.memory_space<hbm>>) dst(%arg9 : memref<128xi32, #tpu.memory_space<vmem>>)
      %dma_start3A_85 = arith.constant 0 : i32
      %dma_start3A_86 = arith.constant 0 : i32
      %dma_start3A_87 = tpu.memref_slice %arg18[%dma_start3A_85, %dma_start3A_86] : memref<10112x128xf32, #tpu.memory_space<vmem_shared>> -> memref<10112x128xf32, #tpu.memory_space<vmem_shared>>
      tpu.enqueue_indirect_dma source(%arg11 : memref<128x128xf32, #tpu.memory_space<vmem>>) target(%dma_start3A_87 : memref<10112x128xf32, #tpu.memory_space<vmem_shared>>) offsets(%arg9 : memref<128xi32, #tpu.memory_space<vmem>>) semaphore(%arg17 : memref<!tpu.dma_semaphore, #tpu.memory_space<semaphore_mem>>) {add = true}
      %dma_wait3A_88 = arith.constant 0 : i32
      %dma_wait3A_89 = arith.constant 0 : i32
      %dma_wait3A_90 = tpu.memref_slice %arg18[%dma_wait3A_88, %dma_wait3A_89] : memref<10112x128xf32, #tpu.memory_space<vmem_shared>> -> memref<10112x128xf32, #tpu.memory_space<vmem_shared>>
      tpu.wait_indirect_dma semaphore(%arg16 : memref<!tpu.dma_semaphore, #tpu.memory_space<semaphore_mem>>) src(%arg10 : memref<128x128xf32, #tpu.memory_space<vmem>>) dst(%dma_wait3A_90 : memref<10112x128xf32, #tpu.memory_space<vmem_shared>>)
      %add3A_91 = arith.constant 2 : i32
      %add3A_92 = arith.addi %add3A_48, %add3A_91 : i32
      %add3A_93 = arith.constant 0 : i32
      %add3A_94 = arith.addi %add3A_92, %add3A_93 : i32
      %lt3A = arith.constant 80 : i32
      %lt3A_95 = arith.cmpi slt, %add3A_94, %lt3A : i32
      %convert_element_type3A = arith.extui %lt3A_95 : i1 to i32
      %cond3A = arith.constant 0 : i32
      %cond3A_96 = arith.cmpi ne, %convert_element_type3A, %cond3A : i32
      scf.if %cond3A_96 {
        %add3A_109 = arith.constant 2 : i32
        %add3A_110 = arith.addi %add3A_48, %add3A_109 : i32
        %add3A_111 = arith.constant 0 : i32
        %add3A_112 = arith.addi %add3A_110, %add3A_111 : i32
        %dma_start3A_113 = arith.constant 0 : i32
        %dma_start3A_114 = tpu.memref_slice %arg7[%add3A_112, %dma_start3A_113] : memref<80x128xi32, #tpu.memory_space<vmem>> -> memref<1x128xi32, #tpu.memory_space<vmem>>
        %dma_start3A_115 = tpu.memref_squeeze %dma_start3A_114 : memref<1x128xi32, #tpu.memory_space<vmem>> -> memref<128xi32, #tpu.memory_space<vmem>>
        %dma_start3A_116 = arith.constant 0 : i32
        %dma_start3A_117 = arith.constant 0 : i32
        %dma_start3A_118 = tpu.memref_slice %arg2[%dma_start3A_116, %dma_start3A_117] : memref<20000x128xf32, #tpu.memory_space<hbm>> -> memref<20000x128xf32, #tpu.memory_space<hbm>>
        tpu.enqueue_indirect_dma source(%dma_start3A_118 : memref<20000x128xf32, #tpu.memory_space<hbm>>) target(%arg10 : memref<128x128xf32, #tpu.memory_space<vmem>>) offsets(%dma_start3A_115 : memref<128xi32, #tpu.memory_space<vmem>>) semaphore(%arg14 : memref<!tpu.dma_semaphore, #tpu.memory_space<semaphore_mem>>)
        %add3A_119 = arith.addi %mul3A_6, %add3A_48 : i32
        %add3A_120 = arith.constant 2 : i32
        %add3A_121 = arith.addi %add3A_119, %add3A_120 : i32
        %add3A_122 = arith.constant 0 : i32
        %add3A_123 = arith.addi %add3A_121, %add3A_122 : i32
        %dma_start3A_124 = arith.constant 0 : i32
        %dma_start3A_125 = tpu.memref_slice %arg4[%add3A_123, %dma_start3A_124] : memref<1280x128xi32, #tpu.memory_space<hbm>> -> memref<1x128xi32, #tpu.memory_space<hbm>>
        %dma_start3A_126 = tpu.memref_squeeze %dma_start3A_125 : memref<1x128xi32, #tpu.memory_space<hbm>> -> memref<128xi32, #tpu.memory_space<hbm>>
        %dma_start3A_127 = arith.constant 0 : i32
        %dma_start3A_128 = tpu.memref_slice %arg4[%add3A_123, %dma_start3A_127] : memref<1280x128xi32, #tpu.memory_space<hbm>> -> memref<1x128xi32, #tpu.memory_space<hbm>>
        %dma_start3A_129 = tpu.memref_squeeze %dma_start3A_128 : memref<1x128xi32, #tpu.memory_space<hbm>> -> memref<128xi32, #tpu.memory_space<hbm>>
        tpu.enqueue_dma source(%dma_start3A_129 : memref<128xi32, #tpu.memory_space<hbm>>) target(%arg8 : memref<128xi32, #tpu.memory_space<vmem>>) target_semaphore(%arg12 : memref<!tpu.dma_semaphore, #tpu.memory_space<semaphore_mem>>)
      } else {
      }
      %dma_wait3A_97 = arith.constant 0 : i32
      %dma_wait3A_98 = arith.constant 0 : i32
      %dma_wait3A_99 = tpu.memref_slice %arg18[%dma_wait3A_97, %dma_wait3A_98] : memref<10112x128xf32, #tpu.memory_space<vmem_shared>> -> memref<10112x128xf32, #tpu.memory_space<vmem_shared>>
      tpu.wait_indirect_dma semaphore(%arg17 : memref<!tpu.dma_semaphore, #tpu.memory_space<semaphore_mem>>) src(%arg11 : memref<128x128xf32, #tpu.memory_space<vmem>>) dst(%dma_wait3A_99 : memref<10112x128xf32, #tpu.memory_space<vmem_shared>>)
      %add3A_100 = arith.constant 2 : i32
      %add3A_101 = arith.addi %add3A_48, %add3A_100 : i32
      %add3A_102 = arith.constant 1 : i32
      %add3A_103 = arith.addi %add3A_101, %add3A_102 : i32
      %lt3A_104 = arith.constant 80 : i32
      %lt3A_105 = arith.cmpi slt, %add3A_103, %lt3A_104 : i32
      %convert_element_type3A_106 = arith.extui %lt3A_105 : i1 to i32
      %cond3A_107 = arith.constant 0 : i32
      %cond3A_108 = arith.cmpi ne, %convert_element_type3A_106, %cond3A_107 : i32
      scf.if %cond3A_108 {
        %add3A_109 = arith.constant 2 : i32
        %add3A_110 = arith.addi %add3A_48, %add3A_109 : i32
        %add3A_111 = arith.constant 1 : i32
        %add3A_112 = arith.addi %add3A_110, %add3A_111 : i32
        %dma_start3A_113 = arith.constant 0 : i32
        %dma_start3A_114 = tpu.memref_slice %arg7[%add3A_112, %dma_start3A_113] : memref<80x128xi32, #tpu.memory_space<vmem>> -> memref<1x128xi32, #tpu.memory_space<vmem>>
        %dma_start3A_115 = tpu.memref_squeeze %dma_start3A_114 : memref<1x128xi32, #tpu.memory_space<vmem>> -> memref<128xi32, #tpu.memory_space<vmem>>
        %dma_start3A_116 = arith.constant 0 : i32
        %dma_start3A_117 = arith.constant 0 : i32
        %dma_start3A_118 = tpu.memref_slice %arg2[%dma_start3A_116, %dma_start3A_117] : memref<20000x128xf32, #tpu.memory_space<hbm>> -> memref<20000x128xf32, #tpu.memory_space<hbm>>
        tpu.enqueue_indirect_dma source(%dma_start3A_118 : memref<20000x128xf32, #tpu.memory_space<hbm>>) target(%arg11 : memref<128x128xf32, #tpu.memory_space<vmem>>) offsets(%dma_start3A_115 : memref<128xi32, #tpu.memory_space<vmem>>) semaphore(%arg15 : memref<!tpu.dma_semaphore, #tpu.memory_space<semaphore_mem>>)
        %add3A_119 = arith.addi %mul3A_6, %add3A_48 : i32
        %add3A_120 = arith.constant 2 : i32
        %add3A_121 = arith.addi %add3A_119, %add3A_120 : i32
        %add3A_122 = arith.constant 1 : i32
        %add3A_123 = arith.addi %add3A_121, %add3A_122 : i32
        %dma_start3A_124 = arith.constant 0 : i32
        %dma_start3A_125 = tpu.memref_slice %arg4[%add3A_123, %dma_start3A_124] : memref<1280x128xi32, #tpu.memory_space<hbm>> -> memref<1x128xi32, #tpu.memory_space<hbm>>
        %dma_start3A_126 = tpu.memref_squeeze %dma_start3A_125 : memref<1x128xi32, #tpu.memory_space<hbm>> -> memref<128xi32, #tpu.memory_space<hbm>>
        %dma_start3A_127 = arith.constant 0 : i32
        %dma_start3A_128 = tpu.memref_slice %arg4[%add3A_123, %dma_start3A_127] : memref<1280x128xi32, #tpu.memory_space<hbm>> -> memref<1x128xi32, #tpu.memory_space<hbm>>
        %dma_start3A_129 = tpu.memref_squeeze %dma_start3A_128 : memref<1x128xi32, #tpu.memory_space<hbm>> -> memref<128xi32, #tpu.memory_space<hbm>>
        tpu.enqueue_dma source(%dma_start3A_129 : memref<128xi32, #tpu.memory_space<hbm>>) target(%arg9 : memref<128xi32, #tpu.memory_space<vmem>>) target_semaphore(%arg13 : memref<!tpu.dma_semaphore, #tpu.memory_space<semaphore_mem>>)
      } else {
      }
    }
    %scan3A_39 = arith.constant 40 : i32
    %barrier3A_40 = arith.constant 0 : index
    tpu.barrier barrier_id(%barrier3A_40)
    %mul3A_41 = arith.constant 10112 : i32
    %mul3A_42 = arith.muli %arg0, %mul3A_41 : i32
    %add3A_43 = arith.addi %mul3A_42, %mul3A_0 : i32
    "tpu.region"() ({
      %run_scoped3A = tpu.sem_alloc : memref<!tpu.dma_semaphore, #tpu.memory_space<semaphore_mem>>
      %dma_start3A_44 = arith.constant 0 : i32
      %dma_start3A_45 = tpu.memref_slice %arg6[%add3A_43, %dma_start3A_44] : memref<20224x128xf32, #tpu.memory_space<hbm>> -> memref<632x128xf32, #tpu.memory_space<hbm>>
      %dma_start3A_46 = arith.constant 0 : i32
      %dma_start3A_47 = tpu.memref_slice %arg18[%mul3A_0, %dma_start3A_46] : memref<10112x128xf32, #tpu.memory_space<vmem_shared>> -> memref<632x128xf32, #tpu.memory_space<vmem_shared>>
      tpu.enqueue_dma source(%dma_start3A_47 : memref<632x128xf32, #tpu.memory_space<vmem_shared>>) target(%dma_start3A_45 : memref<632x128xf32, #tpu.memory_space<hbm>>) target_semaphore(%run_scoped3A : memref<!tpu.dma_semaphore, #tpu.memory_space<semaphore_mem>>)
      %dma_wait3A = arith.constant 0 : i32
      %dma_wait3A_48 = tpu.memref_slice %arg6[%add3A_43, %dma_wait3A] : memref<20224x128xf32, #tpu.memory_space<hbm>> -> memref<632x128xf32, #tpu.memory_space<hbm>>
      %dma_wait3A_49 = arith.constant 0 : i32
      %dma_wait3A_50 = tpu.memref_slice %arg18[%mul3A_0, %dma_wait3A_49] : memref<10112x128xf32, #tpu.memory_space<vmem_shared>> -> memref<632x128xf32, #tpu.memory_space<vmem_shared>>
      tpu.wait_dma2 semaphore(%run_scoped3A : memref<!tpu.dma_semaphore, #tpu.memory_space<semaphore_mem>>) src(%dma_wait3A_50 : memref<632x128xf32, #tpu.memory_space<vmem_shared>>) dst(%dma_wait3A_48 : memref<632x128xf32, #tpu.memory_space<hbm>>)
      tpu.yield
    }) : () -> ()
    return
  }
}

#map = affine_map<(d0, d1) -> (0, 0)>
module attributes {stable_mosaic.version = 14 : i64} {
  func.func @k(%arg0: i32, %arg1: i32, %arg2: memref<20000x128xf32, #tpu.memory_space<hbm>>, %arg3: memref<2560x128xi32, #tpu.memory_space<hbm>>, %arg4: memref<1280x128xi32, #tpu.memory_space<hbm>>, %arg5: memref<632x128xf32, #tpu.memory_space<hbm>>, %arg6: memref<20224x128xf32, #tpu.memory_space<hbm>>, %arg7: memref<80x128xi32, #tpu.memory_space<vmem>>, %arg8: memref<128xi32, #tpu.memory_space<vmem>>, %arg9: memref<128xi32, #tpu.memory_space<vmem>>, %arg10: memref<128x128xf32, #tpu.memory_space<vmem>>, %arg11: memref<128x128xf32, #tpu.memory_space<vmem>>, %arg12: memref<!tpu.dma_semaphore, #tpu.memory_space<semaphore_mem>>, %arg13: memref<!tpu.dma_semaphore, #tpu.memory_space<semaphore_mem>>, %arg14: memref<!tpu.dma_semaphore, #tpu.memory_space<semaphore_mem>>, %arg15: memref<!tpu.dma_semaphore, #tpu.memory_space<semaphore_mem>>, %arg16: memref<!tpu.dma_semaphore, #tpu.memory_space<semaphore_mem>>, %arg17: memref<!tpu.dma_semaphore, #tpu.memory_space<semaphore_mem>>, %arg18: memref<10112x128xf32, #tpu.memory_space<vmem_shared>>) attributes {dimension_semantics = [#tpu.dimension_semantics<core_parallel>, #tpu.dimension_semantics<subcore_parallel>], iteration_bounds = array<i64: 2, 16>, scalar_prefetch = 0 : i64, scratch_operands = 12 : i64, tpu.core_type = #tpu.core_type<sc_vector_subcore>, window_params = [{transform_indices = #map}, {transform_indices = #map}, {transform_indices = #map}, {transform_indices = #map}, {transform_indices = #map}]} {
    %mul3A = arith.constant 632 : i32
    %mul3A_0 = arith.muli %arg1, %mul3A : i32
    %mul3A_1 = arith.constant 1280 : i32
    %mul3A_2 = arith.muli %arg0, %mul3A_1 : i32
    %mul3A_3 = arith.constant 80 : i32
    %mul3A_4 = arith.muli %arg1, %mul3A_3 : i32
    %add3A = arith.addi %mul3A_2, %mul3A_4 : i32
    %mul3A_5 = arith.constant 80 : i32
    %mul3A_6 = arith.muli %arg1, %mul3A_5 : i32
    "tpu.region"() ({
      %run_scoped3A = tpu.sem_alloc : memref<!tpu.dma_semaphore, #tpu.memory_space<semaphore_mem>>
      %dma_start3A_44 = arith.constant 0 : i32
      %dma_start3A_45 = tpu.memref_slice %arg3[%add3A, %dma_start3A_44] : memref<2560x128xi32, #tpu.memory_space<hbm>> -> memref<80x128xi32, #tpu.memory_space<hbm>>
      %dma_start3A_46 = arith.constant 0 : i32
      %dma_start3A_47 = tpu.memref_slice %arg3[%add3A, %dma_start3A_46] : memref<2560x128xi32, #tpu.memory_space<hbm>> -> memref<80x128xi32, #tpu.memory_space<hbm>>
      tpu.enqueue_dma source(%dma_start3A_47 : memref<80x128xi32, #tpu.memory_space<hbm>>) target(%arg7 : memref<80x128xi32, #tpu.memory_space<vmem>>) target_semaphore(%run_scoped3A : memref<!tpu.dma_semaphore, #tpu.memory_space<semaphore_mem>>)
      %dma_wait3A = arith.constant 0 : i32
      %dma_wait3A_48 = tpu.memref_slice %arg3[%add3A, %dma_wait3A] : memref<2560x128xi32, #tpu.memory_space<hbm>> -> memref<80x128xi32, #tpu.memory_space<hbm>>
      %dma_wait3A_49 = arith.constant 0 : i32
      %dma_wait3A_50 = tpu.memref_slice %arg3[%add3A, %dma_wait3A_49] : memref<2560x128xi32, #tpu.memory_space<hbm>> -> memref<80x128xi32, #tpu.memory_space<hbm>>
      tpu.wait_dma2 semaphore(%run_scoped3A : memref<!tpu.dma_semaphore, #tpu.memory_space<semaphore_mem>>) src(%dma_wait3A_50 : memref<80x128xi32, #tpu.memory_space<hbm>>) dst(%arg7 : memref<80x128xi32, #tpu.memory_space<vmem>>)
      tpu.yield
    }) : () -> ()
    %add3A_7 = arith.constant 0 : i32
    %add3A_8 = arith.addi %mul3A_6, %add3A_7 : i32
    %dma_start3A = arith.constant 0 : i32
    %dma_start3A_9 = tpu.memref_slice %arg4[%add3A_8, %dma_start3A] : memref<1280x128xi32, #tpu.memory_space<hbm>> -> memref<1x128xi32, #tpu.memory_space<hbm>>
    %dma_start3A_10 = tpu.memref_squeeze %dma_start3A_9 : memref<1x128xi32, #tpu.memory_space<hbm>> -> memref<128xi32, #tpu.memory_space<hbm>>
    %dma_start3A_11 = arith.constant 0 : i32
    %dma_start3A_12 = tpu.memref_slice %arg4[%add3A_8, %dma_start3A_11] : memref<1280x128xi32, #tpu.memory_space<hbm>> -> memref<1x128xi32, #tpu.memory_space<hbm>>
    %dma_start3A_13 = tpu.memref_squeeze %dma_start3A_12 : memref<1x128xi32, #tpu.memory_space<hbm>> -> memref<128xi32, #tpu.memory_space<hbm>>
    tpu.enqueue_dma source(%dma_start3A_13 : memref<128xi32, #tpu.memory_space<hbm>>) target(%arg8 : memref<128xi32, #tpu.memory_space<vmem>>) target_semaphore(%arg12 : memref<!tpu.dma_semaphore, #tpu.memory_space<semaphore_mem>>)
    %add3A_14 = arith.constant 1 : i32
    %add3A_15 = arith.addi %mul3A_6, %add3A_14 : i32
    %dma_start3A_16 = arith.constant 0 : i32
    %dma_start3A_17 = tpu.memref_slice %arg4[%add3A_15, %dma_start3A_16] : memref<1280x128xi32, #tpu.memory_space<hbm>> -> memref<1x128xi32, #tpu.memory_space<hbm>>
    %dma_start3A_18 = tpu.memref_squeeze %dma_start3A_17 : memref<1x128xi32, #tpu.memory_space<hbm>> -> memref<128xi32, #tpu.memory_space<hbm>>
    %dma_start3A_19 = arith.constant 0 : i32
    %dma_start3A_20 = tpu.memref_slice %arg4[%add3A_15, %dma_start3A_19] : memref<1280x128xi32, #tpu.memory_space<hbm>> -> memref<1x128xi32, #tpu.memory_space<hbm>>
    %dma_start3A_21 = tpu.memref_squeeze %dma_start3A_20 : memref<1x128xi32, #tpu.memory_space<hbm>> -> memref<128xi32, #tpu.memory_space<hbm>>
    tpu.enqueue_dma source(%dma_start3A_21 : memref<128xi32, #tpu.memory_space<hbm>>) target(%arg9 : memref<128xi32, #tpu.memory_space<vmem>>) target_semaphore(%arg13 : memref<!tpu.dma_semaphore, #tpu.memory_space<semaphore_mem>>)
    "tpu.region"() ({
      %run_scoped3A = tpu.sem_alloc : memref<!tpu.dma_semaphore, #tpu.memory_space<semaphore_mem>>
      %dma_start3A_44 = arith.constant 0 : i32
      %dma_start3A_45 = tpu.memref_slice %arg18[%mul3A_0, %dma_start3A_44] : memref<10112x128xf32, #tpu.memory_space<vmem_shared>> -> memref<632x128xf32, #tpu.memory_space<vmem_shared>>
      tpu.enqueue_dma source(%arg5 : memref<632x128xf32, #tpu.memory_space<hbm>>) target(%dma_start3A_45 : memref<632x128xf32, #tpu.memory_space<vmem_shared>>) target_semaphore(%run_scoped3A : memref<!tpu.dma_semaphore, #tpu.memory_space<semaphore_mem>>)
      %dma_wait3A = arith.constant 0 : i32
      %dma_wait3A_46 = tpu.memref_slice %arg18[%mul3A_0, %dma_wait3A] : memref<10112x128xf32, #tpu.memory_space<vmem_shared>> -> memref<632x128xf32, #tpu.memory_space<vmem_shared>>
      tpu.wait_dma2 semaphore(%run_scoped3A : memref<!tpu.dma_semaphore, #tpu.memory_space<semaphore_mem>>) src(%arg5 : memref<632x128xf32, #tpu.memory_space<hbm>>) dst(%dma_wait3A_46 : memref<632x128xf32, #tpu.memory_space<vmem_shared>>)
      tpu.yield
    }) : () -> ()
    %barrier3A = arith.constant 0 : index
    tpu.barrier barrier_id(%barrier3A)
    %dma_start3A_22 = arith.constant 0 : i32
    %dma_start3A_23 = arith.constant 0 : i32
    %dma_start3A_24 = tpu.memref_slice %arg7[%dma_start3A_22, %dma_start3A_23] : memref<80x128xi32, #tpu.memory_space<vmem>> -> memref<1x128xi32, #tpu.memory_space<vmem>>
    %dma_start3A_25 = tpu.memref_squeeze %dma_start3A_24 : memref<1x128xi32, #tpu.memory_space<vmem>> -> memref<128xi32, #tpu.memory_space<vmem>>
    %dma_start3A_26 = arith.constant 0 : i32
    %dma_start3A_27 = arith.constant 0 : i32
    %dma_start3A_28 = tpu.memref_slice %arg2[%dma_start3A_26, %dma_start3A_27] : memref<20000x128xf32, #tpu.memory_space<hbm>> -> memref<20000x128xf32, #tpu.memory_space<hbm>>
    tpu.enqueue_indirect_dma source(%dma_start3A_28 : memref<20000x128xf32, #tpu.memory_space<hbm>>) target(%arg10 : memref<128x128xf32, #tpu.memory_space<vmem>>) offsets(%dma_start3A_25 : memref<128xi32, #tpu.memory_space<vmem>>) semaphore(%arg14 : memref<!tpu.dma_semaphore, #tpu.memory_space<semaphore_mem>>)
    %dma_start3A_29 = arith.constant 1 : i32
    %dma_start3A_30 = arith.constant 0 : i32
    %dma_start3A_31 = tpu.memref_slice %arg7[%dma_start3A_29, %dma_start3A_30] : memref<80x128xi32, #tpu.memory_space<vmem>> -> memref<1x128xi32, #tpu.memory_space<vmem>>
    %dma_start3A_32 = tpu.memref_squeeze %dma_start3A_31 : memref<1x128xi32, #tpu.memory_space<vmem>> -> memref<128xi32, #tpu.memory_space<vmem>>
    %dma_start3A_33 = arith.constant 0 : i32
    %dma_start3A_34 = arith.constant 0 : i32
    %dma_start3A_35 = tpu.memref_slice %arg2[%dma_start3A_33, %dma_start3A_34] : memref<20000x128xf32, #tpu.memory_space<hbm>> -> memref<20000x128xf32, #tpu.memory_space<hbm>>
    tpu.enqueue_indirect_dma source(%dma_start3A_35 : memref<20000x128xf32, #tpu.memory_space<hbm>>) target(%arg11 : memref<128x128xf32, #tpu.memory_space<vmem>>) offsets(%dma_start3A_32 : memref<128xi32, #tpu.memory_space<vmem>>) semaphore(%arg15 : memref<!tpu.dma_semaphore, #tpu.memory_space<semaphore_mem>>)
    %scan3A = arith.constant 0 : i32
    %scan3A_36 = arith.constant 40 : i32
    %scan3A_37 = arith.addi %scan3A, %scan3A_36 : i32
    %scan3A_38 = arith.constant 1 : i32
    scf.for %scan3A_44 = %scan3A to %scan3A_37 step %scan3A_38  : i32 {
      %mul3A_45 = arith.constant 2 : i32
      %mul3A_46 = arith.muli %scan3A_44, %mul3A_45 : i32
      %add3A_47 = arith.constant 0 : i32
      %add3A_48 = arith.addi %add3A_47, %mul3A_46 : i32
      %add3A_49 = arith.constant 0 : i32
      %add3A_50 = arith.addi %add3A_48, %add3A_49 : i32
      %dma_wait3A = arith.constant 0 : i32
      %dma_wait3A_51 = tpu.memref_slice %arg7[%add3A_50, %dma_wait3A] : memref<80x128xi32, #tpu.memory_space<vmem>> -> memref<1x128xi32, #tpu.memory_space<vmem>>
      %dma_wait3A_52 = tpu.memref_squeeze %dma_wait3A_51 : memref<1x128xi32, #tpu.memory_space<vmem>> -> memref<128xi32, #tpu.memory_space<vmem>>
      %dma_wait3A_53 = arith.constant 0 : i32
      %dma_wait3A_54 = arith.constant 0 : i32
      %dma_wait3A_55 = tpu.memref_slice %arg2[%dma_wait3A_53, %dma_wait3A_54] : memref<20000x128xf32, #tpu.memory_space<hbm>> -> memref<20000x128xf32, #tpu.memory_space<hbm>>
      tpu.wait_indirect_dma semaphore(%arg14 : memref<!tpu.dma_semaphore, #tpu.memory_space<semaphore_mem>>) src(%dma_wait3A_55 : memref<20000x128xf32, #tpu.memory_space<hbm>>) dst(%arg10 : memref<128x128xf32, #tpu.memory_space<vmem>>)
      %add3A_56 = arith.addi %mul3A_6, %add3A_48 : i32
      %add3A_57 = arith.constant 0 : i32
      %add3A_58 = arith.addi %add3A_56, %add3A_57 : i32
      %dma_wait3A_59 = arith.constant 0 : i32
      %dma_wait3A_60 = tpu.memref_slice %arg4[%add3A_58, %dma_wait3A_59] : memref<1280x128xi32, #tpu.memory_space<hbm>> -> memref<1x128xi32, #tpu.memory_space<hbm>>
      %dma_wait3A_61 = tpu.memref_squeeze %dma_wait3A_60 : memref<1x128xi32, #tpu.memory_space<hbm>> -> memref<128xi32, #tpu.memory_space<hbm>>
      %dma_wait3A_62 = arith.constant 0 : i32
      %dma_wait3A_63 = tpu.memref_slice %arg4[%add3A_58, %dma_wait3A_62] : memref<1280x128xi32, #tpu.memory_space<hbm>> -> memref<1x128xi32, #tpu.memory_space<hbm>>
      %dma_wait3A_64 = tpu.memref_squeeze %dma_wait3A_63 : memref<1x128xi32, #tpu.memory_space<hbm>> -> memref<128xi32, #tpu.memory_space<hbm>>
      tpu.wait_dma2 semaphore(%arg12 : memref<!tpu.dma_semaphore, #tpu.memory_space<semaphore_mem>>) src(%dma_wait3A_64 : memref<128xi32, #tpu.memory_space<hbm>>) dst(%arg8 : memref<128xi32, #tpu.memory_space<vmem>>)
      %dma_start3A_65 = arith.constant 0 : i32
      %dma_start3A_66 = arith.constant 0 : i32
      %dma_start3A_67 = tpu.memref_slice %arg18[%dma_start3A_65, %dma_start3A_66] : memref<10112x128xf32, #tpu.memory_space<vmem_shared>> -> memref<10112x128xf32, #tpu.memory_space<vmem_shared>>
      tpu.enqueue_indirect_dma source(%arg10 : memref<128x128xf32, #tpu.memory_space<vmem>>) target(%dma_start3A_67 : memref<10112x128xf32, #tpu.memory_space<vmem_shared>>) offsets(%arg8 : memref<128xi32, #tpu.memory_space<vmem>>) semaphore(%arg16 : memref<!tpu.dma_semaphore, #tpu.memory_space<semaphore_mem>>) {add = true}
      %add3A_68 = arith.constant 1 : i32
      %add3A_69 = arith.addi %add3A_48, %add3A_68 : i32
      %dma_wait3A_70 = arith.constant 0 : i32
      %dma_wait3A_71 = tpu.memref_slice %arg7[%add3A_69, %dma_wait3A_70] : memref<80x128xi32, #tpu.memory_space<vmem>> -> memref<1x128xi32, #tpu.memory_space<vmem>>
      %dma_wait3A_72 = tpu.memref_squeeze %dma_wait3A_71 : memref<1x128xi32, #tpu.memory_space<vmem>> -> memref<128xi32, #tpu.memory_space<vmem>>
      %dma_wait3A_73 = arith.constant 0 : i32
      %dma_wait3A_74 = arith.constant 0 : i32
      %dma_wait3A_75 = tpu.memref_slice %arg2[%dma_wait3A_73, %dma_wait3A_74] : memref<20000x128xf32, #tpu.memory_space<hbm>> -> memref<20000x128xf32, #tpu.memory_space<hbm>>
      tpu.wait_indirect_dma semaphore(%arg15 : memref<!tpu.dma_semaphore, #tpu.memory_space<semaphore_mem>>) src(%dma_wait3A_75 : memref<20000x128xf32, #tpu.memory_space<hbm>>) dst(%arg11 : memref<128x128xf32, #tpu.memory_space<vmem>>)
      %add3A_76 = arith.addi %mul3A_6, %add3A_48 : i32
      %add3A_77 = arith.constant 1 : i32
      %add3A_78 = arith.addi %add3A_76, %add3A_77 : i32
      %dma_wait3A_79 = arith.constant 0 : i32
      %dma_wait3A_80 = tpu.memref_slice %arg4[%add3A_78, %dma_wait3A_79] : memref<1280x128xi32, #tpu.memory_space<hbm>> -> memref<1x128xi32, #tpu.memory_space<hbm>>
      %dma_wait3A_81 = tpu.memref_squeeze %dma_wait3A_80 : memref<1x128xi32, #tpu.memory_space<hbm>> -> memref<128xi32, #tpu.memory_space<hbm>>
      %dma_wait3A_82 = arith.constant 0 : i32
      %dma_wait3A_83 = tpu.memref_slice %arg4[%add3A_78, %dma_wait3A_82] : memref<1280x128xi32, #tpu.memory_space<hbm>> -> memref<1x128xi32, #tpu.memory_space<hbm>>
      %dma_wait3A_84 = tpu.memref_squeeze %dma_wait3A_83 : memref<1x128xi32, #tpu.memory_space<hbm>> -> memref<128xi32, #tpu.memory_space<hbm>>
      tpu.wait_dma2 semaphore(%arg13 : memref<!tpu.dma_semaphore, #tpu.memory_space<semaphore_mem>>) src(%dma_wait3A_84 : memref<128xi32, #tpu.memory_space<hbm>>) dst(%arg9 : memref<128xi32, #tpu.memory_space<vmem>>)
      %dma_start3A_85 = arith.constant 0 : i32
      %dma_start3A_86 = arith.constant 0 : i32
      %dma_start3A_87 = tpu.memref_slice %arg18[%dma_start3A_85, %dma_start3A_86] : memref<10112x128xf32, #tpu.memory_space<vmem_shared>> -> memref<10112x128xf32, #tpu.memory_space<vmem_shared>>
      tpu.enqueue_indirect_dma source(%arg11 : memref<128x128xf32, #tpu.memory_space<vmem>>) target(%dma_start3A_87 : memref<10112x128xf32, #tpu.memory_space<vmem_shared>>) offsets(%arg9 : memref<128xi32, #tpu.memory_space<vmem>>) semaphore(%arg17 : memref<!tpu.dma_semaphore, #tpu.memory_space<semaphore_mem>>) {add = true}
      %dma_wait3A_88 = arith.constant 0 : i32
      %dma_wait3A_89 = arith.constant 0 : i32
      %dma_wait3A_90 = tpu.memref_slice %arg18[%dma_wait3A_88, %dma_wait3A_89] : memref<10112x128xf32, #tpu.memory_space<vmem_shared>> -> memref<10112x128xf32, #tpu.memory_space<vmem_shared>>
      tpu.wait_indirect_dma semaphore(%arg16 : memref<!tpu.dma_semaphore, #tpu.memory_space<semaphore_mem>>) src(%arg10 : memref<128x128xf32, #tpu.memory_space<vmem>>) dst(%dma_wait3A_90 : memref<10112x128xf32, #tpu.memory_space<vmem_shared>>)
      %add3A_91 = arith.constant 2 : i32
      %add3A_92 = arith.addi %add3A_48, %add3A_91 : i32
      %add3A_93 = arith.constant 0 : i32
      %add3A_94 = arith.addi %add3A_92, %add3A_93 : i32
      %lt3A = arith.constant 80 : i32
      %lt3A_95 = arith.cmpi slt, %add3A_94, %lt3A : i32
      %convert_element_type3A = arith.extui %lt3A_95 : i1 to i32
      %cond3A = arith.constant 0 : i32
      %cond3A_96 = arith.cmpi ne, %convert_element_type3A, %cond3A : i32
      scf.if %cond3A_96 {
        %add3A_109 = arith.constant 2 : i32
        %add3A_110 = arith.addi %add3A_48, %add3A_109 : i32
        %add3A_111 = arith.constant 0 : i32
        %add3A_112 = arith.addi %add3A_110, %add3A_111 : i32
        %dma_start3A_113 = arith.constant 0 : i32
        %dma_start3A_114 = tpu.memref_slice %arg7[%add3A_112, %dma_start3A_113] : memref<80x128xi32, #tpu.memory_space<vmem>> -> memref<1x128xi32, #tpu.memory_space<vmem>>
        %dma_start3A_115 = tpu.memref_squeeze %dma_start3A_114 : memref<1x128xi32, #tpu.memory_space<vmem>> -> memref<128xi32, #tpu.memory_space<vmem>>
        %dma_start3A_116 = arith.constant 0 : i32
        %dma_start3A_117 = arith.constant 0 : i32
        %dma_start3A_118 = tpu.memref_slice %arg2[%dma_start3A_116, %dma_start3A_117] : memref<20000x128xf32, #tpu.memory_space<hbm>> -> memref<20000x128xf32, #tpu.memory_space<hbm>>
        tpu.enqueue_indirect_dma source(%dma_start3A_118 : memref<20000x128xf32, #tpu.memory_space<hbm>>) target(%arg10 : memref<128x128xf32, #tpu.memory_space<vmem>>) offsets(%dma_start3A_115 : memref<128xi32, #tpu.memory_space<vmem>>) semaphore(%arg14 : memref<!tpu.dma_semaphore, #tpu.memory_space<semaphore_mem>>)
        %add3A_119 = arith.addi %mul3A_6, %add3A_48 : i32
        %add3A_120 = arith.constant 2 : i32
        %add3A_121 = arith.addi %add3A_119, %add3A_120 : i32
        %add3A_122 = arith.constant 0 : i32
        %add3A_123 = arith.addi %add3A_121, %add3A_122 : i32
        %dma_start3A_124 = arith.constant 0 : i32
        %dma_start3A_125 = tpu.memref_slice %arg4[%add3A_123, %dma_start3A_124] : memref<1280x128xi32, #tpu.memory_space<hbm>> -> memref<1x128xi32, #tpu.memory_space<hbm>>
        %dma_start3A_126 = tpu.memref_squeeze %dma_start3A_125 : memref<1x128xi32, #tpu.memory_space<hbm>> -> memref<128xi32, #tpu.memory_space<hbm>>
        %dma_start3A_127 = arith.constant 0 : i32
        %dma_start3A_128 = tpu.memref_slice %arg4[%add3A_123, %dma_start3A_127] : memref<1280x128xi32, #tpu.memory_space<hbm>> -> memref<1x128xi32, #tpu.memory_space<hbm>>
        %dma_start3A_129 = tpu.memref_squeeze %dma_start3A_128 : memref<1x128xi32, #tpu.memory_space<hbm>> -> memref<128xi32, #tpu.memory_space<hbm>>
        tpu.enqueue_dma source(%dma_start3A_129 : memref<128xi32, #tpu.memory_space<hbm>>) target(%arg8 : memref<128xi32, #tpu.memory_space<vmem>>) target_semaphore(%arg12 : memref<!tpu.dma_semaphore, #tpu.memory_space<semaphore_mem>>)
      } else {
      }
      %dma_wait3A_97 = arith.constant 0 : i32
      %dma_wait3A_98 = arith.constant 0 : i32
      %dma_wait3A_99 = tpu.memref_slice %arg18[%dma_wait3A_97, %dma_wait3A_98] : memref<10112x128xf32, #tpu.memory_space<vmem_shared>> -> memref<10112x128xf32, #tpu.memory_space<vmem_shared>>
      tpu.wait_indirect_dma semaphore(%arg17 : memref<!tpu.dma_semaphore, #tpu.memory_space<semaphore_mem>>) src(%arg11 : memref<128x128xf32, #tpu.memory_space<vmem>>) dst(%dma_wait3A_99 : memref<10112x128xf32, #tpu.memory_space<vmem_shared>>)
      %add3A_100 = arith.constant 2 : i32
      %add3A_101 = arith.addi %add3A_48, %add3A_100 : i32
      %add3A_102 = arith.constant 1 : i32
      %add3A_103 = arith.addi %add3A_101, %add3A_102 : i32
      %lt3A_104 = arith.constant 80 : i32
      %lt3A_105 = arith.cmpi slt, %add3A_103, %lt3A_104 : i32
      %convert_element_type3A_106 = arith.extui %lt3A_105 : i1 to i32
      %cond3A_107 = arith.constant 0 : i32
      %cond3A_108 = arith.cmpi ne, %convert_element_type3A_106, %cond3A_107 : i32
      scf.if %cond3A_108 {
        %add3A_109 = arith.constant 2 : i32
        %add3A_110 = arith.addi %add3A_48, %add3A_109 : i32
        %add3A_111 = arith.constant 1 : i32
        %add3A_112 = arith.addi %add3A_110, %add3A_111 : i32
        %dma_start3A_113 = arith.constant 0 : i32
        %dma_start3A_114 = tpu.memref_slice %arg7[%add3A_112, %dma_start3A_113] : memref<80x128xi32, #tpu.memory_space<vmem>> -> memref<1x128xi32, #tpu.memory_space<vmem>>
        %dma_start3A_115 = tpu.memref_squeeze %dma_start3A_114 : memref<1x128xi32, #tpu.memory_space<vmem>> -> memref<128xi32, #tpu.memory_space<vmem>>
        %dma_start3A_116 = arith.constant 0 : i32
        %dma_start3A_117 = arith.constant 0 : i32
        %dma_start3A_118 = tpu.memref_slice %arg2[%dma_start3A_116, %dma_start3A_117] : memref<20000x128xf32, #tpu.memory_space<hbm>> -> memref<20000x128xf32, #tpu.memory_space<hbm>>
        tpu.enqueue_indirect_dma source(%dma_start3A_118 : memref<20000x128xf32, #tpu.memory_space<hbm>>) target(%arg11 : memref<128x128xf32, #tpu.memory_space<vmem>>) offsets(%dma_start3A_115 : memref<128xi32, #tpu.memory_space<vmem>>) semaphore(%arg15 : memref<!tpu.dma_semaphore, #tpu.memory_space<semaphore_mem>>)
        %add3A_119 = arith.addi %mul3A_6, %add3A_48 : i32
        %add3A_120 = arith.constant 2 : i32
        %add3A_121 = arith.addi %add3A_119, %add3A_120 : i32
        %add3A_122 = arith.constant 1 : i32
        %add3A_123 = arith.addi %add3A_121, %add3A_122 : i32
        %dma_start3A_124 = arith.constant 0 : i32
        %dma_start3A_125 = tpu.memref_slice %arg4[%add3A_123, %dma_start3A_124] : memref<1280x128xi32, #tpu.memory_space<hbm>> -> memref<1x128xi32, #tpu.memory_space<hbm>>
        %dma_start3A_126 = tpu.memref_squeeze %dma_start3A_125 : memref<1x128xi32, #tpu.memory_space<hbm>> -> memref<128xi32, #tpu.memory_space<hbm>>
        %dma_start3A_127 = arith.constant 0 : i32
        %dma_start3A_128 = tpu.memref_slice %arg4[%add3A_123, %dma_start3A_127] : memref<1280x128xi32, #tpu.memory_space<hbm>> -> memref<1x128xi32, #tpu.memory_space<hbm>>
        %dma_start3A_129 = tpu.memref_squeeze %dma_start3A_128 : memref<1x128xi32, #tpu.memory_space<hbm>> -> memref<128xi32, #tpu.memory_space<hbm>>
        tpu.enqueue_dma source(%dma_start3A_129 : memref<128xi32, #tpu.memory_space<hbm>>) target(%arg9 : memref<128xi32, #tpu.memory_space<vmem>>) target_semaphore(%arg13 : memref<!tpu.dma_semaphore, #tpu.memory_space<semaphore_mem>>)
      } else {
      }
    }
    %scan3A_39 = arith.constant 40 : i32
    %barrier3A_40 = arith.constant 0 : index
    tpu.barrier barrier_id(%barrier3A_40)
    %mul3A_41 = arith.constant 10112 : i32
    %mul3A_42 = arith.muli %arg0, %mul3A_41 : i32
    %add3A_43 = arith.addi %mul3A_42, %mul3A_0 : i32
    "tpu.region"() ({
      %run_scoped3A = tpu.sem_alloc : memref<!tpu.dma_semaphore, #tpu.memory_space<semaphore_mem>>
      %dma_start3A_44 = arith.constant 0 : i32
      %dma_start3A_45 = tpu.memref_slice %arg6[%add3A_43, %dma_start3A_44] : memref<20224x128xf32, #tpu.memory_space<hbm>> -> memref<632x128xf32, #tpu.memory_space<hbm>>
      %dma_start3A_46 = arith.constant 0 : i32
      %dma_start3A_47 = tpu.memref_slice %arg18[%mul3A_0, %dma_start3A_46] : memref<10112x128xf32, #tpu.memory_space<vmem_shared>> -> memref<632x128xf32, #tpu.memory_space<vmem_shared>>
      tpu.enqueue_dma source(%dma_start3A_47 : memref<632x128xf32, #tpu.memory_space<vmem_shared>>) target(%dma_start3A_45 : memref<632x128xf32, #tpu.memory_space<hbm>>) target_semaphore(%run_scoped3A : memref<!tpu.dma_semaphore, #tpu.memory_space<semaphore_mem>>)
      %dma_wait3A = arith.constant 0 : i32
      %dma_wait3A_48 = tpu.memref_slice %arg6[%add3A_43, %dma_wait3A] : memref<20224x128xf32, #tpu.memory_space<hbm>> -> memref<632x128xf32, #tpu.memory_space<hbm>>
      %dma_wait3A_49 = arith.constant 0 : i32
      %dma_wait3A_50 = tpu.memref_slice %arg18[%mul3A_0, %dma_wait3A_49] : memref<10112x128xf32, #tpu.memory_space<vmem_shared>> -> memref<632x128xf32, #tpu.memory_space<vmem_shared>>
      tpu.wait_dma2 semaphore(%run_scoped3A : memref<!tpu.dma_semaphore, #tpu.memory_space<semaphore_mem>>) src(%dma_wait3A_50 : memref<632x128xf32, #tpu.memory_space<vmem_shared>>) dst(%dma_wait3A_48 : memref<632x128xf32, #tpu.memory_space<hbm>>)
      tpu.yield
    }) : () -> ()
    return
  }
}

#map = affine_map<(d0, d1) -> (0, 0)>
module attributes {stable_mosaic.version = 14 : i64} {
  func.func @k(%arg0: i32, %arg1: i32, %arg2: memref<20000x128xf32, #tpu.memory_space<hbm>>, %arg3: memref<2560x128xi32, #tpu.memory_space<hbm>>, %arg4: memref<1280x128xi32, #tpu.memory_space<hbm>>, %arg5: memref<632x128xf32, #tpu.memory_space<hbm>>, %arg6: memref<20224x128xf32, #tpu.memory_space<hbm>>, %arg7: memref<80x128xi32, #tpu.memory_space<vmem>>, %arg8: memref<128xi32, #tpu.memory_space<vmem>>, %arg9: memref<128xi32, #tpu.memory_space<vmem>>, %arg10: memref<128x128xf32, #tpu.memory_space<vmem>>, %arg11: memref<128x128xf32, #tpu.memory_space<vmem>>, %arg12: memref<!tpu.dma_semaphore, #tpu.memory_space<semaphore_mem>>, %arg13: memref<!tpu.dma_semaphore, #tpu.memory_space<semaphore_mem>>, %arg14: memref<!tpu.dma_semaphore, #tpu.memory_space<semaphore_mem>>, %arg15: memref<!tpu.dma_semaphore, #tpu.memory_space<semaphore_mem>>, %arg16: memref<!tpu.dma_semaphore, #tpu.memory_space<semaphore_mem>>, %arg17: memref<!tpu.dma_semaphore, #tpu.memory_space<semaphore_mem>>, %arg18: memref<10112x128xf32, #tpu.memory_space<vmem_shared>>) attributes {dimension_semantics = [#tpu.dimension_semantics<core_parallel>, #tpu.dimension_semantics<subcore_parallel>], iteration_bounds = array<i64: 2, 16>, scalar_prefetch = 0 : i64, scratch_operands = 12 : i64, tpu.core_type = #tpu.core_type<sc_vector_subcore>, window_params = [{transform_indices = #map}, {transform_indices = #map}, {transform_indices = #map}, {transform_indices = #map}, {transform_indices = #map}]} {
    %mul3A = arith.constant 632 : i32
    %mul3A_0 = arith.muli %arg1, %mul3A : i32
    %mul3A_1 = arith.constant 1280 : i32
    %mul3A_2 = arith.muli %arg0, %mul3A_1 : i32
    %mul3A_3 = arith.constant 80 : i32
    %mul3A_4 = arith.muli %arg1, %mul3A_3 : i32
    %add3A = arith.addi %mul3A_2, %mul3A_4 : i32
    %mul3A_5 = arith.constant 80 : i32
    %mul3A_6 = arith.muli %arg1, %mul3A_5 : i32
    "tpu.region"() ({
      %run_scoped3A = tpu.sem_alloc : memref<!tpu.dma_semaphore, #tpu.memory_space<semaphore_mem>>
      %dma_start3A_44 = arith.constant 0 : i32
      %dma_start3A_45 = tpu.memref_slice %arg3[%add3A, %dma_start3A_44] : memref<2560x128xi32, #tpu.memory_space<hbm>> -> memref<80x128xi32, #tpu.memory_space<hbm>>
      %dma_start3A_46 = arith.constant 0 : i32
      %dma_start3A_47 = tpu.memref_slice %arg3[%add3A, %dma_start3A_46] : memref<2560x128xi32, #tpu.memory_space<hbm>> -> memref<80x128xi32, #tpu.memory_space<hbm>>
      tpu.enqueue_dma source(%dma_start3A_47 : memref<80x128xi32, #tpu.memory_space<hbm>>) target(%arg7 : memref<80x128xi32, #tpu.memory_space<vmem>>) target_semaphore(%run_scoped3A : memref<!tpu.dma_semaphore, #tpu.memory_space<semaphore_mem>>)
      %dma_wait3A = arith.constant 0 : i32
      %dma_wait3A_48 = tpu.memref_slice %arg3[%add3A, %dma_wait3A] : memref<2560x128xi32, #tpu.memory_space<hbm>> -> memref<80x128xi32, #tpu.memory_space<hbm>>
      %dma_wait3A_49 = arith.constant 0 : i32
      %dma_wait3A_50 = tpu.memref_slice %arg3[%add3A, %dma_wait3A_49] : memref<2560x128xi32, #tpu.memory_space<hbm>> -> memref<80x128xi32, #tpu.memory_space<hbm>>
      tpu.wait_dma2 semaphore(%run_scoped3A : memref<!tpu.dma_semaphore, #tpu.memory_space<semaphore_mem>>) src(%dma_wait3A_50 : memref<80x128xi32, #tpu.memory_space<hbm>>) dst(%arg7 : memref<80x128xi32, #tpu.memory_space<vmem>>)
      tpu.yield
    }) : () -> ()
    %add3A_7 = arith.constant 0 : i32
    %add3A_8 = arith.addi %mul3A_6, %add3A_7 : i32
    %dma_start3A = arith.constant 0 : i32
    %dma_start3A_9 = tpu.memref_slice %arg4[%add3A_8, %dma_start3A] : memref<1280x128xi32, #tpu.memory_space<hbm>> -> memref<1x128xi32, #tpu.memory_space<hbm>>
    %dma_start3A_10 = tpu.memref_squeeze %dma_start3A_9 : memref<1x128xi32, #tpu.memory_space<hbm>> -> memref<128xi32, #tpu.memory_space<hbm>>
    %dma_start3A_11 = arith.constant 0 : i32
    %dma_start3A_12 = tpu.memref_slice %arg4[%add3A_8, %dma_start3A_11] : memref<1280x128xi32, #tpu.memory_space<hbm>> -> memref<1x128xi32, #tpu.memory_space<hbm>>
    %dma_start3A_13 = tpu.memref_squeeze %dma_start3A_12 : memref<1x128xi32, #tpu.memory_space<hbm>> -> memref<128xi32, #tpu.memory_space<hbm>>
    tpu.enqueue_dma source(%dma_start3A_13 : memref<128xi32, #tpu.memory_space<hbm>>) target(%arg8 : memref<128xi32, #tpu.memory_space<vmem>>) target_semaphore(%arg12 : memref<!tpu.dma_semaphore, #tpu.memory_space<semaphore_mem>>)
    %add3A_14 = arith.constant 1 : i32
    %add3A_15 = arith.addi %mul3A_6, %add3A_14 : i32
    %dma_start3A_16 = arith.constant 0 : i32
    %dma_start3A_17 = tpu.memref_slice %arg4[%add3A_15, %dma_start3A_16] : memref<1280x128xi32, #tpu.memory_space<hbm>> -> memref<1x128xi32, #tpu.memory_space<hbm>>
    %dma_start3A_18 = tpu.memref_squeeze %dma_start3A_17 : memref<1x128xi32, #tpu.memory_space<hbm>> -> memref<128xi32, #tpu.memory_space<hbm>>
    %dma_start3A_19 = arith.constant 0 : i32
    %dma_start3A_20 = tpu.memref_slice %arg4[%add3A_15, %dma_start3A_19] : memref<1280x128xi32, #tpu.memory_space<hbm>> -> memref<1x128xi32, #tpu.memory_space<hbm>>
    %dma_start3A_21 = tpu.memref_squeeze %dma_start3A_20 : memref<1x128xi32, #tpu.memory_space<hbm>> -> memref<128xi32, #tpu.memory_space<hbm>>
    tpu.enqueue_dma source(%dma_start3A_21 : memref<128xi32, #tpu.memory_space<hbm>>) target(%arg9 : memref<128xi32, #tpu.memory_space<vmem>>) target_semaphore(%arg13 : memref<!tpu.dma_semaphore, #tpu.memory_space<semaphore_mem>>)
    "tpu.region"() ({
      %run_scoped3A = tpu.sem_alloc : memref<!tpu.dma_semaphore, #tpu.memory_space<semaphore_mem>>
      %dma_start3A_44 = arith.constant 0 : i32
      %dma_start3A_45 = tpu.memref_slice %arg18[%mul3A_0, %dma_start3A_44] : memref<10112x128xf32, #tpu.memory_space<vmem_shared>> -> memref<632x128xf32, #tpu.memory_space<vmem_shared>>
      tpu.enqueue_dma source(%arg5 : memref<632x128xf32, #tpu.memory_space<hbm>>) target(%dma_start3A_45 : memref<632x128xf32, #tpu.memory_space<vmem_shared>>) target_semaphore(%run_scoped3A : memref<!tpu.dma_semaphore, #tpu.memory_space<semaphore_mem>>)
      %dma_wait3A = arith.constant 0 : i32
      %dma_wait3A_46 = tpu.memref_slice %arg18[%mul3A_0, %dma_wait3A] : memref<10112x128xf32, #tpu.memory_space<vmem_shared>> -> memref<632x128xf32, #tpu.memory_space<vmem_shared>>
      tpu.wait_dma2 semaphore(%run_scoped3A : memref<!tpu.dma_semaphore, #tpu.memory_space<semaphore_mem>>) src(%arg5 : memref<632x128xf32, #tpu.memory_space<hbm>>) dst(%dma_wait3A_46 : memref<632x128xf32, #tpu.memory_space<vmem_shared>>)
      tpu.yield
    }) : () -> ()
    %barrier3A = arith.constant 0 : index
    tpu.barrier barrier_id(%barrier3A)
    %dma_start3A_22 = arith.constant 0 : i32
    %dma_start3A_23 = arith.constant 0 : i32
    %dma_start3A_24 = tpu.memref_slice %arg7[%dma_start3A_22, %dma_start3A_23] : memref<80x128xi32, #tpu.memory_space<vmem>> -> memref<1x128xi32, #tpu.memory_space<vmem>>
    %dma_start3A_25 = tpu.memref_squeeze %dma_start3A_24 : memref<1x128xi32, #tpu.memory_space<vmem>> -> memref<128xi32, #tpu.memory_space<vmem>>
    %dma_start3A_26 = arith.constant 0 : i32
    %dma_start3A_27 = arith.constant 0 : i32
    %dma_start3A_28 = tpu.memref_slice %arg2[%dma_start3A_26, %dma_start3A_27] : memref<20000x128xf32, #tpu.memory_space<hbm>> -> memref<20000x128xf32, #tpu.memory_space<hbm>>
    tpu.enqueue_indirect_dma source(%dma_start3A_28 : memref<20000x128xf32, #tpu.memory_space<hbm>>) target(%arg10 : memref<128x128xf32, #tpu.memory_space<vmem>>) offsets(%dma_start3A_25 : memref<128xi32, #tpu.memory_space<vmem>>) semaphore(%arg14 : memref<!tpu.dma_semaphore, #tpu.memory_space<semaphore_mem>>)
    %dma_start3A_29 = arith.constant 1 : i32
    %dma_start3A_30 = arith.constant 0 : i32
    %dma_start3A_31 = tpu.memref_slice %arg7[%dma_start3A_29, %dma_start3A_30] : memref<80x128xi32, #tpu.memory_space<vmem>> -> memref<1x128xi32, #tpu.memory_space<vmem>>
    %dma_start3A_32 = tpu.memref_squeeze %dma_start3A_31 : memref<1x128xi32, #tpu.memory_space<vmem>> -> memref<128xi32, #tpu.memory_space<vmem>>
    %dma_start3A_33 = arith.constant 0 : i32
    %dma_start3A_34 = arith.constant 0 : i32
    %dma_start3A_35 = tpu.memref_slice %arg2[%dma_start3A_33, %dma_start3A_34] : memref<20000x128xf32, #tpu.memory_space<hbm>> -> memref<20000x128xf32, #tpu.memory_space<hbm>>
    tpu.enqueue_indirect_dma source(%dma_start3A_35 : memref<20000x128xf32, #tpu.memory_space<hbm>>) target(%arg11 : memref<128x128xf32, #tpu.memory_space<vmem>>) offsets(%dma_start3A_32 : memref<128xi32, #tpu.memory_space<vmem>>) semaphore(%arg15 : memref<!tpu.dma_semaphore, #tpu.memory_space<semaphore_mem>>)
    %scan3A = arith.constant 0 : i32
    %scan3A_36 = arith.constant 40 : i32
    %scan3A_37 = arith.addi %scan3A, %scan3A_36 : i32
    %scan3A_38 = arith.constant 1 : i32
    scf.for %scan3A_44 = %scan3A to %scan3A_37 step %scan3A_38  : i32 {
      %mul3A_45 = arith.constant 2 : i32
      %mul3A_46 = arith.muli %scan3A_44, %mul3A_45 : i32
      %add3A_47 = arith.constant 0 : i32
      %add3A_48 = arith.addi %add3A_47, %mul3A_46 : i32
      %add3A_49 = arith.constant 0 : i32
      %add3A_50 = arith.addi %add3A_48, %add3A_49 : i32
      %dma_wait3A = arith.constant 0 : i32
      %dma_wait3A_51 = tpu.memref_slice %arg7[%add3A_50, %dma_wait3A] : memref<80x128xi32, #tpu.memory_space<vmem>> -> memref<1x128xi32, #tpu.memory_space<vmem>>
      %dma_wait3A_52 = tpu.memref_squeeze %dma_wait3A_51 : memref<1x128xi32, #tpu.memory_space<vmem>> -> memref<128xi32, #tpu.memory_space<vmem>>
      %dma_wait3A_53 = arith.constant 0 : i32
      %dma_wait3A_54 = arith.constant 0 : i32
      %dma_wait3A_55 = tpu.memref_slice %arg2[%dma_wait3A_53, %dma_wait3A_54] : memref<20000x128xf32, #tpu.memory_space<hbm>> -> memref<20000x128xf32, #tpu.memory_space<hbm>>
      tpu.wait_indirect_dma semaphore(%arg14 : memref<!tpu.dma_semaphore, #tpu.memory_space<semaphore_mem>>) src(%dma_wait3A_55 : memref<20000x128xf32, #tpu.memory_space<hbm>>) dst(%arg10 : memref<128x128xf32, #tpu.memory_space<vmem>>)
      %add3A_56 = arith.addi %mul3A_6, %add3A_48 : i32
      %add3A_57 = arith.constant 0 : i32
      %add3A_58 = arith.addi %add3A_56, %add3A_57 : i32
      %dma_wait3A_59 = arith.constant 0 : i32
      %dma_wait3A_60 = tpu.memref_slice %arg4[%add3A_58, %dma_wait3A_59] : memref<1280x128xi32, #tpu.memory_space<hbm>> -> memref<1x128xi32, #tpu.memory_space<hbm>>
      %dma_wait3A_61 = tpu.memref_squeeze %dma_wait3A_60 : memref<1x128xi32, #tpu.memory_space<hbm>> -> memref<128xi32, #tpu.memory_space<hbm>>
      %dma_wait3A_62 = arith.constant 0 : i32
      %dma_wait3A_63 = tpu.memref_slice %arg4[%add3A_58, %dma_wait3A_62] : memref<1280x128xi32, #tpu.memory_space<hbm>> -> memref<1x128xi32, #tpu.memory_space<hbm>>
      %dma_wait3A_64 = tpu.memref_squeeze %dma_wait3A_63 : memref<1x128xi32, #tpu.memory_space<hbm>> -> memref<128xi32, #tpu.memory_space<hbm>>
      tpu.wait_dma2 semaphore(%arg12 : memref<!tpu.dma_semaphore, #tpu.memory_space<semaphore_mem>>) src(%dma_wait3A_64 : memref<128xi32, #tpu.memory_space<hbm>>) dst(%arg8 : memref<128xi32, #tpu.memory_space<vmem>>)
      %dma_start3A_65 = arith.constant 0 : i32
      %dma_start3A_66 = arith.constant 0 : i32
      %dma_start3A_67 = tpu.memref_slice %arg18[%dma_start3A_65, %dma_start3A_66] : memref<10112x128xf32, #tpu.memory_space<vmem_shared>> -> memref<10112x128xf32, #tpu.memory_space<vmem_shared>>
      tpu.enqueue_indirect_dma source(%arg10 : memref<128x128xf32, #tpu.memory_space<vmem>>) target(%dma_start3A_67 : memref<10112x128xf32, #tpu.memory_space<vmem_shared>>) offsets(%arg8 : memref<128xi32, #tpu.memory_space<vmem>>) semaphore(%arg16 : memref<!tpu.dma_semaphore, #tpu.memory_space<semaphore_mem>>) {add = true}
      %add3A_68 = arith.constant 1 : i32
      %add3A_69 = arith.addi %add3A_48, %add3A_68 : i32
      %dma_wait3A_70 = arith.constant 0 : i32
      %dma_wait3A_71 = tpu.memref_slice %arg7[%add3A_69, %dma_wait3A_70] : memref<80x128xi32, #tpu.memory_space<vmem>> -> memref<1x128xi32, #tpu.memory_space<vmem>>
      %dma_wait3A_72 = tpu.memref_squeeze %dma_wait3A_71 : memref<1x128xi32, #tpu.memory_space<vmem>> -> memref<128xi32, #tpu.memory_space<vmem>>
      %dma_wait3A_73 = arith.constant 0 : i32
      %dma_wait3A_74 = arith.constant 0 : i32
      %dma_wait3A_75 = tpu.memref_slice %arg2[%dma_wait3A_73, %dma_wait3A_74] : memref<20000x128xf32, #tpu.memory_space<hbm>> -> memref<20000x128xf32, #tpu.memory_space<hbm>>
      tpu.wait_indirect_dma semaphore(%arg15 : memref<!tpu.dma_semaphore, #tpu.memory_space<semaphore_mem>>) src(%dma_wait3A_75 : memref<20000x128xf32, #tpu.memory_space<hbm>>) dst(%arg11 : memref<128x128xf32, #tpu.memory_space<vmem>>)
      %add3A_76 = arith.addi %mul3A_6, %add3A_48 : i32
      %add3A_77 = arith.constant 1 : i32
      %add3A_78 = arith.addi %add3A_76, %add3A_77 : i32
      %dma_wait3A_79 = arith.constant 0 : i32
      %dma_wait3A_80 = tpu.memref_slice %arg4[%add3A_78, %dma_wait3A_79] : memref<1280x128xi32, #tpu.memory_space<hbm>> -> memref<1x128xi32, #tpu.memory_space<hbm>>
      %dma_wait3A_81 = tpu.memref_squeeze %dma_wait3A_80 : memref<1x128xi32, #tpu.memory_space<hbm>> -> memref<128xi32, #tpu.memory_space<hbm>>
      %dma_wait3A_82 = arith.constant 0 : i32
      %dma_wait3A_83 = tpu.memref_slice %arg4[%add3A_78, %dma_wait3A_82] : memref<1280x128xi32, #tpu.memory_space<hbm>> -> memref<1x128xi32, #tpu.memory_space<hbm>>
      %dma_wait3A_84 = tpu.memref_squeeze %dma_wait3A_83 : memref<1x128xi32, #tpu.memory_space<hbm>> -> memref<128xi32, #tpu.memory_space<hbm>>
      tpu.wait_dma2 semaphore(%arg13 : memref<!tpu.dma_semaphore, #tpu.memory_space<semaphore_mem>>) src(%dma_wait3A_84 : memref<128xi32, #tpu.memory_space<hbm>>) dst(%arg9 : memref<128xi32, #tpu.memory_space<vmem>>)
      %dma_start3A_85 = arith.constant 0 : i32
      %dma_start3A_86 = arith.constant 0 : i32
      %dma_start3A_87 = tpu.memref_slice %arg18[%dma_start3A_85, %dma_start3A_86] : memref<10112x128xf32, #tpu.memory_space<vmem_shared>> -> memref<10112x128xf32, #tpu.memory_space<vmem_shared>>
      tpu.enqueue_indirect_dma source(%arg11 : memref<128x128xf32, #tpu.memory_space<vmem>>) target(%dma_start3A_87 : memref<10112x128xf32, #tpu.memory_space<vmem_shared>>) offsets(%arg9 : memref<128xi32, #tpu.memory_space<vmem>>) semaphore(%arg17 : memref<!tpu.dma_semaphore, #tpu.memory_space<semaphore_mem>>) {add = true}
      %dma_wait3A_88 = arith.constant 0 : i32
      %dma_wait3A_89 = arith.constant 0 : i32
      %dma_wait3A_90 = tpu.memref_slice %arg18[%dma_wait3A_88, %dma_wait3A_89] : memref<10112x128xf32, #tpu.memory_space<vmem_shared>> -> memref<10112x128xf32, #tpu.memory_space<vmem_shared>>
      tpu.wait_indirect_dma semaphore(%arg16 : memref<!tpu.dma_semaphore, #tpu.memory_space<semaphore_mem>>) src(%arg10 : memref<128x128xf32, #tpu.memory_space<vmem>>) dst(%dma_wait3A_90 : memref<10112x128xf32, #tpu.memory_space<vmem_shared>>)
      %add3A_91 = arith.constant 2 : i32
      %add3A_92 = arith.addi %add3A_48, %add3A_91 : i32
      %add3A_93 = arith.constant 0 : i32
      %add3A_94 = arith.addi %add3A_92, %add3A_93 : i32
      %lt3A = arith.constant 80 : i32
      %lt3A_95 = arith.cmpi slt, %add3A_94, %lt3A : i32
      %convert_element_type3A = arith.extui %lt3A_95 : i1 to i32
      %cond3A = arith.constant 0 : i32
      %cond3A_96 = arith.cmpi ne, %convert_element_type3A, %cond3A : i32
      scf.if %cond3A_96 {
        %add3A_109 = arith.constant 2 : i32
        %add3A_110 = arith.addi %add3A_48, %add3A_109 : i32
        %add3A_111 = arith.constant 0 : i32
        %add3A_112 = arith.addi %add3A_110, %add3A_111 : i32
        %dma_start3A_113 = arith.constant 0 : i32
        %dma_start3A_114 = tpu.memref_slice %arg7[%add3A_112, %dma_start3A_113] : memref<80x128xi32, #tpu.memory_space<vmem>> -> memref<1x128xi32, #tpu.memory_space<vmem>>
        %dma_start3A_115 = tpu.memref_squeeze %dma_start3A_114 : memref<1x128xi32, #tpu.memory_space<vmem>> -> memref<128xi32, #tpu.memory_space<vmem>>
        %dma_start3A_116 = arith.constant 0 : i32
        %dma_start3A_117 = arith.constant 0 : i32
        %dma_start3A_118 = tpu.memref_slice %arg2[%dma_start3A_116, %dma_start3A_117] : memref<20000x128xf32, #tpu.memory_space<hbm>> -> memref<20000x128xf32, #tpu.memory_space<hbm>>
        tpu.enqueue_indirect_dma source(%dma_start3A_118 : memref<20000x128xf32, #tpu.memory_space<hbm>>) target(%arg10 : memref<128x128xf32, #tpu.memory_space<vmem>>) offsets(%dma_start3A_115 : memref<128xi32, #tpu.memory_space<vmem>>) semaphore(%arg14 : memref<!tpu.dma_semaphore, #tpu.memory_space<semaphore_mem>>)
        %add3A_119 = arith.addi %mul3A_6, %add3A_48 : i32
        %add3A_120 = arith.constant 2 : i32
        %add3A_121 = arith.addi %add3A_119, %add3A_120 : i32
        %add3A_122 = arith.constant 0 : i32
        %add3A_123 = arith.addi %add3A_121, %add3A_122 : i32
        %dma_start3A_124 = arith.constant 0 : i32
        %dma_start3A_125 = tpu.memref_slice %arg4[%add3A_123, %dma_start3A_124] : memref<1280x128xi32, #tpu.memory_space<hbm>> -> memref<1x128xi32, #tpu.memory_space<hbm>>
        %dma_start3A_126 = tpu.memref_squeeze %dma_start3A_125 : memref<1x128xi32, #tpu.memory_space<hbm>> -> memref<128xi32, #tpu.memory_space<hbm>>
        %dma_start3A_127 = arith.constant 0 : i32
        %dma_start3A_128 = tpu.memref_slice %arg4[%add3A_123, %dma_start3A_127] : memref<1280x128xi32, #tpu.memory_space<hbm>> -> memref<1x128xi32, #tpu.memory_space<hbm>>
        %dma_start3A_129 = tpu.memref_squeeze %dma_start3A_128 : memref<1x128xi32, #tpu.memory_space<hbm>> -> memref<128xi32, #tpu.memory_space<hbm>>
        tpu.enqueue_dma source(%dma_start3A_129 : memref<128xi32, #tpu.memory_space<hbm>>) target(%arg8 : memref<128xi32, #tpu.memory_space<vmem>>) target_semaphore(%arg12 : memref<!tpu.dma_semaphore, #tpu.memory_space<semaphore_mem>>)
      } else {
      }
      %dma_wait3A_97 = arith.constant 0 : i32
      %dma_wait3A_98 = arith.constant 0 : i32
      %dma_wait3A_99 = tpu.memref_slice %arg18[%dma_wait3A_97, %dma_wait3A_98] : memref<10112x128xf32, #tpu.memory_space<vmem_shared>> -> memref<10112x128xf32, #tpu.memory_space<vmem_shared>>
      tpu.wait_indirect_dma semaphore(%arg17 : memref<!tpu.dma_semaphore, #tpu.memory_space<semaphore_mem>>) src(%arg11 : memref<128x128xf32, #tpu.memory_space<vmem>>) dst(%dma_wait3A_99 : memref<10112x128xf32, #tpu.memory_space<vmem_shared>>)
      %add3A_100 = arith.constant 2 : i32
      %add3A_101 = arith.addi %add3A_48, %add3A_100 : i32
      %add3A_102 = arith.constant 1 : i32
      %add3A_103 = arith.addi %add3A_101, %add3A_102 : i32
      %lt3A_104 = arith.constant 80 : i32
      %lt3A_105 = arith.cmpi slt, %add3A_103, %lt3A_104 : i32
      %convert_element_type3A_106 = arith.extui %lt3A_105 : i1 to i32
      %cond3A_107 = arith.constant 0 : i32
      %cond3A_108 = arith.cmpi ne, %convert_element_type3A_106, %cond3A_107 : i32
      scf.if %cond3A_108 {
        %add3A_109 = arith.constant 2 : i32
        %add3A_110 = arith.addi %add3A_48, %add3A_109 : i32
        %add3A_111 = arith.constant 1 : i32
        %add3A_112 = arith.addi %add3A_110, %add3A_111 : i32
        %dma_start3A_113 = arith.constant 0 : i32
        %dma_start3A_114 = tpu.memref_slice %arg7[%add3A_112, %dma_start3A_113] : memref<80x128xi32, #tpu.memory_space<vmem>> -> memref<1x128xi32, #tpu.memory_space<vmem>>
        %dma_start3A_115 = tpu.memref_squeeze %dma_start3A_114 : memref<1x128xi32, #tpu.memory_space<vmem>> -> memref<128xi32, #tpu.memory_space<vmem>>
        %dma_start3A_116 = arith.constant 0 : i32
        %dma_start3A_117 = arith.constant 0 : i32
        %dma_start3A_118 = tpu.memref_slice %arg2[%dma_start3A_116, %dma_start3A_117] : memref<20000x128xf32, #tpu.memory_space<hbm>> -> memref<20000x128xf32, #tpu.memory_space<hbm>>
        tpu.enqueue_indirect_dma source(%dma_start3A_118 : memref<20000x128xf32, #tpu.memory_space<hbm>>) target(%arg11 : memref<128x128xf32, #tpu.memory_space<vmem>>) offsets(%dma_start3A_115 : memref<128xi32, #tpu.memory_space<vmem>>) semaphore(%arg15 : memref<!tpu.dma_semaphore, #tpu.memory_space<semaphore_mem>>)
        %add3A_119 = arith.addi %mul3A_6, %add3A_48 : i32
        %add3A_120 = arith.constant 2 : i32
        %add3A_121 = arith.addi %add3A_119, %add3A_120 : i32
        %add3A_122 = arith.constant 1 : i32
        %add3A_123 = arith.addi %add3A_121, %add3A_122 : i32
        %dma_start3A_124 = arith.constant 0 : i32
        %dma_start3A_125 = tpu.memref_slice %arg4[%add3A_123, %dma_start3A_124] : memref<1280x128xi32, #tpu.memory_space<hbm>> -> memref<1x128xi32, #tpu.memory_space<hbm>>
        %dma_start3A_126 = tpu.memref_squeeze %dma_start3A_125 : memref<1x128xi32, #tpu.memory_space<hbm>> -> memref<128xi32, #tpu.memory_space<hbm>>
        %dma_start3A_127 = arith.constant 0 : i32
        %dma_start3A_128 = tpu.memref_slice %arg4[%add3A_123, %dma_start3A_127] : memref<1280x128xi32, #tpu.memory_space<hbm>> -> memref<1x128xi32, #tpu.memory_space<hbm>>
        %dma_start3A_129 = tpu.memref_squeeze %dma_start3A_128 : memref<1x128xi32, #tpu.memory_space<hbm>> -> memref<128xi32, #tpu.memory_space<hbm>>
        tpu.enqueue_dma source(%dma_start3A_129 : memref<128xi32, #tpu.memory_space<hbm>>) target(%arg9 : memref<128xi32, #tpu.memory_space<vmem>>) target_semaphore(%arg13 : memref<!tpu.dma_semaphore, #tpu.memory_space<semaphore_mem>>)
      } else {
      }
    }
    %scan3A_39 = arith.constant 40 : i32
    %barrier3A_40 = arith.constant 0 : index
    tpu.barrier barrier_id(%barrier3A_40)
    %mul3A_41 = arith.constant 10112 : i32
    %mul3A_42 = arith.muli %arg0, %mul3A_41 : i32
    %add3A_43 = arith.addi %mul3A_42, %mul3A_0 : i32
    "tpu.region"() ({
      %run_scoped3A = tpu.sem_alloc : memref<!tpu.dma_semaphore, #tpu.memory_space<semaphore_mem>>
      %dma_start3A_44 = arith.constant 0 : i32
      %dma_start3A_45 = tpu.memref_slice %arg6[%add3A_43, %dma_start3A_44] : memref<20224x128xf32, #tpu.memory_space<hbm>> -> memref<632x128xf32, #tpu.memory_space<hbm>>
      %dma_start3A_46 = arith.constant 0 : i32
      %dma_start3A_47 = tpu.memref_slice %arg18[%mul3A_0, %dma_start3A_46] : memref<10112x128xf32, #tpu.memory_space<vmem_shared>> -> memref<632x128xf32, #tpu.memory_space<vmem_shared>>
      tpu.enqueue_dma source(%dma_start3A_47 : memref<632x128xf32, #tpu.memory_space<vmem_shared>>) target(%dma_start3A_45 : memref<632x128xf32, #tpu.memory_space<hbm>>) target_semaphore(%run_scoped3A : memref<!tpu.dma_semaphore, #tpu.memory_space<semaphore_mem>>)
      %dma_wait3A = arith.constant 0 : i32
      %dma_wait3A_48 = tpu.memref_slice %arg6[%add3A_43, %dma_wait3A] : memref<20224x128xf32, #tpu.memory_space<hbm>> -> memref<632x128xf32, #tpu.memory_space<hbm>>
      %dma_wait3A_49 = arith.constant 0 : i32
      %dma_wait3A_50 = tpu.memref_slice %arg18[%mul3A_0, %dma_wait3A_49] : memref<10112x128xf32, #tpu.memory_space<vmem_shared>> -> memref<632x128xf32, #tpu.memory_space<vmem_shared>>
      tpu.wait_dma2 semaphore(%run_scoped3A : memref<!tpu.dma_semaphore, #tpu.memory_space<semaphore_mem>>) src(%dma_wait3A_50 : memref<632x128xf32, #tpu.memory_space<vmem_shared>>) dst(%dma_wait3A_48 : memref<632x128xf32, #tpu.memory_space<hbm>>)
      tpu.yield
    }) : () -> ()
    return
  }
}

#map = affine_map<(d0, d1) -> (0, 0)>
module attributes {stable_mosaic.version = 14 : i64} {
  func.func @k(%arg0: i32, %arg1: i32, %arg2: memref<20000x128xf32, #tpu.memory_space<hbm>>, %arg3: memref<2560x128xi32, #tpu.memory_space<hbm>>, %arg4: memref<1280x128xi32, #tpu.memory_space<hbm>>, %arg5: memref<632x128xf32, #tpu.memory_space<hbm>>, %arg6: memref<20224x128xf32, #tpu.memory_space<hbm>>, %arg7: memref<80x128xi32, #tpu.memory_space<vmem>>, %arg8: memref<128xi32, #tpu.memory_space<vmem>>, %arg9: memref<128xi32, #tpu.memory_space<vmem>>, %arg10: memref<128x128xf32, #tpu.memory_space<vmem>>, %arg11: memref<128x128xf32, #tpu.memory_space<vmem>>, %arg12: memref<!tpu.dma_semaphore, #tpu.memory_space<semaphore_mem>>, %arg13: memref<!tpu.dma_semaphore, #tpu.memory_space<semaphore_mem>>, %arg14: memref<!tpu.dma_semaphore, #tpu.memory_space<semaphore_mem>>, %arg15: memref<!tpu.dma_semaphore, #tpu.memory_space<semaphore_mem>>, %arg16: memref<!tpu.dma_semaphore, #tpu.memory_space<semaphore_mem>>, %arg17: memref<!tpu.dma_semaphore, #tpu.memory_space<semaphore_mem>>, %arg18: memref<10112x128xf32, #tpu.memory_space<vmem_shared>>) attributes {dimension_semantics = [#tpu.dimension_semantics<core_parallel>, #tpu.dimension_semantics<subcore_parallel>], iteration_bounds = array<i64: 2, 16>, scalar_prefetch = 0 : i64, scratch_operands = 12 : i64, tpu.core_type = #tpu.core_type<sc_vector_subcore>, window_params = [{transform_indices = #map}, {transform_indices = #map}, {transform_indices = #map}, {transform_indices = #map}, {transform_indices = #map}]} {
    %mul3A = arith.constant 632 : i32
    %mul3A_0 = arith.muli %arg1, %mul3A : i32
    %mul3A_1 = arith.constant 1280 : i32
    %mul3A_2 = arith.muli %arg0, %mul3A_1 : i32
    %mul3A_3 = arith.constant 80 : i32
    %mul3A_4 = arith.muli %arg1, %mul3A_3 : i32
    %add3A = arith.addi %mul3A_2, %mul3A_4 : i32
    %mul3A_5 = arith.constant 80 : i32
    %mul3A_6 = arith.muli %arg1, %mul3A_5 : i32
    "tpu.region"() ({
      %run_scoped3A = tpu.sem_alloc : memref<!tpu.dma_semaphore, #tpu.memory_space<semaphore_mem>>
      %dma_start3A_44 = arith.constant 0 : i32
      %dma_start3A_45 = tpu.memref_slice %arg3[%add3A, %dma_start3A_44] : memref<2560x128xi32, #tpu.memory_space<hbm>> -> memref<80x128xi32, #tpu.memory_space<hbm>>
      %dma_start3A_46 = arith.constant 0 : i32
      %dma_start3A_47 = tpu.memref_slice %arg3[%add3A, %dma_start3A_46] : memref<2560x128xi32, #tpu.memory_space<hbm>> -> memref<80x128xi32, #tpu.memory_space<hbm>>
      tpu.enqueue_dma source(%dma_start3A_47 : memref<80x128xi32, #tpu.memory_space<hbm>>) target(%arg7 : memref<80x128xi32, #tpu.memory_space<vmem>>) target_semaphore(%run_scoped3A : memref<!tpu.dma_semaphore, #tpu.memory_space<semaphore_mem>>)
      %dma_wait3A = arith.constant 0 : i32
      %dma_wait3A_48 = tpu.memref_slice %arg3[%add3A, %dma_wait3A] : memref<2560x128xi32, #tpu.memory_space<hbm>> -> memref<80x128xi32, #tpu.memory_space<hbm>>
      %dma_wait3A_49 = arith.constant 0 : i32
      %dma_wait3A_50 = tpu.memref_slice %arg3[%add3A, %dma_wait3A_49] : memref<2560x128xi32, #tpu.memory_space<hbm>> -> memref<80x128xi32, #tpu.memory_space<hbm>>
      tpu.wait_dma2 semaphore(%run_scoped3A : memref<!tpu.dma_semaphore, #tpu.memory_space<semaphore_mem>>) src(%dma_wait3A_50 : memref<80x128xi32, #tpu.memory_space<hbm>>) dst(%arg7 : memref<80x128xi32, #tpu.memory_space<vmem>>)
      tpu.yield
    }) : () -> ()
    %add3A_7 = arith.constant 0 : i32
    %add3A_8 = arith.addi %mul3A_6, %add3A_7 : i32
    %dma_start3A = arith.constant 0 : i32
    %dma_start3A_9 = tpu.memref_slice %arg4[%add3A_8, %dma_start3A] : memref<1280x128xi32, #tpu.memory_space<hbm>> -> memref<1x128xi32, #tpu.memory_space<hbm>>
    %dma_start3A_10 = tpu.memref_squeeze %dma_start3A_9 : memref<1x128xi32, #tpu.memory_space<hbm>> -> memref<128xi32, #tpu.memory_space<hbm>>
    %dma_start3A_11 = arith.constant 0 : i32
    %dma_start3A_12 = tpu.memref_slice %arg4[%add3A_8, %dma_start3A_11] : memref<1280x128xi32, #tpu.memory_space<hbm>> -> memref<1x128xi32, #tpu.memory_space<hbm>>
    %dma_start3A_13 = tpu.memref_squeeze %dma_start3A_12 : memref<1x128xi32, #tpu.memory_space<hbm>> -> memref<128xi32, #tpu.memory_space<hbm>>
    tpu.enqueue_dma source(%dma_start3A_13 : memref<128xi32, #tpu.memory_space<hbm>>) target(%arg8 : memref<128xi32, #tpu.memory_space<vmem>>) target_semaphore(%arg12 : memref<!tpu.dma_semaphore, #tpu.memory_space<semaphore_mem>>)
    %add3A_14 = arith.constant 1 : i32
    %add3A_15 = arith.addi %mul3A_6, %add3A_14 : i32
    %dma_start3A_16 = arith.constant 0 : i32
    %dma_start3A_17 = tpu.memref_slice %arg4[%add3A_15, %dma_start3A_16] : memref<1280x128xi32, #tpu.memory_space<hbm>> -> memref<1x128xi32, #tpu.memory_space<hbm>>
    %dma_start3A_18 = tpu.memref_squeeze %dma_start3A_17 : memref<1x128xi32, #tpu.memory_space<hbm>> -> memref<128xi32, #tpu.memory_space<hbm>>
    %dma_start3A_19 = arith.constant 0 : i32
    %dma_start3A_20 = tpu.memref_slice %arg4[%add3A_15, %dma_start3A_19] : memref<1280x128xi32, #tpu.memory_space<hbm>> -> memref<1x128xi32, #tpu.memory_space<hbm>>
    %dma_start3A_21 = tpu.memref_squeeze %dma_start3A_20 : memref<1x128xi32, #tpu.memory_space<hbm>> -> memref<128xi32, #tpu.memory_space<hbm>>
    tpu.enqueue_dma source(%dma_start3A_21 : memref<128xi32, #tpu.memory_space<hbm>>) target(%arg9 : memref<128xi32, #tpu.memory_space<vmem>>) target_semaphore(%arg13 : memref<!tpu.dma_semaphore, #tpu.memory_space<semaphore_mem>>)
    "tpu.region"() ({
      %run_scoped3A = tpu.sem_alloc : memref<!tpu.dma_semaphore, #tpu.memory_space<semaphore_mem>>
      %dma_start3A_44 = arith.constant 0 : i32
      %dma_start3A_45 = tpu.memref_slice %arg18[%mul3A_0, %dma_start3A_44] : memref<10112x128xf32, #tpu.memory_space<vmem_shared>> -> memref<632x128xf32, #tpu.memory_space<vmem_shared>>
      tpu.enqueue_dma source(%arg5 : memref<632x128xf32, #tpu.memory_space<hbm>>) target(%dma_start3A_45 : memref<632x128xf32, #tpu.memory_space<vmem_shared>>) target_semaphore(%run_scoped3A : memref<!tpu.dma_semaphore, #tpu.memory_space<semaphore_mem>>)
      %dma_wait3A = arith.constant 0 : i32
      %dma_wait3A_46 = tpu.memref_slice %arg18[%mul3A_0, %dma_wait3A] : memref<10112x128xf32, #tpu.memory_space<vmem_shared>> -> memref<632x128xf32, #tpu.memory_space<vmem_shared>>
      tpu.wait_dma2 semaphore(%run_scoped3A : memref<!tpu.dma_semaphore, #tpu.memory_space<semaphore_mem>>) src(%arg5 : memref<632x128xf32, #tpu.memory_space<hbm>>) dst(%dma_wait3A_46 : memref<632x128xf32, #tpu.memory_space<vmem_shared>>)
      tpu.yield
    }) : () -> ()
    %barrier3A = arith.constant 0 : index
    tpu.barrier barrier_id(%barrier3A)
    %dma_start3A_22 = arith.constant 0 : i32
    %dma_start3A_23 = arith.constant 0 : i32
    %dma_start3A_24 = tpu.memref_slice %arg7[%dma_start3A_22, %dma_start3A_23] : memref<80x128xi32, #tpu.memory_space<vmem>> -> memref<1x128xi32, #tpu.memory_space<vmem>>
    %dma_start3A_25 = tpu.memref_squeeze %dma_start3A_24 : memref<1x128xi32, #tpu.memory_space<vmem>> -> memref<128xi32, #tpu.memory_space<vmem>>
    %dma_start3A_26 = arith.constant 0 : i32
    %dma_start3A_27 = arith.constant 0 : i32
    %dma_start3A_28 = tpu.memref_slice %arg2[%dma_start3A_26, %dma_start3A_27] : memref<20000x128xf32, #tpu.memory_space<hbm>> -> memref<20000x128xf32, #tpu.memory_space<hbm>>
    tpu.enqueue_indirect_dma source(%dma_start3A_28 : memref<20000x128xf32, #tpu.memory_space<hbm>>) target(%arg10 : memref<128x128xf32, #tpu.memory_space<vmem>>) offsets(%dma_start3A_25 : memref<128xi32, #tpu.memory_space<vmem>>) semaphore(%arg14 : memref<!tpu.dma_semaphore, #tpu.memory_space<semaphore_mem>>)
    %dma_start3A_29 = arith.constant 1 : i32
    %dma_start3A_30 = arith.constant 0 : i32
    %dma_start3A_31 = tpu.memref_slice %arg7[%dma_start3A_29, %dma_start3A_30] : memref<80x128xi32, #tpu.memory_space<vmem>> -> memref<1x128xi32, #tpu.memory_space<vmem>>
    %dma_start3A_32 = tpu.memref_squeeze %dma_start3A_31 : memref<1x128xi32, #tpu.memory_space<vmem>> -> memref<128xi32, #tpu.memory_space<vmem>>
    %dma_start3A_33 = arith.constant 0 : i32
    %dma_start3A_34 = arith.constant 0 : i32
    %dma_start3A_35 = tpu.memref_slice %arg2[%dma_start3A_33, %dma_start3A_34] : memref<20000x128xf32, #tpu.memory_space<hbm>> -> memref<20000x128xf32, #tpu.memory_space<hbm>>
    tpu.enqueue_indirect_dma source(%dma_start3A_35 : memref<20000x128xf32, #tpu.memory_space<hbm>>) target(%arg11 : memref<128x128xf32, #tpu.memory_space<vmem>>) offsets(%dma_start3A_32 : memref<128xi32, #tpu.memory_space<vmem>>) semaphore(%arg15 : memref<!tpu.dma_semaphore, #tpu.memory_space<semaphore_mem>>)
    %scan3A = arith.constant 0 : i32
    %scan3A_36 = arith.constant 40 : i32
    %scan3A_37 = arith.addi %scan3A, %scan3A_36 : i32
    %scan3A_38 = arith.constant 1 : i32
    scf.for %scan3A_44 = %scan3A to %scan3A_37 step %scan3A_38  : i32 {
      %mul3A_45 = arith.constant 2 : i32
      %mul3A_46 = arith.muli %scan3A_44, %mul3A_45 : i32
      %add3A_47 = arith.constant 0 : i32
      %add3A_48 = arith.addi %add3A_47, %mul3A_46 : i32
      %add3A_49 = arith.constant 0 : i32
      %add3A_50 = arith.addi %add3A_48, %add3A_49 : i32
      %dma_wait3A = arith.constant 0 : i32
      %dma_wait3A_51 = tpu.memref_slice %arg7[%add3A_50, %dma_wait3A] : memref<80x128xi32, #tpu.memory_space<vmem>> -> memref<1x128xi32, #tpu.memory_space<vmem>>
      %dma_wait3A_52 = tpu.memref_squeeze %dma_wait3A_51 : memref<1x128xi32, #tpu.memory_space<vmem>> -> memref<128xi32, #tpu.memory_space<vmem>>
      %dma_wait3A_53 = arith.constant 0 : i32
      %dma_wait3A_54 = arith.constant 0 : i32
      %dma_wait3A_55 = tpu.memref_slice %arg2[%dma_wait3A_53, %dma_wait3A_54] : memref<20000x128xf32, #tpu.memory_space<hbm>> -> memref<20000x128xf32, #tpu.memory_space<hbm>>
      tpu.wait_indirect_dma semaphore(%arg14 : memref<!tpu.dma_semaphore, #tpu.memory_space<semaphore_mem>>) src(%dma_wait3A_55 : memref<20000x128xf32, #tpu.memory_space<hbm>>) dst(%arg10 : memref<128x128xf32, #tpu.memory_space<vmem>>)
      %add3A_56 = arith.addi %mul3A_6, %add3A_48 : i32
      %add3A_57 = arith.constant 0 : i32
      %add3A_58 = arith.addi %add3A_56, %add3A_57 : i32
      %dma_wait3A_59 = arith.constant 0 : i32
      %dma_wait3A_60 = tpu.memref_slice %arg4[%add3A_58, %dma_wait3A_59] : memref<1280x128xi32, #tpu.memory_space<hbm>> -> memref<1x128xi32, #tpu.memory_space<hbm>>
      %dma_wait3A_61 = tpu.memref_squeeze %dma_wait3A_60 : memref<1x128xi32, #tpu.memory_space<hbm>> -> memref<128xi32, #tpu.memory_space<hbm>>
      %dma_wait3A_62 = arith.constant 0 : i32
      %dma_wait3A_63 = tpu.memref_slice %arg4[%add3A_58, %dma_wait3A_62] : memref<1280x128xi32, #tpu.memory_space<hbm>> -> memref<1x128xi32, #tpu.memory_space<hbm>>
      %dma_wait3A_64 = tpu.memref_squeeze %dma_wait3A_63 : memref<1x128xi32, #tpu.memory_space<hbm>> -> memref<128xi32, #tpu.memory_space<hbm>>
      tpu.wait_dma2 semaphore(%arg12 : memref<!tpu.dma_semaphore, #tpu.memory_space<semaphore_mem>>) src(%dma_wait3A_64 : memref<128xi32, #tpu.memory_space<hbm>>) dst(%arg8 : memref<128xi32, #tpu.memory_space<vmem>>)
      %dma_start3A_65 = arith.constant 0 : i32
      %dma_start3A_66 = arith.constant 0 : i32
      %dma_start3A_67 = tpu.memref_slice %arg18[%dma_start3A_65, %dma_start3A_66] : memref<10112x128xf32, #tpu.memory_space<vmem_shared>> -> memref<10112x128xf32, #tpu.memory_space<vmem_shared>>
      tpu.enqueue_indirect_dma source(%arg10 : memref<128x128xf32, #tpu.memory_space<vmem>>) target(%dma_start3A_67 : memref<10112x128xf32, #tpu.memory_space<vmem_shared>>) offsets(%arg8 : memref<128xi32, #tpu.memory_space<vmem>>) semaphore(%arg16 : memref<!tpu.dma_semaphore, #tpu.memory_space<semaphore_mem>>) {add = true}
      %add3A_68 = arith.constant 1 : i32
      %add3A_69 = arith.addi %add3A_48, %add3A_68 : i32
      %dma_wait3A_70 = arith.constant 0 : i32
      %dma_wait3A_71 = tpu.memref_slice %arg7[%add3A_69, %dma_wait3A_70] : memref<80x128xi32, #tpu.memory_space<vmem>> -> memref<1x128xi32, #tpu.memory_space<vmem>>
      %dma_wait3A_72 = tpu.memref_squeeze %dma_wait3A_71 : memref<1x128xi32, #tpu.memory_space<vmem>> -> memref<128xi32, #tpu.memory_space<vmem>>
      %dma_wait3A_73 = arith.constant 0 : i32
      %dma_wait3A_74 = arith.constant 0 : i32
      %dma_wait3A_75 = tpu.memref_slice %arg2[%dma_wait3A_73, %dma_wait3A_74] : memref<20000x128xf32, #tpu.memory_space<hbm>> -> memref<20000x128xf32, #tpu.memory_space<hbm>>
      tpu.wait_indirect_dma semaphore(%arg15 : memref<!tpu.dma_semaphore, #tpu.memory_space<semaphore_mem>>) src(%dma_wait3A_75 : memref<20000x128xf32, #tpu.memory_space<hbm>>) dst(%arg11 : memref<128x128xf32, #tpu.memory_space<vmem>>)
      %add3A_76 = arith.addi %mul3A_6, %add3A_48 : i32
      %add3A_77 = arith.constant 1 : i32
      %add3A_78 = arith.addi %add3A_76, %add3A_77 : i32
      %dma_wait3A_79 = arith.constant 0 : i32
      %dma_wait3A_80 = tpu.memref_slice %arg4[%add3A_78, %dma_wait3A_79] : memref<1280x128xi32, #tpu.memory_space<hbm>> -> memref<1x128xi32, #tpu.memory_space<hbm>>
      %dma_wait3A_81 = tpu.memref_squeeze %dma_wait3A_80 : memref<1x128xi32, #tpu.memory_space<hbm>> -> memref<128xi32, #tpu.memory_space<hbm>>
      %dma_wait3A_82 = arith.constant 0 : i32
      %dma_wait3A_83 = tpu.memref_slice %arg4[%add3A_78, %dma_wait3A_82] : memref<1280x128xi32, #tpu.memory_space<hbm>> -> memref<1x128xi32, #tpu.memory_space<hbm>>
      %dma_wait3A_84 = tpu.memref_squeeze %dma_wait3A_83 : memref<1x128xi32, #tpu.memory_space<hbm>> -> memref<128xi32, #tpu.memory_space<hbm>>
      tpu.wait_dma2 semaphore(%arg13 : memref<!tpu.dma_semaphore, #tpu.memory_space<semaphore_mem>>) src(%dma_wait3A_84 : memref<128xi32, #tpu.memory_space<hbm>>) dst(%arg9 : memref<128xi32, #tpu.memory_space<vmem>>)
      %dma_start3A_85 = arith.constant 0 : i32
      %dma_start3A_86 = arith.constant 0 : i32
      %dma_start3A_87 = tpu.memref_slice %arg18[%dma_start3A_85, %dma_start3A_86] : memref<10112x128xf32, #tpu.memory_space<vmem_shared>> -> memref<10112x128xf32, #tpu.memory_space<vmem_shared>>
      tpu.enqueue_indirect_dma source(%arg11 : memref<128x128xf32, #tpu.memory_space<vmem>>) target(%dma_start3A_87 : memref<10112x128xf32, #tpu.memory_space<vmem_shared>>) offsets(%arg9 : memref<128xi32, #tpu.memory_space<vmem>>) semaphore(%arg17 : memref<!tpu.dma_semaphore, #tpu.memory_space<semaphore_mem>>) {add = true}
      %dma_wait3A_88 = arith.constant 0 : i32
      %dma_wait3A_89 = arith.constant 0 : i32
      %dma_wait3A_90 = tpu.memref_slice %arg18[%dma_wait3A_88, %dma_wait3A_89] : memref<10112x128xf32, #tpu.memory_space<vmem_shared>> -> memref<10112x128xf32, #tpu.memory_space<vmem_shared>>
      tpu.wait_indirect_dma semaphore(%arg16 : memref<!tpu.dma_semaphore, #tpu.memory_space<semaphore_mem>>) src(%arg10 : memref<128x128xf32, #tpu.memory_space<vmem>>) dst(%dma_wait3A_90 : memref<10112x128xf32, #tpu.memory_space<vmem_shared>>)
      %add3A_91 = arith.constant 2 : i32
      %add3A_92 = arith.addi %add3A_48, %add3A_91 : i32
      %add3A_93 = arith.constant 0 : i32
      %add3A_94 = arith.addi %add3A_92, %add3A_93 : i32
      %lt3A = arith.constant 80 : i32
      %lt3A_95 = arith.cmpi slt, %add3A_94, %lt3A : i32
      %convert_element_type3A = arith.extui %lt3A_95 : i1 to i32
      %cond3A = arith.constant 0 : i32
      %cond3A_96 = arith.cmpi ne, %convert_element_type3A, %cond3A : i32
      scf.if %cond3A_96 {
        %add3A_109 = arith.constant 2 : i32
        %add3A_110 = arith.addi %add3A_48, %add3A_109 : i32
        %add3A_111 = arith.constant 0 : i32
        %add3A_112 = arith.addi %add3A_110, %add3A_111 : i32
        %dma_start3A_113 = arith.constant 0 : i32
        %dma_start3A_114 = tpu.memref_slice %arg7[%add3A_112, %dma_start3A_113] : memref<80x128xi32, #tpu.memory_space<vmem>> -> memref<1x128xi32, #tpu.memory_space<vmem>>
        %dma_start3A_115 = tpu.memref_squeeze %dma_start3A_114 : memref<1x128xi32, #tpu.memory_space<vmem>> -> memref<128xi32, #tpu.memory_space<vmem>>
        %dma_start3A_116 = arith.constant 0 : i32
        %dma_start3A_117 = arith.constant 0 : i32
        %dma_start3A_118 = tpu.memref_slice %arg2[%dma_start3A_116, %dma_start3A_117] : memref<20000x128xf32, #tpu.memory_space<hbm>> -> memref<20000x128xf32, #tpu.memory_space<hbm>>
        tpu.enqueue_indirect_dma source(%dma_start3A_118 : memref<20000x128xf32, #tpu.memory_space<hbm>>) target(%arg10 : memref<128x128xf32, #tpu.memory_space<vmem>>) offsets(%dma_start3A_115 : memref<128xi32, #tpu.memory_space<vmem>>) semaphore(%arg14 : memref<!tpu.dma_semaphore, #tpu.memory_space<semaphore_mem>>)
        %add3A_119 = arith.addi %mul3A_6, %add3A_48 : i32
        %add3A_120 = arith.constant 2 : i32
        %add3A_121 = arith.addi %add3A_119, %add3A_120 : i32
        %add3A_122 = arith.constant 0 : i32
        %add3A_123 = arith.addi %add3A_121, %add3A_122 : i32
        %dma_start3A_124 = arith.constant 0 : i32
        %dma_start3A_125 = tpu.memref_slice %arg4[%add3A_123, %dma_start3A_124] : memref<1280x128xi32, #tpu.memory_space<hbm>> -> memref<1x128xi32, #tpu.memory_space<hbm>>
        %dma_start3A_126 = tpu.memref_squeeze %dma_start3A_125 : memref<1x128xi32, #tpu.memory_space<hbm>> -> memref<128xi32, #tpu.memory_space<hbm>>
        %dma_start3A_127 = arith.constant 0 : i32
        %dma_start3A_128 = tpu.memref_slice %arg4[%add3A_123, %dma_start3A_127] : memref<1280x128xi32, #tpu.memory_space<hbm>> -> memref<1x128xi32, #tpu.memory_space<hbm>>
        %dma_start3A_129 = tpu.memref_squeeze %dma_start3A_128 : memref<1x128xi32, #tpu.memory_space<hbm>> -> memref<128xi32, #tpu.memory_space<hbm>>
        tpu.enqueue_dma source(%dma_start3A_129 : memref<128xi32, #tpu.memory_space<hbm>>) target(%arg8 : memref<128xi32, #tpu.memory_space<vmem>>) target_semaphore(%arg12 : memref<!tpu.dma_semaphore, #tpu.memory_space<semaphore_mem>>)
      } else {
      }
      %dma_wait3A_97 = arith.constant 0 : i32
      %dma_wait3A_98 = arith.constant 0 : i32
      %dma_wait3A_99 = tpu.memref_slice %arg18[%dma_wait3A_97, %dma_wait3A_98] : memref<10112x128xf32, #tpu.memory_space<vmem_shared>> -> memref<10112x128xf32, #tpu.memory_space<vmem_shared>>
      tpu.wait_indirect_dma semaphore(%arg17 : memref<!tpu.dma_semaphore, #tpu.memory_space<semaphore_mem>>) src(%arg11 : memref<128x128xf32, #tpu.memory_space<vmem>>) dst(%dma_wait3A_99 : memref<10112x128xf32, #tpu.memory_space<vmem_shared>>)
      %add3A_100 = arith.constant 2 : i32
      %add3A_101 = arith.addi %add3A_48, %add3A_100 : i32
      %add3A_102 = arith.constant 1 : i32
      %add3A_103 = arith.addi %add3A_101, %add3A_102 : i32
      %lt3A_104 = arith.constant 80 : i32
      %lt3A_105 = arith.cmpi slt, %add3A_103, %lt3A_104 : i32
      %convert_element_type3A_106 = arith.extui %lt3A_105 : i1 to i32
      %cond3A_107 = arith.constant 0 : i32
      %cond3A_108 = arith.cmpi ne, %convert_element_type3A_106, %cond3A_107 : i32
      scf.if %cond3A_108 {
        %add3A_109 = arith.constant 2 : i32
        %add3A_110 = arith.addi %add3A_48, %add3A_109 : i32
        %add3A_111 = arith.constant 1 : i32
        %add3A_112 = arith.addi %add3A_110, %add3A_111 : i32
        %dma_start3A_113 = arith.constant 0 : i32
        %dma_start3A_114 = tpu.memref_slice %arg7[%add3A_112, %dma_start3A_113] : memref<80x128xi32, #tpu.memory_space<vmem>> -> memref<1x128xi32, #tpu.memory_space<vmem>>
        %dma_start3A_115 = tpu.memref_squeeze %dma_start3A_114 : memref<1x128xi32, #tpu.memory_space<vmem>> -> memref<128xi32, #tpu.memory_space<vmem>>
        %dma_start3A_116 = arith.constant 0 : i32
        %dma_start3A_117 = arith.constant 0 : i32
        %dma_start3A_118 = tpu.memref_slice %arg2[%dma_start3A_116, %dma_start3A_117] : memref<20000x128xf32, #tpu.memory_space<hbm>> -> memref<20000x128xf32, #tpu.memory_space<hbm>>
        tpu.enqueue_indirect_dma source(%dma_start3A_118 : memref<20000x128xf32, #tpu.memory_space<hbm>>) target(%arg11 : memref<128x128xf32, #tpu.memory_space<vmem>>) offsets(%dma_start3A_115 : memref<128xi32, #tpu.memory_space<vmem>>) semaphore(%arg15 : memref<!tpu.dma_semaphore, #tpu.memory_space<semaphore_mem>>)
        %add3A_119 = arith.addi %mul3A_6, %add3A_48 : i32
        %add3A_120 = arith.constant 2 : i32
        %add3A_121 = arith.addi %add3A_119, %add3A_120 : i32
        %add3A_122 = arith.constant 1 : i32
        %add3A_123 = arith.addi %add3A_121, %add3A_122 : i32
        %dma_start3A_124 = arith.constant 0 : i32
        %dma_start3A_125 = tpu.memref_slice %arg4[%add3A_123, %dma_start3A_124] : memref<1280x128xi32, #tpu.memory_space<hbm>> -> memref<1x128xi32, #tpu.memory_space<hbm>>
        %dma_start3A_126 = tpu.memref_squeeze %dma_start3A_125 : memref<1x128xi32, #tpu.memory_space<hbm>> -> memref<128xi32, #tpu.memory_space<hbm>>
        %dma_start3A_127 = arith.constant 0 : i32
        %dma_start3A_128 = tpu.memref_slice %arg4[%add3A_123, %dma_start3A_127] : memref<1280x128xi32, #tpu.memory_space<hbm>> -> memref<1x128xi32, #tpu.memory_space<hbm>>
        %dma_start3A_129 = tpu.memref_squeeze %dma_start3A_128 : memref<1x128xi32, #tpu.memory_space<hbm>> -> memref<128xi32, #tpu.memory_space<hbm>>
        tpu.enqueue_dma source(%dma_start3A_129 : memref<128xi32, #tpu.memory_space<hbm>>) target(%arg9 : memref<128xi32, #tpu.memory_space<vmem>>) target_semaphore(%arg13 : memref<!tpu.dma_semaphore, #tpu.memory_space<semaphore_mem>>)
      } else {
      }
    }
    %scan3A_39 = arith.constant 40 : i32
    %barrier3A_40 = arith.constant 0 : index
    tpu.barrier barrier_id(%barrier3A_40)
    %mul3A_41 = arith.constant 10112 : i32
    %mul3A_42 = arith.muli %arg0, %mul3A_41 : i32
    %add3A_43 = arith.addi %mul3A_42, %mul3A_0 : i32
    "tpu.region"() ({
      %run_scoped3A = tpu.sem_alloc : memref<!tpu.dma_semaphore, #tpu.memory_space<semaphore_mem>>
      %dma_start3A_44 = arith.constant 0 : i32
      %dma_start3A_45 = tpu.memref_slice %arg6[%add3A_43, %dma_start3A_44] : memref<20224x128xf32, #tpu.memory_space<hbm>> -> memref<632x128xf32, #tpu.memory_space<hbm>>
      %dma_start3A_46 = arith.constant 0 : i32
      %dma_start3A_47 = tpu.memref_slice %arg18[%mul3A_0, %dma_start3A_46] : memref<10112x128xf32, #tpu.memory_space<vmem_shared>> -> memref<632x128xf32, #tpu.memory_space<vmem_shared>>
      tpu.enqueue_dma source(%dma_start3A_47 : memref<632x128xf32, #tpu.memory_space<vmem_shared>>) target(%dma_start3A_45 : memref<632x128xf32, #tpu.memory_space<hbm>>) target_semaphore(%run_scoped3A : memref<!tpu.dma_semaphore, #tpu.memory_space<semaphore_mem>>)
      %dma_wait3A = arith.constant 0 : i32
      %dma_wait3A_48 = tpu.memref_slice %arg6[%add3A_43, %dma_wait3A] : memref<20224x128xf32, #tpu.memory_space<hbm>> -> memref<632x128xf32, #tpu.memory_space<hbm>>
      %dma_wait3A_49 = arith.constant 0 : i32
      %dma_wait3A_50 = tpu.memref_slice %arg18[%mul3A_0, %dma_wait3A_49] : memref<10112x128xf32, #tpu.memory_space<vmem_shared>> -> memref<632x128xf32, #tpu.memory_space<vmem_shared>>
      tpu.wait_dma2 semaphore(%run_scoped3A : memref<!tpu.dma_semaphore, #tpu.memory_space<semaphore_mem>>) src(%dma_wait3A_50 : memref<632x128xf32, #tpu.memory_space<vmem_shared>>) dst(%dma_wait3A_48 : memref<632x128xf32, #tpu.memory_space<hbm>>)
      tpu.yield
    }) : () -> ()
    return
  }
}

module attributes {stable_mosaic.version = 14 : i64} {
  func.func @body(%arg0: i32, %arg1: memref<1000x256xf32, #tpu.memory_space<vmem>>, %arg2: memref<256x256xf32, #tpu.memory_space<vmem>>, %arg3: memref<1x256xf32, #tpu.memory_space<vmem>>, %arg4: memref<256x256xf32, #tpu.memory_space<vmem>>, %arg5: memref<2x1000x128xf32, #tpu.memory_space<vmem>>, %arg6: memref<2x1000x128xf32, #tpu.memory_space<vmem>>) attributes {dimension_semantics = [#tpu.dimension_semantics<arbitrary>], iteration_bounds = array<i64: 10>, scalar_prefetch = 0 : i64, scratch_operands = 0 : i64, tpu.core_type = #tpu.core_type<tc>, window_params = [{transform_indices = @transform_0, window_bounds = array<i64: 1000, 256>}, {pipeline_mode = #tpu.pipeline_mode<synchronous>, transform_indices = @transform_1, window_bounds = array<i64: 256, 256>}, {pipeline_mode = #tpu.pipeline_mode<synchronous>, transform_indices = @transform_2, window_bounds = array<i64: 1, 256>}, {pipeline_mode = #tpu.pipeline_mode<synchronous>, transform_indices = @transform_3, window_bounds = array<i64: 256, 256>}, {transform_indices = @transform_4, window_bounds = array<i64: 2, 1000, 128>}, {transform_indices = @transform_5, window_bounds = array<i64: 2, 1000, 128>}]} {
    %get3A = arith.constant 0 : index
    %get3A_0 = arith.constant 0 : index
    %get3A_1 = arith.constant 0 : index
    %get3A_2 = vector.load %arg5[%get3A, %get3A_0, %get3A_1] : memref<2x1000x128xf32, #tpu.memory_space<vmem>>, vector<1x1000x1xf32>
    %get3A_3 = vector.shape_cast %get3A_2 : vector<1x1000x1xf32> to vector<1000xf32>
    %get3A_4 = arith.constant 1 : index
    %get3A_5 = arith.constant 0 : index
    %get3A_6 = arith.constant 0 : index
    %get3A_7 = vector.load %arg5[%get3A_4, %get3A_5, %get3A_6] : memref<2x1000x128xf32, #tpu.memory_space<vmem>>, vector<1x1000x1xf32>
    %get3A_8 = vector.shape_cast %get3A_7 : vector<1x1000x1xf32> to vector<1000xf32>
    %add3A = arith.addf %get3A_3, %get3A_8 : vector<1000xf32>
    %add3A_9 = arith.constant 1.000000e+00 : f32
    %add3A_10 = vector.broadcast %add3A_9 : f32 to vector<1000xf32>
    %add3A_11 = arith.addf %add3A, %add3A_10 : vector<1000xf32>
    %sqrt3A = math.sqrt %add3A_11 : vector<1000xf32>
    %div3A = arith.constant 1.000000e+00 : f32
    %div3A_12 = vector.broadcast %div3A : f32 to vector<1000xf32>
    %div3A_13 = arith.divf %div3A_12, %sqrt3A : vector<1000xf32>
    %broadcast_in_dim3A = vector.shape_cast %div3A_13 : vector<1000xf32> to vector<1000x1xf32>
    %get3A_14 = arith.constant 0 : index
    %get3A_15 = arith.constant 0 : index
    %get3A_16 = vector.load %arg1[%get3A_14, %get3A_15] : memref<1000x256xf32, #tpu.memory_space<vmem>>, vector<1000x256xf32>
    %get3A_17 = arith.constant 0 : index
    %get3A_18 = arith.constant 0 : index
    %get3A_19 = vector.load %arg2[%get3A_17, %get3A_18] : memref<256x256xf32, #tpu.memory_space<vmem>>, vector<256x256xf32>
    %dot_general3A = arith.constant dense<0.000000e+00> : vector<1000x256xf32>
    %dot_general3A_20 = tpu.matmul %get3A_16, %get3A_19, %dot_general3A {dimension_numbers = #tpu.dot_dimension_numbers<[1], [0], [0], [1], [0, 0, 1, 1], [], []>, transpose_lhs_hint = false} : vector<1000x256xf32>, vector<256x256xf32>, vector<1000x256xf32> -> vector<1000x256xf32>
    %get3A_21 = arith.constant 0 : index
    %get3A_22 = arith.constant 0 : index
    %get3A_23 = vector.load %arg3[%get3A_21, %get3A_22] : memref<1x256xf32, #tpu.memory_space<vmem>>, vector<1x256xf32>
    %add3A_24 = vector.broadcast %get3A_23 : vector<1x256xf32> to vector<1000x256xf32>
    %add3A_25 = arith.addf %dot_general3A_20, %add3A_24 : vector<1000x256xf32>
    %max3A = arith.constant 0.000000e+00 : f32
    %max3A_26 = vector.broadcast %max3A : f32 to vector<1000x256xf32>
    %max3A_27 = arith.maximumf %add3A_25, %max3A_26 : vector<1000x256xf32>
    %get3A_28 = arith.constant 0 : index
    %get3A_29 = arith.constant 0 : index
    %get3A_30 = vector.load %arg4[%get3A_28, %get3A_29] : memref<256x256xf32, #tpu.memory_space<vmem>>, vector<256x256xf32>
    %dot_general3A_31 = arith.constant dense<0.000000e+00> : vector<1000x256xf32>
    %dot_general3A_32 = tpu.matmul %max3A_27, %get3A_30, %dot_general3A_31 {dimension_numbers = #tpu.dot_dimension_numbers<[1], [0], [0], [1], [0, 0, 1, 1], [], []>, transpose_lhs_hint = false} : vector<1000x256xf32>, vector<256x256xf32>, vector<1000x256xf32> -> vector<1000x256xf32>
    %mul3A = vector.broadcast %broadcast_in_dim3A : vector<1000x1xf32> to vector<1000x256xf32>
    %mul3A_33 = arith.mulf %dot_general3A_32, %mul3A : vector<1000x256xf32>
    %slice3A = vector.extract_strided_slice %mul3A_33 {offsets = [0, 0], sizes = [1000, 128], strides = [1, 1]} : vector<1000x256xf32> to vector<1000x128xf32>
    %swap3A = arith.constant 0 : index
    %swap3A_34 = arith.constant 0 : index
    %swap3A_35 = arith.constant 0 : index
    %swap3A_36 = vector.load %arg6[%swap3A, %swap3A_34, %swap3A_35] : memref<2x1000x128xf32, #tpu.memory_space<vmem>>, vector<1x1000x128xf32>
    %swap3A_37 = vector.shape_cast %swap3A_36 : vector<1x1000x128xf32> to vector<1000x128xf32>
    %swap3A_38 = vector.shape_cast %slice3A : vector<1000x128xf32> to vector<1x1000x128xf32>
    tpu.vector_store %arg6[%swap3A, %swap3A_34, %swap3A_35], %swap3A_38 {strides = array<i32>} : memref<2x1000x128xf32, #tpu.memory_space<vmem>>, vector<1x1000x128xf32>,
    %slice3A_39 = vector.extract_strided_slice %mul3A_33 {offsets = [0, 128], sizes = [1000, 128], strides = [1, 1]} : vector<1000x256xf32> to vector<1000x128xf32>
    %swap3A_40 = arith.constant 1 : index
    %swap3A_41 = arith.constant 0 : index
    %swap3A_42 = arith.constant 0 : index
    %swap3A_43 = vector.load %arg6[%swap3A_40, %swap3A_41, %swap3A_42] : memref<2x1000x128xf32, #tpu.memory_space<vmem>>, vector<1x1000x128xf32>
    %swap3A_44 = vector.shape_cast %swap3A_43 : vector<1x1000x128xf32> to vector<1000x128xf32>
    %swap3A_45 = vector.shape_cast %slice3A_39 : vector<1000x128xf32> to vector<1x1000x128xf32>
    tpu.vector_store %arg6[%swap3A_40, %swap3A_41, %swap3A_42], %swap3A_45 {strides = array<i32>} : memref<2x1000x128xf32, #tpu.memory_space<vmem>>, vector<1x1000x128xf32>,
    return
  }
  func.func @transform_0(%arg0: i32) -> (i32, i32) {
    %c0_i32 = arith.constant 0 : i32
    %c0_i32_0 = arith.constant 0 : i32
    return %arg0, %c0_i32 : i32, i32
  }
  func.func @transform_1(%arg0: i32) -> (i32, i32) {
    %c0_i32 = arith.constant 0 : i32
    %c0_i32_0 = arith.constant 0 : i32
    %c0_i32_1 = arith.constant 0 : i32
    return %c0_i32, %c0_i32_0 : i32, i32
  }
  func.func @transform_2(%arg0: i32) -> (i32, i32) {
    %c0_i32 = arith.constant 0 : i32
    %c0_i32_0 = arith.constant 0 : i32
    %c0_i32_1 = arith.constant 0 : i32
    return %c0_i32, %c0_i32_0 : i32, i32
  }
  func.func @transform_3(%arg0: i32) -> (i32, i32) {
    %c0_i32 = arith.constant 0 : i32
    %c0_i32_0 = arith.constant 0 : i32
    %c0_i32_1 = arith.constant 0 : i32
    return %c0_i32, %c0_i32_0 : i32, i32
  }
  func.func @transform_4(%arg0: i32) -> (i32, i32, i32) {
    %c0_i32 = arith.constant 0 : i32
    %c0_i32_0 = arith.constant 0 : i32
    %c0_i32_1 = arith.constant 0 : i32
    return %c0_i32, %arg0, %c0_i32_0 : i32, i32, i32
  }
  func.func @transform_5(%arg0: i32) -> (i32, i32, i32) {
    %c0_i32 = arith.constant 0 : i32
    %c0_i32_0 = arith.constant 0 : i32
    %c0_i32_1 = arith.constant 0 : i32
    return %c0_i32, %arg0, %c0_i32_0 : i32, i32, i32
  }
}

module attributes {stable_mosaic.version = 14 : i64} {
  func.func @body(%arg0: i32, %arg1: memref<2x1000x128xf32, #tpu.memory_space<vmem>>, %arg2: memref<2x1000x128xf32, #tpu.memory_space<vmem>>, %arg3: memref<2x1000x128xf32, #tpu.memory_space<vmem>>, %arg4: memref<1x256xf32, #tpu.memory_space<vmem>>, %arg5: memref<256x256xf32, #tpu.memory_space<vmem>>, %arg6: memref<1000x256xf32, #tpu.memory_space<vmem>>, %arg7: memref<2x1000x128xf32, #tpu.memory_space<vmem>>) attributes {dimension_semantics = [#tpu.dimension_semantics<arbitrary>], iteration_bounds = array<i64: 10>, scalar_prefetch = 0 : i64, scratch_operands = 0 : i64, tpu.core_type = #tpu.core_type<tc>, window_params = [{transform_indices = @transform_0, window_bounds = array<i64: 2, 1000, 128>}, {transform_indices = @transform_1, window_bounds = array<i64: 2, 1000, 128>}, {transform_indices = @transform_2, window_bounds = array<i64: 2, 1000, 128>}, {pipeline_mode = #tpu.pipeline_mode<synchronous>, transform_indices = @transform_3, window_bounds = array<i64: 1, 256>}, {pipeline_mode = #tpu.pipeline_mode<synchronous>, transform_indices = @transform_4, window_bounds = array<i64: 256, 256>}, {transform_indices = @transform_5, window_bounds = array<i64: 1000, 256>}, {transform_indices = @transform_6, window_bounds = array<i64: 2, 1000, 128>}]} {
    %get3A = arith.constant 0 : index
    %get3A_0 = arith.constant 0 : index
    %get3A_1 = arith.constant 0 : index
    %get3A_2 = vector.load %arg3[%get3A, %get3A_0, %get3A_1] : memref<2x1000x128xf32, #tpu.memory_space<vmem>>, vector<1x1000x1xf32>
    %get3A_3 = vector.shape_cast %get3A_2 : vector<1x1000x1xf32> to vector<1000xf32>
    %get3A_4 = arith.constant 1 : index
    %get3A_5 = arith.constant 0 : index
    %get3A_6 = arith.constant 0 : index
    %get3A_7 = vector.load %arg3[%get3A_4, %get3A_5, %get3A_6] : memref<2x1000x128xf32, #tpu.memory_space<vmem>>, vector<1x1000x1xf32>
    %get3A_8 = vector.shape_cast %get3A_7 : vector<1x1000x1xf32> to vector<1000xf32>
    %add3A = arith.addf %get3A_3, %get3A_8 : vector<1000xf32>
    %add3A_9 = arith.constant 1.000000e+00 : f32
    %add3A_10 = vector.broadcast %add3A_9 : f32 to vector<1000xf32>
    %add3A_11 = arith.addf %add3A, %add3A_10 : vector<1000xf32>
    %sqrt3A = math.sqrt %add3A_11 : vector<1000xf32>
    %div3A = arith.constant 1.000000e+00 : f32
    %div3A_12 = vector.broadcast %div3A : f32 to vector<1000xf32>
    %div3A_13 = arith.divf %div3A_12, %sqrt3A : vector<1000xf32>
    %broadcast_in_dim3A = vector.shape_cast %div3A_13 : vector<1000xf32> to vector<1000x1xf32>
    %get3A_14 = arith.constant 0 : index
    %get3A_15 = arith.constant 0 : index
    %get3A_16 = arith.constant 0 : index
    %get3A_17 = vector.load %arg1[%get3A_14, %get3A_15, %get3A_16] : memref<2x1000x128xf32, #tpu.memory_space<vmem>>, vector<1x1000x128xf32>
    %get3A_18 = vector.shape_cast %get3A_17 : vector<1x1000x128xf32> to vector<1000x128xf32>
    %get3A_19 = arith.constant 0 : index
    %get3A_20 = arith.constant 0 : index
    %get3A_21 = arith.constant 0 : index
    %get3A_22 = vector.load %arg2[%get3A_19, %get3A_20, %get3A_21] : memref<2x1000x128xf32, #tpu.memory_space<vmem>>, vector<1x1000x128xf32>
    %get3A_23 = vector.shape_cast %get3A_22 : vector<1x1000x128xf32> to vector<1000x128xf32>
    %add3A_24 = arith.addf %get3A_18, %get3A_23 : vector<1000x128xf32>
    %mul3A = vector.broadcast %broadcast_in_dim3A : vector<1000x1xf32> to vector<1000x128xf32>
    %mul3A_25 = arith.mulf %add3A_24, %mul3A : vector<1000x128xf32>
    %get3A_26 = arith.constant 1 : index
    %get3A_27 = arith.constant 0 : index
    %get3A_28 = arith.constant 0 : index
    %get3A_29 = vector.load %arg1[%get3A_26, %get3A_27, %get3A_28] : memref<2x1000x128xf32, #tpu.memory_space<vmem>>, vector<1x1000x128xf32>
    %get3A_30 = vector.shape_cast %get3A_29 : vector<1x1000x128xf32> to vector<1000x128xf32>
    %get3A_31 = arith.constant 1 : index
    %get3A_32 = arith.constant 0 : index
    %get3A_33 = arith.constant 0 : index
    %get3A_34 = vector.load %arg2[%get3A_31, %get3A_32, %get3A_33] : memref<2x1000x128xf32, #tpu.memory_space<vmem>>, vector<1x1000x128xf32>
    %get3A_35 = vector.shape_cast %get3A_34 : vector<1x1000x128xf32> to vector<1000x128xf32>
    %add3A_36 = arith.addf %get3A_30, %get3A_35 : vector<1000x128xf32>
    %mul3A_37 = vector.broadcast %broadcast_in_dim3A : vector<1000x1xf32> to vector<1000x128xf32>
    %mul3A_38 = arith.mulf %add3A_36, %mul3A_37 : vector<1000x128xf32>
    %concatenate3A = tpu.concatenate %mul3A_25, %mul3A_38 in 1 : vector<1000x128xf32>, vector<1000x128xf32> -> vector<1000x256xf32>
    %get3A_39 = arith.constant 0 : index
    %get3A_40 = arith.constant 0 : index
    %get3A_41 = vector.load %arg4[%get3A_39, %get3A_40] : memref<1x256xf32, #tpu.memory_space<vmem>>, vector<1x256xf32>
    %add3A_42 = vector.broadcast %get3A_41 : vector<1x256xf32> to vector<1000x256xf32>
    %add3A_43 = arith.addf %concatenate3A, %add3A_42 : vector<1000x256xf32>
    %max3A = arith.constant 0.000000e+00 : f32
    %max3A_44 = vector.broadcast %max3A : f32 to vector<1000x256xf32>
    %max3A_45 = arith.maximumf %add3A_43, %max3A_44 : vector<1000x256xf32>
    %swap3A = arith.constant 0 : index
    %swap3A_46 = arith.constant 0 : index
    %swap3A_47 = vector.load %arg6[%swap3A, %swap3A_46] : memref<1000x256xf32, #tpu.memory_space<vmem>>, vector<1000x256xf32>
    tpu.vector_store %arg6[%swap3A, %swap3A_46], %max3A_45 {strides = array<i32>} : memref<1000x256xf32, #tpu.memory_space<vmem>>, vector<1000x256xf32>,
    %get3A_48 = arith.constant 0 : index
    %get3A_49 = arith.constant 0 : index
    %get3A_50 = vector.load %arg5[%get3A_48, %get3A_49] : memref<256x256xf32, #tpu.memory_space<vmem>>, vector<256x256xf32>
    %dot_general3A = arith.constant dense<0.000000e+00> : vector<1000x256xf32>
    %dot_general3A_51 = tpu.matmul %max3A_45, %get3A_50, %dot_general3A {dimension_numbers = #tpu.dot_dimension_numbers<[1], [0], [0], [1], [0, 0, 1, 1], [], []>, transpose_lhs_hint = false} : vector<1000x256xf32>, vector<256x256xf32>, vector<1000x256xf32> -> vector<1000x256xf32>
    %mul3A_52 = vector.broadcast %broadcast_in_dim3A : vector<1000x1xf32> to vector<1000x256xf32>
    %mul3A_53 = arith.mulf %dot_general3A_51, %mul3A_52 : vector<1000x256xf32>
    %slice3A = vector.extract_strided_slice %mul3A_53 {offsets = [0, 0], sizes = [1000, 128], strides = [1, 1]} : vector<1000x256xf32> to vector<1000x128xf32>
    %swap3A_54 = arith.constant 0 : index
    %swap3A_55 = arith.constant 0 : index
    %swap3A_56 = arith.constant 0 : index
    %swap3A_57 = vector.load %arg7[%swap3A_54, %swap3A_55, %swap3A_56] : memref<2x1000x128xf32, #tpu.memory_space<vmem>>, vector<1x1000x128xf32>
    %swap3A_58 = vector.shape_cast %swap3A_57 : vector<1x1000x128xf32> to vector<1000x128xf32>
    %swap3A_59 = vector.shape_cast %slice3A : vector<1000x128xf32> to vector<1x1000x128xf32>
    tpu.vector_store %arg7[%swap3A_54, %swap3A_55, %swap3A_56], %swap3A_59 {strides = array<i32>} : memref<2x1000x128xf32, #tpu.memory_space<vmem>>, vector<1x1000x128xf32>,
    %slice3A_60 = vector.extract_strided_slice %mul3A_53 {offsets = [0, 128], sizes = [1000, 128], strides = [1, 1]} : vector<1000x256xf32> to vector<1000x128xf32>
    %swap3A_61 = arith.constant 1 : index
    %swap3A_62 = arith.constant 0 : index
    %swap3A_63 = arith.constant 0 : index
    %swap3A_64 = vector.load %arg7[%swap3A_61, %swap3A_62, %swap3A_63] : memref<2x1000x128xf32, #tpu.memory_space<vmem>>, vector<1x1000x128xf32>
    %swap3A_65 = vector.shape_cast %swap3A_64 : vector<1x1000x128xf32> to vector<1000x128xf32>
    %swap3A_66 = vector.shape_cast %slice3A_60 : vector<1000x128xf32> to vector<1x1000x128xf32>
    tpu.vector_store %arg7[%swap3A_61, %swap3A_62, %swap3A_63], %swap3A_66 {strides = array<i32>} : memref<2x1000x128xf32, #tpu.memory_space<vmem>>, vector<1x1000x128xf32>,
    return
  }
  func.func @transform_0(%arg0: i32) -> (i32, i32, i32) {
    %c0_i32 = arith.constant 0 : i32
    %c0_i32_0 = arith.constant 0 : i32
    %c0_i32_1 = arith.constant 0 : i32
    return %c0_i32, %arg0, %c0_i32_0 : i32, i32, i32
  }
  func.func @transform_1(%arg0: i32) -> (i32, i32, i32) {
    %c0_i32 = arith.constant 0 : i32
    %c0_i32_0 = arith.constant 0 : i32
    %c0_i32_1 = arith.constant 0 : i32
    return %c0_i32, %arg0, %c0_i32_0 : i32, i32, i32
  }
  func.func @transform_2(%arg0: i32) -> (i32, i32, i32) {
    %c0_i32 = arith.constant 0 : i32
    %c0_i32_0 = arith.constant 0 : i32
    %c0_i32_1 = arith.constant 0 : i32
    return %c0_i32, %arg0, %c0_i32_0 : i32, i32, i32
  }
  func.func @transform_3(%arg0: i32) -> (i32, i32) {
    %c0_i32 = arith.constant 0 : i32
    %c0_i32_0 = arith.constant 0 : i32
    %c0_i32_1 = arith.constant 0 : i32
    return %c0_i32, %c0_i32_0 : i32, i32
  }
  func.func @transform_4(%arg0: i32) -> (i32, i32) {
    %c0_i32 = arith.constant 0 : i32
    %c0_i32_0 = arith.constant 0 : i32
    %c0_i32_1 = arith.constant 0 : i32
    return %c0_i32, %c0_i32_0 : i32, i32
  }
  func.func @transform_5(%arg0: i32) -> (i32, i32) {
    %c0_i32 = arith.constant 0 : i32
    %c0_i32_0 = arith.constant 0 : i32
    return %arg0, %c0_i32 : i32, i32
  }
  func.func @transform_6(%arg0: i32) -> (i32, i32, i32) {
    %c0_i32 = arith.constant 0 : i32
    %c0_i32_0 = arith.constant 0 : i32
    %c0_i32_1 = arith.constant 0 : i32
    return %c0_i32, %arg0, %c0_i32_0 : i32, i32, i32
  }
}

module attributes {stable_mosaic.version = 14 : i64} {
  func.func @body(%arg0: i32, %arg1: memref<2x1000x128xf32, #tpu.memory_space<vmem>>, %arg2: memref<2x1000x128xf32, #tpu.memory_space<vmem>>, %arg3: memref<2x1000x128xf32, #tpu.memory_space<vmem>>, %arg4: memref<1x256xf32, #tpu.memory_space<vmem>>, %arg5: memref<256x40xf32, #tpu.memory_space<vmem>>, %arg6: memref<1x40xf32, #tpu.memory_space<vmem>>, %arg7: memref<1000x256xf32, #tpu.memory_space<vmem>>, %arg8: memref<1000x40xf32, #tpu.memory_space<vmem>>) attributes {dimension_semantics = [#tpu.dimension_semantics<arbitrary>], iteration_bounds = array<i64: 10>, scalar_prefetch = 0 : i64, scratch_operands = 0 : i64, tpu.core_type = #tpu.core_type<tc>, window_params = [{transform_indices = @transform_0, window_bounds = array<i64: 2, 1000, 128>}, {transform_indices = @transform_1, window_bounds = array<i64: 2, 1000, 128>}, {transform_indices = @transform_2, window_bounds = array<i64: 2, 1000, 128>}, {pipeline_mode = #tpu.pipeline_mode<synchronous>, transform_indices = @transform_3, window_bounds = array<i64: 1, 256>}, {pipeline_mode = #tpu.pipeline_mode<synchronous>, transform_indices = @transform_4, window_bounds = array<i64: 256, 40>}, {pipeline_mode = #tpu.pipeline_mode<synchronous>, transform_indices = @transform_5, window_bounds = array<i64: 1, 40>}, {transform_indices = @transform_6, window_bounds = array<i64: 1000, 256>}, {transform_indices = @transform_7, window_bounds = array<i64: 1000, 40>}]} {
    %get3A = arith.constant 0 : index
    %get3A_0 = arith.constant 0 : index
    %get3A_1 = arith.constant 0 : index
    %get3A_2 = vector.load %arg3[%get3A, %get3A_0, %get3A_1] : memref<2x1000x128xf32, #tpu.memory_space<vmem>>, vector<1x1000x1xf32>
    %get3A_3 = vector.shape_cast %get3A_2 : vector<1x1000x1xf32> to vector<1000xf32>
    %get3A_4 = arith.constant 1 : index
    %get3A_5 = arith.constant 0 : index
    %get3A_6 = arith.constant 0 : index
    %get3A_7 = vector.load %arg3[%get3A_4, %get3A_5, %get3A_6] : memref<2x1000x128xf32, #tpu.memory_space<vmem>>, vector<1x1000x1xf32>
    %get3A_8 = vector.shape_cast %get3A_7 : vector<1x1000x1xf32> to vector<1000xf32>
    %add3A = arith.addf %get3A_3, %get3A_8 : vector<1000xf32>
    %add3A_9 = arith.constant 1.000000e+00 : f32
    %add3A_10 = vector.broadcast %add3A_9 : f32 to vector<1000xf32>
    %add3A_11 = arith.addf %add3A, %add3A_10 : vector<1000xf32>
    %sqrt3A = math.sqrt %add3A_11 : vector<1000xf32>
    %div3A = arith.constant 1.000000e+00 : f32
    %div3A_12 = vector.broadcast %div3A : f32 to vector<1000xf32>
    %div3A_13 = arith.divf %div3A_12, %sqrt3A : vector<1000xf32>
    %broadcast_in_dim3A = vector.shape_cast %div3A_13 : vector<1000xf32> to vector<1000x1xf32>
    %get3A_14 = arith.constant 0 : index
    %get3A_15 = arith.constant 0 : index
    %get3A_16 = arith.constant 0 : index
    %get3A_17 = vector.load %arg1[%get3A_14, %get3A_15, %get3A_16] : memref<2x1000x128xf32, #tpu.memory_space<vmem>>, vector<1x1000x128xf32>
    %get3A_18 = vector.shape_cast %get3A_17 : vector<1x1000x128xf32> to vector<1000x128xf32>
    %get3A_19 = arith.constant 0 : index
    %get3A_20 = arith.constant 0 : index
    %get3A_21 = arith.constant 0 : index
    %get3A_22 = vector.load %arg2[%get3A_19, %get3A_20, %get3A_21] : memref<2x1000x128xf32, #tpu.memory_space<vmem>>, vector<1x1000x128xf32>
    %get3A_23 = vector.shape_cast %get3A_22 : vector<1x1000x128xf32> to vector<1000x128xf32>
    %add3A_24 = arith.addf %get3A_18, %get3A_23 : vector<1000x128xf32>
    %mul3A = vector.broadcast %broadcast_in_dim3A : vector<1000x1xf32> to vector<1000x128xf32>
    %mul3A_25 = arith.mulf %add3A_24, %mul3A : vector<1000x128xf32>
    %get3A_26 = arith.constant 1 : index
    %get3A_27 = arith.constant 0 : index
    %get3A_28 = arith.constant 0 : index
    %get3A_29 = vector.load %arg1[%get3A_26, %get3A_27, %get3A_28] : memref<2x1000x128xf32, #tpu.memory_space<vmem>>, vector<1x1000x128xf32>
    %get3A_30 = vector.shape_cast %get3A_29 : vector<1x1000x128xf32> to vector<1000x128xf32>
    %get3A_31 = arith.constant 1 : index
    %get3A_32 = arith.constant 0 : index
    %get3A_33 = arith.constant 0 : index
    %get3A_34 = vector.load %arg2[%get3A_31, %get3A_32, %get3A_33] : memref<2x1000x128xf32, #tpu.memory_space<vmem>>, vector<1x1000x128xf32>
    %get3A_35 = vector.shape_cast %get3A_34 : vector<1x1000x128xf32> to vector<1000x128xf32>
    %add3A_36 = arith.addf %get3A_30, %get3A_35 : vector<1000x128xf32>
    %mul3A_37 = vector.broadcast %broadcast_in_dim3A : vector<1000x1xf32> to vector<1000x128xf32>
    %mul3A_38 = arith.mulf %add3A_36, %mul3A_37 : vector<1000x128xf32>
    %concatenate3A = tpu.concatenate %mul3A_25, %mul3A_38 in 1 : vector<1000x128xf32>, vector<1000x128xf32> -> vector<1000x256xf32>
    %get3A_39 = arith.constant 0 : index
    %get3A_40 = arith.constant 0 : index
    %get3A_41 = vector.load %arg4[%get3A_39, %get3A_40] : memref<1x256xf32, #tpu.memory_space<vmem>>, vector<1x256xf32>
    %add3A_42 = vector.broadcast %get3A_41 : vector<1x256xf32> to vector<1000x256xf32>
    %add3A_43 = arith.addf %concatenate3A, %add3A_42 : vector<1000x256xf32>
    %max3A = arith.constant 0.000000e+00 : f32
    %max3A_44 = vector.broadcast %max3A : f32 to vector<1000x256xf32>
    %max3A_45 = arith.maximumf %add3A_43, %max3A_44 : vector<1000x256xf32>
    %swap3A = arith.constant 0 : index
    %swap3A_46 = arith.constant 0 : index
    %swap3A_47 = vector.load %arg7[%swap3A, %swap3A_46] : memref<1000x256xf32, #tpu.memory_space<vmem>>, vector<1000x256xf32>
    tpu.vector_store %arg7[%swap3A, %swap3A_46], %max3A_45 {strides = array<i32>} : memref<1000x256xf32, #tpu.memory_space<vmem>>, vector<1000x256xf32>,
    %get3A_48 = arith.constant 0 : index
    %get3A_49 = arith.constant 0 : index
    %get3A_50 = vector.load %arg5[%get3A_48, %get3A_49] : memref<256x40xf32, #tpu.memory_space<vmem>>, vector<256x40xf32>
    %dot_general3A = arith.constant dense<0.000000e+00> : vector<1000x40xf32>
    %dot_general3A_51 = tpu.matmul %max3A_45, %get3A_50, %dot_general3A {dimension_numbers = #tpu.dot_dimension_numbers<[1], [0], [0], [1], [0, 0, 1, 1], [], []>, transpose_lhs_hint = false} : vector<1000x256xf32>, vector<256x40xf32>, vector<1000x40xf32> -> vector<1000x40xf32>
    %get3A_52 = arith.constant 0 : index
    %get3A_53 = arith.constant 0 : index
    %get3A_54 = vector.load %arg6[%get3A_52, %get3A_53] : memref<1x40xf32, #tpu.memory_space<vmem>>, vector<1x40xf32>
    %add3A_55 = vector.broadcast %get3A_54 : vector<1x40xf32> to vector<1000x40xf32>
    %add3A_56 = arith.addf %dot_general3A_51, %add3A_55 : vector<1000x40xf32>
    %swap3A_57 = arith.constant 0 : index
    %swap3A_58 = arith.constant 0 : index
    %swap3A_59 = vector.load %arg8[%swap3A_57, %swap3A_58] : memref<1000x40xf32, #tpu.memory_space<vmem>>, vector<1000x40xf32>
    tpu.vector_store %arg8[%swap3A_57, %swap3A_58], %add3A_56 {strides = array<i32>} : memref<1000x40xf32, #tpu.memory_space<vmem>>, vector<1000x40xf32>,
    return
  }
  func.func @transform_0(%arg0: i32) -> (i32, i32, i32) {
    %c0_i32 = arith.constant 0 : i32
    %c0_i32_0 = arith.constant 0 : i32
    %c0_i32_1 = arith.constant 0 : i32
    return %c0_i32, %arg0, %c0_i32_0 : i32, i32, i32
  }
  func.func @transform_1(%arg0: i32) -> (i32, i32, i32) {
    %c0_i32 = arith.constant 0 : i32
    %c0_i32_0 = arith.constant 0 : i32
    %c0_i32_1 = arith.constant 0 : i32
    return %c0_i32, %arg0, %c0_i32_0 : i32, i32, i32
  }
  func.func @transform_2(%arg0: i32) -> (i32, i32, i32) {
    %c0_i32 = arith.constant 0 : i32
    %c0_i32_0 = arith.constant 0 : i32
    %c0_i32_1 = arith.constant 0 : i32
    return %c0_i32, %arg0, %c0_i32_0 : i32, i32, i32
  }
  func.func @transform_3(%arg0: i32) -> (i32, i32) {
    %c0_i32 = arith.constant 0 : i32
    %c0_i32_0 = arith.constant 0 : i32
    %c0_i32_1 = arith.constant 0 : i32
    return %c0_i32, %c0_i32_0 : i32, i32
  }
  func.func @transform_4(%arg0: i32) -> (i32, i32) {
    %c0_i32 = arith.constant 0 : i32
    %c0_i32_0 = arith.constant 0 : i32
    %c0_i32_1 = arith.constant 0 : i32
    return %c0_i32, %c0_i32_0 : i32, i32
  }
  func.func @transform_5(%arg0: i32) -> (i32, i32) {
    %c0_i32 = arith.constant 0 : i32
    %c0_i32_0 = arith.constant 0 : i32
    %c0_i32_1 = arith.constant 0 : i32
    return %c0_i32, %c0_i32_0 : i32, i32
  }
  func.func @transform_6(%arg0: i32) -> (i32, i32) {
    %c0_i32 = arith.constant 0 : i32
    %c0_i32_0 = arith.constant 0 : i32
    return %arg0, %c0_i32 : i32, i32
  }
  func.func @transform_7(%arg0: i32) -> (i32, i32) {
    %c0_i32 = arith.constant 0 : i32
    %c0_i32_0 = arith.constant 0 : i32
    return %arg0, %c0_i32 : i32, i32
  }
}

</mosaic_0001>

<sc_bundles>
// kernel: kernel.12.cloned.1.call-start
scs
__scs_entry_jumppad:
0x0: {  	(pc) =	sbr.rel $0x88, $3  }
0x1: {  	(tag) =	ssettag $0x0;
	lr =	simm.s32 $0x1  }
0x2: {  	[smem:$0x3F93] =	sst lr;
	_ =	strace $0xD0000000  }
0x3: {  	_ = 	snop  }
0x4: {  	_ = 	snop  }
0x5: {  	_ = 	snop  }
0x6: {  	_ = 	snop  }
0x7: {  	_ = 	snop  }
__scs_overlays_trampoline_lowered:
0x8: {  	[smem:$0x3FA2] =	sst s0  }
0x9: {  	[smem:$0x3FA3] =	sst s1  }
0xa: {  	[smem:$0x3FA4] =	sst s2  }
0xb: {  	[smem:$0x3FA5] =	sst s3  }
0xc: {  	[smem:$0x3FA6] =	sst s4  }
0xd: {  	[smem:$0x3FA7] =	sst s5  }
0xe: {  	[smem:$0x3FA8] =	sst s6  }
0xf: {  	[smem:$0x3FA9] =	sst s7  }
0x10: {  	[smem:$0x3FAA] =	sst s8  }
0x11: {  	[smem:$0x3FAB] =	sst s9;
	s0 =	simm.s32 @!p0 $0x0  }
0x12: {  	s1 =	sld [smem:$0x3F91];
	s0 =	simm.s32 @p0 $0x1  }
0x13: {  	[smem:$0x3FAC] =	sst s0;
	s0 =	simm.s32 @!p1 $0x0  }
0x14: {  	s2 =	sld [smem:$0x3F90];
	s0 =	simm.s32 @p1 $0x1  }
0x15: {  	[smem:$0x3FAD] =	sst s0;
	s0 =	simm.s32 @!p2 $0x0  }
0x16: {  	s3 =	sld [smem:$0x3FDB];
	s0 =	simm.s32 @p2 $0x1  }
0x17: {  	s4 =	simm.s32 $0x1BF5;
	[smem:$0x3FAF] =	sst s0  }
0x18: {  	s0 =	sld [smem:$0x3F92];
	_ =	swait.ge [sflag:s4], $0x0  }
0x19: {  	s7 =	sld [smem:$0x3F93]  }
0x1a: {  	s8 =	sadd.s32 $0xFFFFE003, lr  }
0x1b: {  	s9 =	sadd.s32 $0xFFFFFEF7, lr;
	s5 =	simm.s32 $0xFFFFFFFF;
	p2 =	slt.u32 s8, $0xFFFFF086  }
0x1c: {  	p1 =	slt.u32 s9, $0xF7A;
	s5 =	simm.s32 @!p2 $0x0  }
0x1d: {  	s5 =	simm.s32 @p1 $0x1;
	p0 =	seq.s32 s7, s2  }
0x1e: {  	s7 =	smul.u32 @!p0 $0xF7A, s2;
	p2 =	seq.s32 @!p0 s5, $0x0  }
0x1f: {  	s9 =	smul.u32 $0xF7A, s1;
	s8 =	simm.s32 @!p0 $0x1BF5;
	p2 =	por !p2, p0  }
0x20: {  	[sflag:s8] =	ssyncset.s32 @!p0 $0xFFFFF086;
	s6 =	sadd.s32 @!p0 s3, s7;
	s7 =	simm.s32 @!p0 $0x108  }
0x21: {  	s3 =	sadd.s32 s3, s9;
	s6 =	sadd.s32 @!p0 $0x88, s6;
	s7 =	simm.s32 @p2 $0x1082  }
0x22: {  	[simem:s7], [sflag:s8] =	dma.local @!p0 [hbm:s6], $0xF7A  }
0x23: {  	s9 =	sor.u32 $0xD0000000, s2;
	s6 =	simm.s32 $0x108;
	_ =	swait.ge @!p0 [sflag:s8], $0x0  }
0x24: {  	s3 =	sadd.s32 $0x88, s3;
	s6 =	simm.s32 @!p1 $0x1082;
	[sflag:s4] =	ssyncset.s32 $0xFFFFF086  }
0x25: {  	[simem:s6], [sflag:s4] =	dma.local [hbm:s3], $0xF7A  }
0x26: {  	[smem:$0x3F93] =	sst s1;
	(tag) =	ssettag s2;
	_ =	strace s9  }
0x27: {  	s1 =	sld [smem:$0x3FA3]  }
0x28: {  	s2 =	sld [smem:$0x3FA4]  }
0x29: {  	s4 =	sld [smem:$0x3FA6]  }
0x2a: {  	p0 =	seq.s32 s5, $0x0;
	s5 =	sld [smem:$0x3FA7]  }
0x2b: {  	s6 =	sld [smem:$0x3FA8]  }
0x2c: {  	s7 =	sld [smem:$0x3FA9]  }
0x2d: {  	s3 =	simm.s32 $0x108;
	s8 =	sld [smem:$0x3FAA]  }
0x2e: {  	s3 =	simm.s32 @!p0 $0x1082;
	s9 =	sld [smem:$0x3FAB]  }
0x2f: {  	lr =	sadd.s32 s0, s3;
	s0 =	sld [smem:$0x3FA2]  }
0x30: {  	s3 =	sld [smem:$0x3FA5]  }
0x31: {  	[smem:$0x3FAE] =	sst s10  }
0x32: {  	s10 =	sld [smem:$0x3FAC];
	_ =	sdelay $0x3  }
0x33: {  	p0 =	seq.s32 s10, $0x1;
	s10 =	sld [smem:$0x3FAE];
	_ =	sdelay $0x3  }
0x34: {  	[smem:$0x3FAE] =	sst s10  }
0x35: {  	s10 =	sld [smem:$0x3FAD];
	_ =	sdelay $0x3  }
0x36: {  	p1 =	seq.s32 s10, $0x1;
	s10 =	sld [smem:$0x3FAE];
	_ =	sdelay $0x3  }
0x37: {  	[smem:$0x3FAE] =	sst s10  }
0x38: {  	s10 =	sld [smem:$0x3FAF]  }
0x39: {  	_ = 	snop;
	(pc) =	sbr.ind lr, $3  }
0x3a: {  	_ = 	snop  }
0x3b: {  	_ = 	snop  }
0x3c: {  	p2 =	seq.s32 s10, $0x1;
	s10 =	sld [smem:$0x3FAE]  }
0x3d: {  	_ =	shalt  }
0x3e: {  	_ =	shalt  }
0x3f: {  	_ =	shalt  }
0x40: {  	_ =	shalt  }
0x41: {  	_ =	shalt  }
0x42: {  	_ =	shalt  }
0x43: {  	_ =	shalt  }
0x44: {  	_ =	shalt  }
0x45: {  	_ =	shalt  }
0x46: {  	_ =	shalt  }
0x47: {  	_ =	shalt  }
0x48: {  	_ =	shalt  }
0x49: {  	_ =	shalt  }
0x4a: {  	_ =	shalt  }
0x4b: {  	_ =	shalt  }
0x4c: {  	_ =	shalt  }
0x4d: {  	_ =	shalt  }
0x4e: {  	_ =	shalt  }
0x4f: {  	_ =	shalt  }
0x50: {  	_ =	shalt  }
0x51: {  	_ =	shalt  }
0x52: {  	_ =	shalt  }
0x53: {  	_ =	shalt  }
0x54: {  	_ =	shalt  }
0x55: {  	_ =	shalt  }
0x56: {  	_ =	shalt  }
0x57: {  	_ =	shalt  }
0x58: {  	_ =	shalt  }
0x59: {  	_ =	shalt  }
0x5a: {  	_ =	shalt  }
0x5b: {  	_ =	shalt  }
0x5c: {  	_ =	shalt  }
0x5d: {  	_ =	shalt  }
0x5e: {  	_ =	shalt  }
0x5f: {  	_ =	shalt  }
0x60: {  	_ =	shalt  }
0x61: {  	_ =	shalt  }
0x62: {  	_ =	shalt  }
0x63: {  	_ =	shalt  }
0x64: {  	_ =	shalt  }
0x65: {  	_ =	shalt  }
0x66: {  	_ =	shalt  }
0x67: {  	_ =	shalt  }
0x68: {  	_ =	shalt  }
0x69: {  	_ =	shalt  }
0x6a: {  	_ =	shalt  }
0x6b: {  	_ =	shalt  }
0x6c: {  	_ =	shalt  }
0x6d: {  	_ =	shalt  }
0x6e: {  	_ =	shalt  }
0x6f: {  	_ =	shalt  }
0x70: {  	_ =	shalt  }
0x71: {  	_ =	shalt  }
0x72: {  	_ =	shalt  }
0x73: {  	_ =	shalt  }
0x74: {  	_ =	shalt  }
0x75: {  	_ =	shalt  }
0x76: {  	_ =	shalt  }
0x77: {  	_ =	shalt  }
0x78: {  	_ =	shalt  }
0x79: {  	_ =	shalt  }
0x7a: {  	_ =	shalt  }
0x7b: {  	_ =	shalt  }
0x7c: {  	_ =	shalt  }
0x7d: {  	_ =	shalt  }
0x7e: {  	_ =	shalt  }
0x7f: {  	_ =	shalt  }
0x80: {  	_ =	shalt  }
0x81: {  	_ =	shalt  }
0x82: {  	_ =	shalt  }
0x83: {  	_ =	shalt  }
0x84: {  	_ =	shalt  }
0x85: {  	_ =	shalt  }
0x86: {  	_ =	shalt  }
0x87: {  	_ =	shalt  }
.Lfunc_end0:
.L_simem_size_0:
called_computation_lowered:
.L_overlay_start_0:
0x88: {  	s2 =	sld [smem:$0x3FD9]  }
0x89: {  	s3 =	sld [smem:$0x3FFE];
	_ =	sdelay $0x1  }
0x8a: {  	s1 =	srdreg.scid  }
0x8b: {  	s0 =	sand.u32 $0x1, s1  }
0x8c: {  	s14 =	sshll.u32 s0, $0xA;
	s2 =	sadd.s32 s3, s2  }
0x8d: {  	s2 =	sadd.s32 s2, s14  }
0x8e: {  	[smem:$0x3FBA] =	sst s2  }
0x8f: {  	_ = 	snop  }
0x90: {  	s2 =	sld [smem:$0x3FD0];
	_ =	sdelay $0x2  }
0x91: {  	s15 =	simm.s32 $0xA;
	s4 =	simm.s32 $0x10  }
0x92: {  	[smem:s4], [sflag:s15] =	dma.local [hbm:s2], $0x1  }
0x93: {  	_ =	swait.eq [sflag:s15], $0x1  }
0x94: {  	[sflag:s15] =	ssyncset.done $0x0  }
0x95: {  	[sflag:s15] =	ssyncadd.s32 $0xFFFFFFFF  }
0x96: {  	s16 =	sld [smem:$0x13];
	(tm) =	ssettm $0x1  }
0x97: {  	s17 =	sld [smem:$0x3FFB];
	_ =	sdelay $0x3  }
0x98: {  	_ =	strace s17  }
0x99: {  	s3 =	sld [smem:$0x3FFC];
	_ =	sdelay $0x3  }
0x9a: {  	_ =	strace s3  }
0x9b: {  	s3 =	sld [smem:$0x3FFD];
	_ =	sdelay $0x3  }
0x9c: {  	_ =	strace s3  }
0x9d: {  	_ =	strace $0x8FFFFFFF  }
0x9e: {  	s18 =	sld [smem:$0x3FDB];
	_ =	sdelay $0x1  }
0x9f: {  	s19 =	simm.s32 $_scs_section_size  }
0xa0: {  	s5 =	simm.s32 $_size__tile_overlayer_lowered;
	s6 =	simm.s32 $_tile_overlayer_lowered  }
0xa1: {  	s22 =	simm.s32 $0x1BFF;
	s21 =	sshll.u32 s6, $0x1;
	s3 =	sadd.s32 s19, s18  }
0xa2: {  	s7 =	simm.s32 $0x0;
	s20 =	sshll.u32 s5, $0x1;
	s5 =	sadd.s32 s21, s3  }
0xa3: {  	[timem:s7], [sflag:s22] =	dma.local [hbm:s5], s20  }
0xa4: {  	_ =	swait.ge [sflag:s22], s20  }
0xa5: {  	s4 =	ssub.s32 $0x0, s20;
	[sflag:s22] =	ssyncset.done $0x0  }
0xa6: {  	[sflag:s22] =	ssyncadd.s32 s4;
	_ =	sdelay $0x1  }
0xa7: {  	s23 =	simm.s32 $0x1B8B  }
0xa8: {  	_ =	swait.ge [sflag:s23], $0x1  }
0xa9: {  	[sflag:s23] =	ssyncset.done $0x0  }
0xaa: {  	s25 =	simm.s32 $0x1B8E;
	s24 =	sld [smem:$0x3FFE];
	[sflag:s23] =	ssyncadd.s32 $0xFFFFFFFF  }
0xab: {  	s26 =	simm.s32 $execute0_lowered;
	[smem:$0x3FD2] =	sst s25  }
0xac: {  	s5 =	sshll.u32 s26, $0x1;
	_ =	strace $0x80000046;
	[dreg:$0x1] =	wrdreg $0xFFFFFFFF  }
0xad: {  	s28 =	simm.s32 $_size_execute0_lowered;
	s3 =	sadd.s32 s3, s5;
	[dreg:$0x0] =	wrdreg $0x0  }
0xae: {  	s5 =	sshll.u32 s28, $0x1;
	[dreg:$0x2] =	wrdreg s3  }
0xaf: {  	[dreg:$0x3] =	wrdreg s5  }
0xb0: {  	[dreg:$0x4] =	wrdreg $0xC0  }
0xb1: {  	_ =	task [dreg:s7], $0x5FFFF  }
0xb2: {  	[dreg:$0x1] =	wrdreg $0xFFFFFFFF  }
0xb3: {  	[dreg:$0x0] =	wrdreg $0x60  }
0xb4: {  	[dreg:$0x2] =	wrdreg s24  }
0xb5: {  	[dreg:$0x3] =	wrdreg s16  }
0xb6: {  	[dreg:$0x4] =	wrdreg $0x54000  }
0xb7: {  	[dreg:$0x5] =	wrdreg $0x9  }
0xb8: {  	_ =	task.clear_ibuf [dreg:s7], $0x6FFFF;
	_ =	strace $0x90000046  }
0xb9: {  	s29 =	simm.s32 $0x9;
	_ =	strace $0x80000048  }
0xba: {  	_ =	swait.ge [sflag:s29], $0x1  }
0xbb: {  	[sflag:s29] =	ssyncadd.s32 $0xFFFFFFFF  }
0xbc: {  	_ =	strace $0x90000048  }
0xbd: {  	_ =	sfence  }
0xbe: {  	s30 =	sld [smem:$0x0];
	_ =	sdelay $0x2  }
0xbf: {  	s31 =	sshll.u32 s1, $0xD;
	s1 =	sshrl.u32 s1, $0x2  }
0xc0: {  	s3 =	sand.u32 $0x4000, s31;
	s1 =	sadd.s32 s1, s30  }
0xc1: {  	s0 =	sor.u32 s3, s0;
	s1 =	sshll.u32 s1, $0x11  }
0xc2: {  	s0 =	sor.u32 s1, s0  }
0xc3: {  	s0 =	sadd.s32 $0x8F2B, s0  }
0xc4: {  	[sflag:s0] =	ssyncadd.remote.s32 $0x1  }
0xc5: {  	_ =	sfence.sel $0xFFFF  }
0xc6: {  	[dreg:$0x0] =	wrdreg $0xFFFFFFFF;
	(pc) =	sbr.abs _section_cstart, $3  }
0xc7: {  	[dreg:$0x1] =	wrdreg $0xFFFFFFFF  }
0xc8: {  	_ =	task.clear_ibuf [dreg:s7], $0x2FFFF;
	_ =	strace $0x9FFFFFFF  }
0xc9: {  	(tm) =	ssettm $0x7FFFFFFF  }
tec
execute0_lowered:
.L_overlay_start_1:
0x0: {  	(tag) =	ssettag $0x1  }
0x1: {  	s6 =	rddreg [dreg:$0x0];
	s0 =	srdreg.scid  }
0x2: {  	s2 =	rddreg [dreg:$0x1];
	s7 =	sand.u32 $0x1, s0  }
0x3: {  	s0 =	stileid.u32;
	s5 =	smul.u32 $0x2800, s7  }
0x4: {  	s3 =	rddreg [dreg:$0x2];
	s8 =	smul.u32 $0x280, s0  }
0x5: {  	s1 =	rddreg [dreg:$0x3];
	s4 =	simm.s32 $0x0;
	s9 =	smul.u32 $0x2780, s0  }
0x6: {  	s13 =	simm.s32 $0x80;
	s14 =	simm.s32 $0x0;
	s26 =	smul.u32 $0x27800, s7  }
0x7: {  	[smem:$0x7FF] =	sst s4;
	s11 =	smul.u32 $0x4F000, s0;
	s7 =	ssub.s32 $0x2, s7  }
0x8: {  	_ =	strace $0x80000047;
	s31 =	sshll.u32 s0, $0x6;
	s28 =	sshrl.u32 s7, $0x1  }
0x9: {  	s5 =	sadd.s32 s8, s5;
	s8 =	sadd.s32 s9, s26;
	s29 =	sshrl.u32 s11, $0x2  }
0xa: {  	s30 =	ssub.s32 s7, s28;
	s11 =	simm.s32 $0x1;
	s10 =	sadd.s32 s5, s6  }
0xb: {  	s5 =	sadd.s32 $0x9A00, s6;
	s8 =	sadd.s32 s8, s6;
	s12 =	sadd.s32 s29, s3  }
0xc: {  	s6 =	sor.u32 $0x1C01, s31;
	s9 =	smax.u32 s30, $0x1;
	s7 =	sadd.s32 $0x4A00, s10  }
0xd: {  	s8 =	sadd.s32 $0xC200, s8;
	s10 =	sshrl.u32 s12, $0x3;
	s12 =	simm.s32 $0x1400  }
.LBB2_1:
0xe: {  	[spmem:s10], [sflag:s6] =	dma.local [hbm:s5], $0x2780  }
0xf: {  	_ =	swait.ge [sflag:s11], $0x2780  }
0x10: {  	[sflag:s11] =	ssyncset.done $0x0  }
0x11: {  	[sflag:s11] =	ssyncadd.s32 $0xFFFFD880  }
0x12: {  	[tilespmem:s12], [sflag:$0x1] =	stream.linear.gather [hbm4b:s2+s4], $0x4000, $0x38;
	[tilespmem:$0x19000] =	vst v63  }
0x13: {  	_ =	swait.ge [sflag:s11], $0x4000  }
0x14: {  	[sflag:s11] =	ssyncset.done $0x0  }
0x15: {  	[sflag:s11] =	ssyncadd.s32 $0xFFFFC000  }
0x16: {  	[tilespmem:s4], [sflag:$0x1] =	stream.linear.gather [hbm4b:s7+s4], $0x1400, $0x38;
	[tilespmem:$0x19000] =	vst v63  }
0x17: {  	_ =	swait.ge [sflag:s11], $0x1400  }
0x18: {  	[sflag:s11] =	ssyncset.done $0x0  }
0x19: {  	[sflag:s11] =	ssyncadd.s32 $0xFFFFEC00  }
0x1a: {  	s15 =	simm.s32 $0x0;
	[bflag:$0x0] =	sbarrier.arrive $0xFFFF  }
0x1b: {  	[spmem:s3] =	stream.indirect.scatter.add.f32 [tilespmem:s12], [sflag:$0x1], $0x80, s15, s13, $0xb8;
	[tilespmem:$0x19000] =	vst v63  }
0x1c: {  	_ =	swait.ge [sflag:s11], $0x4000  }
0x1d: {  	s15 =	simm.s32 $0x200;
	[sflag:s11] =	ssyncset.done $0x0  }
.LBB2_2:
0x1e: {  	s16 =	sshra.s32 s15, $0x2;
	[sflag:s11] =	ssyncadd.s32 $0xFFFFC000;
	p0 =	sne.s32 s15, $0x4E00  }
0x1f: {  	[spmem:s3] =	stream.indirect.scatter.add.f32 [tilespmem:s12], [sflag:$0x1], $0x80, s16, s13, $0xb8;
	[tilespmem:$0x19000] =	vst v63  }
.Ltmp0:
0x20: {  	_ = 	snop;
	(pc) =	sbr.rel @p0 .LBB2_2-.Ltmp0, $4  }
0x21: {  	_ = 	snop  }
0x22: {  	s15 =	sadd.s32 $0x200, s15  }
0x23: {  	_ =	swait.ge [sflag:s11], $0x4000  }
0x24: {  	[sflag:s11] =	ssyncset.done $0x0  }
0x25: {  	s14 =	sadd.s32 $0x1, s14  }
0x26: {  	[sflag:s11] =	ssyncadd.s32 $0xFFFFC000;
	p0 =	sne.s32 s14, s9  }
.Ltmp1:
0x27: {  	[bflag:$0x0] =	sbarrier.arrive $0xFFFF;
	(pc) =	sbr.rel @p0 .LBB2_1-.Ltmp1, $4  }
0x28: {  	[hbm:s8], [sflag:s6] =	dma.local [spmem:s10], $0x2780  }
0x29: {  	_ =	swait.ge [sflag:s11], $0x2780  }
0x2a: {  	[sflag:s11] =	ssyncset.done $0x0  }
0x2b: {  	[sflag:s11] =	ssyncadd.s32 $0xFFFFD880  }
0x2c: {  	_ =	sfence.sel $0x180000  }
0x2d: {  	[bflag:$0x0] =	sbarrier.arrive $0xFFFF  }
0x2e: {  	p0 =	sne.s32 s0, $0x0;
	_ =	strace $0x90000047  }
0x2f: {  	s0 =	sadd.s32 @!p0 $0x100000, s1;
	[bflag:$0x2] =	sbarrier.arrive $0xFFFF  }
0x30: {  	[sflag:s0] =	ssyncadd.tile.s32 @!p0 $0x1;
	_ =	shalt  }
.Lfunc_end2:
_tile_overlayer_lowered:
.L_overlay_start_2:
0x31: {  	(tag) =	ssettag $0x2  }
0x32: {  	s0 =	rddreg [dreg:$0x0];
	s2 =	stileid.u32  }
0x33: {  	s1 =	rddreg [dreg:$0x1];
	p0 =	sne.s32 s2, $0x0  }
0x34: {  	s3 =	rddreg [dreg:$0x2];
	[bflag:$0x3] =	sbarrier.arrive $0xFFFF;
	s2 =	simm.s32 @!p0 $0x1C01  }
0x35: {  	[timem:s3], [sflag:s2] =	dma.local @!p0 [hbm:s0], s1  }
0x36: {  	s0 =	simm.s32 @!p0 $0x1  }
0x37: {  	_ =	swait.ge @!p0 [sflag:s0], s1  }
0x38: {  	s1 =	ssub.s32 @!p0 $0x0, s1;
	[sflag:s0] =	ssyncset.done @!p0 $0x0  }
0x39: {  	[sflag:s0] =	ssyncadd.s32 @!p0 s1  }
0x3a: {  	[bflag:$0x3] =	sbarrier.arrive $0xFFFF  }
0x3b: {  	_ =	shalt  }

// kernel: kernel.15.cloned.1.call-start
scs
__scs_entry_jumppad:
0x0: {  	(pc) =	sbr.rel $0x88, $3  }
0x1: {  	(tag) =	ssettag $0x0;
	lr =	simm.s32 $0x1  }
0x2: {  	[smem:$0x3F93] =	sst lr;
	_ =	strace $0xD0000000  }
0x3: {  	_ = 	snop  }
0x4: {  	_ = 	snop  }
0x5: {  	_ = 	snop  }
0x6: {  	_ = 	snop  }
0x7: {  	_ = 	snop  }
__scs_overlays_trampoline_lowered:
0x8: {  	[smem:$0x3FA2] =	sst s0  }
0x9: {  	[smem:$0x3FA3] =	sst s1  }
0xa: {  	[smem:$0x3FA4] =	sst s2  }
0xb: {  	[smem:$0x3FA5] =	sst s3  }
0xc: {  	[smem:$0x3FA6] =	sst s4  }
0xd: {  	[smem:$0x3FA7] =	sst s5  }
0xe: {  	[smem:$0x3FA8] =	sst s6  }
0xf: {  	[smem:$0x3FA9] =	sst s7  }
0x10: {  	[smem:$0x3FAA] =	sst s8  }
0x11: {  	[smem:$0x3FAB] =	sst s9;
	s0 =	simm.s32 @!p0 $0x0  }
0x12: {  	s1 =	sld [smem:$0x3F91];
	s0 =	simm.s32 @p0 $0x1  }
0x13: {  	[smem:$0x3FAC] =	sst s0;
	s0 =	simm.s32 @!p1 $0x0  }
0x14: {  	s2 =	sld [smem:$0x3F90];
	s0 =	simm.s32 @p1 $0x1  }
0x15: {  	[smem:$0x3FAD] =	sst s0;
	s0 =	simm.s32 @!p2 $0x0  }
0x16: {  	s3 =	sld [smem:$0x3FDB];
	s0 =	simm.s32 @p2 $0x1  }
0x17: {  	s4 =	simm.s32 $0x1BF5;
	[smem:$0x3FAF] =	sst s0  }
0x18: {  	s0 =	sld [smem:$0x3F92];
	_ =	swait.ge [sflag:s4], $0x0  }
0x19: {  	s7 =	sld [smem:$0x3F93]  }
0x1a: {  	s8 =	sadd.s32 $0xFFFFE003, lr  }
0x1b: {  	s9 =	sadd.s32 $0xFFFFFEF7, lr;
	s5 =	simm.s32 $0xFFFFFFFF;
	p2 =	slt.u32 s8, $0xFFFFF086  }
0x1c: {  	p1 =	slt.u32 s9, $0xF7A;
	s5 =	simm.s32 @!p2 $0x0  }
0x1d: {  	s5 =	simm.s32 @p1 $0x1;
	p0 =	seq.s32 s7, s2  }
0x1e: {  	s7 =	smul.u32 @!p0 $0xF7A, s2;
	p2 =	seq.s32 @!p0 s5, $0x0  }
0x1f: {  	s9 =	smul.u32 $0xF7A, s1;
	s8 =	simm.s32 @!p0 $0x1BF5;
	p2 =	por !p2, p0  }
0x20: {  	[sflag:s8] =	ssyncset.s32 @!p0 $0xFFFFF086;
	s6 =	sadd.s32 @!p0 s3, s7;
	s7 =	simm.s32 @!p0 $0x108  }
0x21: {  	s3 =	sadd.s32 s3, s9;
	s6 =	sadd.s32 @!p0 $0x88, s6;
	s7 =	simm.s32 @p2 $0x1082  }
0x22: {  	[simem:s7], [sflag:s8] =	dma.local @!p0 [hbm:s6], $0xF7A  }
0x23: {  	s9 =	sor.u32 $0xD0000000, s2;
	s6 =	simm.s32 $0x108;
	_ =	swait.ge @!p0 [sflag:s8], $0x0  }
0x24: {  	s3 =	sadd.s32 $0x88, s3;
	s6 =	simm.s32 @!p1 $0x1082;
	[sflag:s4] =	ssyncset.s32 $0xFFFFF086  }
0x25: {  	[simem:s6], [sflag:s4] =	dma.local [hbm:s3], $0xF7A  }
0x26: {  	[smem:$0x3F93] =	sst s1;
	(tag) =	ssettag s2;
	_ =	strace s9  }
0x27: {  	s1 =	sld [smem:$0x3FA3]  }
0x28: {  	s2 =	sld [smem:$0x3FA4]  }
0x29: {  	s4 =	sld [smem:$0x3FA6]  }
0x2a: {  	p0 =	seq.s32 s5, $0x0;
	s5 =	sld [smem:$0x3FA7]  }
0x2b: {  	s6 =	sld [smem:$0x3FA8]  }
0x2c: {  	s7 =	sld [smem:$0x3FA9]  }
0x2d: {  	s3 =	simm.s32 $0x108;
	s8 =	sld [smem:$0x3FAA]  }
0x2e: {  	s3 =	simm.s32 @!p0 $0x1082;
	s9 =	sld [smem:$0x3FAB]  }
0x2f: {  	lr =	sadd.s32 s0, s3;
	s0 =	sld [smem:$0x3FA2]  }
0x30: {  	s3 =	sld [smem:$0x3FA5]  }
0x31: {  	[smem:$0x3FAE] =	sst s10  }
0x32: {  	s10 =	sld [smem:$0x3FAC];
	_ =	sdelay $0x3  }
0x33: {  	p0 =	seq.s32 s10, $0x1;
	s10 =	sld [smem:$0x3FAE];
	_ =	sdelay $0x3  }
0x34: {  	[smem:$0x3FAE] =	sst s10  }
0x35: {  	s10 =	sld [smem:$0x3FAD];
	_ =	sdelay $0x3  }
0x36: {  	p1 =	seq.s32 s10, $0x1;
	s10 =	sld [smem:$0x3FAE];
	_ =	sdelay $0x3  }
0x37: {  	[smem:$0x3FAE] =	sst s10  }
0x38: {  	s10 =	sld [smem:$0x3FAF]  }
0x39: {  	_ = 	snop;
	(pc) =	sbr.ind lr, $3  }
0x3a: {  	_ = 	snop  }
0x3b: {  	_ = 	snop  }
0x3c: {  	p2 =	seq.s32 s10, $0x1;
	s10 =	sld [smem:$0x3FAE]  }
0x3d: {  	_ =	shalt  }
0x3e: {  	_ =	shalt  }
0x3f: {  	_ =	shalt  }
0x40: {  	_ =	shalt  }
0x41: {  	_ =	shalt  }
0x42: {  	_ =	shalt  }
0x43: {  	_ =	shalt  }
0x44: {  	_ =	shalt  }
0x45: {  	_ =	shalt  }
0x46: {  	_ =	shalt  }
0x47: {  	_ =	shalt  }
0x48: {  	_ =	shalt  }
0x49: {  	_ =	shalt  }
0x4a: {  	_ =	shalt  }
0x4b: {  	_ =	shalt  }
0x4c: {  	_ =	shalt  }
0x4d: {  	_ =	shalt  }
0x4e: {  	_ =	shalt  }
0x4f: {  	_ =	shalt  }
0x50: {  	_ =	shalt  }
0x51: {  	_ =	shalt  }
0x52: {  	_ =	shalt  }
0x53: {  	_ =	shalt  }
0x54: {  	_ =	shalt  }
0x55: {  	_ =	shalt  }
0x56: {  	_ =	shalt  }
0x57: {  	_ =	shalt  }
0x58: {  	_ =	shalt  }
0x59: {  	_ =	shalt  }
0x5a: {  	_ =	shalt  }
0x5b: {  	_ =	shalt  }
0x5c: {  	_ =	shalt  }
0x5d: {  	_ =	shalt  }
0x5e: {  	_ =	shalt  }
0x5f: {  	_ =	shalt  }
0x60: {  	_ =	shalt  }
0x61: {  	_ =	shalt  }
0x62: {  	_ =	shalt  }
0x63: {  	_ =	shalt  }
0x64: {  	_ =	shalt  }
0x65: {  	_ =	shalt  }
0x66: {  	_ =	shalt  }
0x67: {  	_ =	shalt  }
0x68: {  	_ =	shalt  }
0x69: {  	_ =	shalt  }
0x6a: {  	_ =	shalt  }
0x6b: {  	_ =	shalt  }
0x6c: {  	_ =	shalt  }
0x6d: {  	_ =	shalt  }
0x6e: {  	_ =	shalt  }
0x6f: {  	_ =	shalt  }
0x70: {  	_ =	shalt  }
0x71: {  	_ =	shalt  }
0x72: {  	_ =	shalt  }
0x73: {  	_ =	shalt  }
0x74: {  	_ =	shalt  }
0x75: {  	_ =	shalt  }
0x76: {  	_ =	shalt  }
0x77: {  	_ =	shalt  }
0x78: {  	_ =	shalt  }
0x79: {  	_ =	shalt  }
0x7a: {  	_ =	shalt  }
0x7b: {  	_ =	shalt  }
0x7c: {  	_ =	shalt  }
0x7d: {  	_ =	shalt  }
0x7e: {  	_ =	shalt  }
0x7f: {  	_ =	shalt  }
0x80: {  	_ =	shalt  }
0x81: {  	_ =	shalt  }
0x82: {  	_ =	shalt  }
0x83: {  	_ =	shalt  }
0x84: {  	_ =	shalt  }
0x85: {  	_ =	shalt  }
0x86: {  	_ =	shalt  }
0x87: {  	_ =	shalt  }
.Lfunc_end0:
.L_simem_size_0:
called_computation.1_lowered:
.L_overlay_start_0:
0x88: {  	s2 =	sld [smem:$0x3FD9]  }
0x89: {  	s3 =	sld [smem:$0x3FFE];
	_ =	sdelay $0x1  }
0x8a: {  	s1 =	srdreg.scid  }
0x8b: {  	s0 =	sand.u32 $0x1, s1  }
0x8c: {  	s14 =	sshll.u32 s0, $0xA;
	s2 =	sadd.s32 s3, s2  }
0x8d: {  	s2 =	sadd.s32 s2, s14  }
0x8e: {  	[smem:$0x3FBA] =	sst s2  }
0x8f: {  	_ = 	snop  }
0x90: {  	s2 =	sld [smem:$0x3FD0];
	_ =	sdelay $0x2  }
0x91: {  	s15 =	simm.s32 $0xA;
	s4 =	simm.s32 $0x10  }
0x92: {  	[smem:s4], [sflag:s15] =	dma.local [hbm:s2], $0x1  }
0x93: {  	_ =	swait.eq [sflag:s15], $0x1  }
0x94: {  	[sflag:s15] =	ssyncset.done $0x0  }
0x95: {  	s16 =	sld [smem:$0x13];
	[sflag:s15] =	ssyncadd.s32 $0xFFFFFFFF  }
0x96: {  	s17 =	sld [smem:$0x14];
	(tm) =	ssettm $0x1  }
0x97: {  	s18 =	sld [smem:$0x3FFB];
	_ =	sdelay $0x3  }
0x98: {  	_ =	strace s18  }
0x99: {  	s4 =	sld [smem:$0x3FFC];
	_ =	sdelay $0x3  }
0x9a: {  	_ =	strace s4  }
0x9b: {  	s4 =	sld [smem:$0x3FFD];
	_ =	sdelay $0x3  }
0x9c: {  	_ =	strace s4  }
0x9d: {  	_ =	strace $0x8FFFFFFF  }
0x9e: {  	s19 =	sld [smem:$0x3FDB];
	_ =	sdelay $0x1  }
0x9f: {  	s5 =	simm.s32 $_scs_section_size  }
0xa0: {  	s6 =	simm.s32 $_size__tile_overlayer_lowered;
	s7 =	simm.s32 $_tile_overlayer_lowered  }
0xa1: {  	s22 =	simm.s32 $0x1BFF;
	s21 =	sshll.u32 s7, $0x1;
	s4 =	sadd.s32 s5, s19  }
0xa2: {  	s8 =	simm.s32 $0x0;
	s20 =	sshll.u32 s6, $0x1;
	s6 =	sadd.s32 s21, s4  }
0xa3: {  	[timem:s8], [sflag:s22] =	dma.local [hbm:s6], s20  }
0xa4: {  	_ =	swait.ge [sflag:s22], s20  }
0xa5: {  	s5 =	ssub.s32 $0x0, s20;
	[sflag:s22] =	ssyncset.done $0x0  }
0xa6: {  	[sflag:s22] =	ssyncadd.s32 s5;
	_ =	sdelay $0x1  }
0xa7: {  	s23 =	simm.s32 $0x1B8B  }
0xa8: {  	_ =	swait.ge [sflag:s23], $0x1  }
0xa9: {  	[sflag:s23] =	ssyncset.done $0x0  }
0xaa: {  	s25 =	simm.s32 $0x1B8E;
	s24 =	sld [smem:$0x3FFE];
	[sflag:s23] =	ssyncadd.s32 $0xFFFFFFFF  }
0xab: {  	s26 =	simm.s32 $execute0_lowered;
	[smem:$0x3FD2] =	sst s25  }
0xac: {  	s6 =	sshll.u32 s26, $0x1;
	_ =	strace $0x80000049;
	[dreg:$0x1] =	wrdreg $0xFFFFFFFF  }
0xad: {  	s28 =	simm.s32 $_size_execute0_lowered;
	s4 =	sadd.s32 s4, s6;
	[dreg:$0x0] =	wrdreg $0x0  }
0xae: {  	s6 =	sshll.u32 s28, $0x1;
	[dreg:$0x2] =	wrdreg s4  }
0xaf: {  	[dreg:$0x3] =	wrdreg s6  }
0xb0: {  	[dreg:$0x4] =	wrdreg $0xC0  }
0xb1: {  	_ =	task [dreg:s8], $0x5FFFF  }
0xb2: {  	[dreg:$0x1] =	wrdreg $0xFFFFFFFF  }
0xb3: {  	[dreg:$0x0] =	wrdreg $0x60  }
0xb4: {  	[dreg:$0x2] =	wrdreg s16  }
0xb5: {  	[dreg:$0x3] =	wrdreg s17  }
0xb6: {  	[dreg:$0x4] =	wrdreg s24  }
0xb7: {  	[dreg:$0x5] =	wrdreg $0xA9000  }
0xb8: {  	[dreg:$0x6] =	wrdreg $0x9  }
0xb9: {  	_ =	task.clear_ibuf [dreg:s8], $0x7FFFF;
	_ =	strace $0x90000049  }
0xba: {  	s29 =	simm.s32 $0x9;
	_ =	strace $0x8000004B  }
0xbb: {  	_ =	swait.ge [sflag:s29], $0x1  }
0xbc: {  	[sflag:s29] =	ssyncadd.s32 $0xFFFFFFFF  }
0xbd: {  	_ =	strace $0x9000004B  }
0xbe: {  	_ =	sfence  }
0xbf: {  	s30 =	sld [smem:$0x0];
	_ =	sdelay $0x2  }
0xc0: {  	s31 =	sshll.u32 s1, $0xD;
	s1 =	sshrl.u32 s1, $0x2  }
0xc1: {  	s3 =	sand.u32 $0x4000, s31;
	s1 =	sadd.s32 s1, s30  }
0xc2: {  	s0 =	sor.u32 s3, s0;
	s1 =	sshll.u32 s1, $0x11  }
0xc3: {  	s0 =	sor.u32 s1, s0  }
0xc4: {  	s0 =	sadd.s32 $0x8F2B, s0  }
0xc5: {  	[sflag:s0] =	ssyncadd.remote.s32 $0x1  }
0xc6: {  	_ =	sfence.sel $0xFFFF  }
0xc7: {  	[dreg:$0x0] =	wrdreg $0xFFFFFFFF;
	(pc) =	sbr.abs _section_cstart, $3  }
0xc8: {  	[dreg:$0x1] =	wrdreg $0xFFFFFFFF  }
0xc9: {  	_ =	task.clear_ibuf [dreg:s8], $0x2FFFF;
	_ =	strace $0x9FFFFFFF  }
0xca: {  	(tm) =	ssettm $0x7FFFFFFF  }
0xcb: {  	_ =	shalt  }
tec
execute0_lowered:
.L_overlay_start_1:
0x0: {  	(tag) =	ssettag $0x1  }
0x1: {  	s1 =	rddreg [dreg:$0x0]  }
0x2: {  	s6 =	rddreg [dreg:$0x1]  }
0x3: {  	s7 =	rddreg [dreg:$0x2]  }
0x4: {  	s0 =	stileid.u32;
	s2 =	srdreg.scid  }
0x5: {  	s3 =	rddreg [dreg:$0x3];
	s4 =	simm.s32 $0x0;
	s14 =	simm.s32 $0x2880  }
0x6: {  	s17 =	simm.s32 $0x80;
	s18 =	simm.s32 $0x2900;
	s19 =	simm.s32 $0x6900  }
0x7: {  	s20 =	simm.s32 $0x3;
	s21 =	simm.s32 $0x1;
	s5 =	smul.u32 $0x500, s0  }
0x8: {  	s22 =	simm.s32 $0x4;
	s23 =	simm.s32 $0x2;
	s9 =	smul.u32 $0x2780, s0  }
0x9: {  	s24 =	simm.s32 $0x5;
	s25 =	simm.s32 $0x6;
	s11 =	smul.u32 $0x50, s0  }
0xa: {  	s8 =	sand.u32 $0x1, s2;
	s2 =	rddreg [dreg:$0x4];
	s29 =	smul.u32 $0x4F000, s0  }
0xb: {  	s26 =	simm.s32 $0x0;
	[smem:$0x7FF] =	sst s4;
	s10 =	smul.u32 $0x27800, s8  }
0xc: {  	s15 =	sshll.u32 s0, $0x6;
	_ =	strace $0x8000004A;
	s13 =	smul.u32 $0x500, s8  }
0xd: {  	s8 =	ssub.s32 $0x2, s8;
	s15 =	sor.u32 $0x1C07, s15;
	s12 =	sadd.s32 s5, s7  }
0xe: {  	s5 =	sadd.s32 $0x9A00, s7;
	s28 =	sshrl.u32 s8, $0x1;
	s31 =	sshrl.u32 s29, $0x2  }
0xf: {  	s9 =	sadd.s32 s9, s10;
	s11 =	sadd.s32 s11, s13;
	s10 =	ssub.s32 s8, s28  }
0x10: {  	s8 =	sadd.s32 $0x4A10, s12;
	s16 =	sadd.s32 s31, s3;
	s13 =	simm.s32 $0x2800  }
0x11: {  	s9 =	sadd.s32 s9, s7;
	s30 =	sshll.u32 s11, $0x4;
	s7 =	sadd.s32 $0x4A00, s12  }
0x12: {  	s10 =	smax.u32 s10, $0x1;
	s11 =	sadd.s32 $0x4A20, s12;
	s12 =	simm.s32 $0x7  }
0x13: {  	s16 =	sshrl.u32 s16, $0x3;
	s6 =	sadd.s32 s6, s30;
	s9 =	sadd.s32 $0x5B200, s9  }
.LBB2_1:
0x14: {  	[tilespmem:s4], [sflag:$0x7] =	stream.linear.gather [hbm4b:s6+s4], $0x2800, $0x38;
	[tilespmem:$0x1E500] =	vst v63  }
0x15: {  	_ =	swait.ge [sflag:s12], $0x2800  }
0x16: {  	[sflag:s12] =	ssyncset.done $0x0  }
0x17: {  	[sflag:s12] =	ssyncadd.s32 $0xFFFFD800  }
0x18: {  	[tilespmem:s13], [sflag:$0x1] =	stream.linear.gather [hbm4b:s7+s4], $0x80, $0x38;
	[tilespmem:$0x1E500] =	vst v63  }
0x19: {  	_ = 	snop  }
0x1a: {  	[tilespmem:s14], [sflag:$0x2] =	stream.linear.gather [hbm4b:s8+s4], $0x80, $0x38;
	[tilespmem:$0x1E500] =	vst v63  }
0x1b: {  	[spmem:s16], [sflag:s15] =	dma.local [hbm:s5], $0x2780  }
0x1c: {  	_ =	swait.ge [sflag:s12], $0x2780  }
0x1d: {  	[sflag:s12] =	ssyncset.done $0x0  }
0x1e: {  	[sflag:s12] =	ssyncadd.s32 $0xFFFFD880  }
0x1f: {  	[bflag:$0x0] =	sbarrier.arrive $0xFFFF  }
0x20: {  	[tilespmem:s18], [sflag:$0x3] =	stream.indirect.gather [hbm4b:s1+s17], $0x80, s4, s17, $0xb8;
	[tilespmem:$0x1E500] =	vst v63  }
0x21: {  	_ = 	snop  }
0x22: {  	[tilespmem:s19], [sflag:$0x4] =	stream.indirect.gather [hbm4b:s1+s17], $0x80, s17, s17, $0xb8;
	[tilespmem:$0x1E500] =	vst v63  }
0x23: {  	_ =	swait.ge [sflag:s20], $0x4000  }
0x24: {  	[sflag:s20] =	ssyncset.done $0x0  }
0x25: {  	[sflag:s20] =	ssyncadd.s32 $0xFFFFC000  }
0x26: {  	_ =	swait.ge [sflag:s21], $0x80  }
0x27: {  	[sflag:s21] =	ssyncset.done $0x0  }
0x28: {  	[sflag:s21] =	ssyncadd.s32 $0xFFFFFF80  }
0x29: {  	[spmem:s3] =	stream.indirect.scatter.add.f32 [tilespmem:s18], [sflag:$0x5], $0x80, s13, s17, $0xb8;
	[tilespmem:$0x1E500] =	vst v63  }
0x2a: {  	_ =	swait.ge [sflag:s22], $0x4000  }
0x2b: {  	[sflag:s22] =	ssyncset.done $0x0  }
0x2c: {  	[sflag:s22] =	ssyncadd.s32 $0xFFFFC000  }
0x2d: {  	_ =	swait.ge [sflag:s23], $0x80  }
0x2e: {  	[sflag:s23] =	ssyncset.done $0x0  }
0x2f: {  	[sflag:s23] =	ssyncadd.s32 $0xFFFFFF80  }
0x30: {  	[spmem:s3] =	stream.indirect.scatter.add.f32 [tilespmem:s19], [sflag:$0x6], $0x80, s14, s17, $0xb8;
	[tilespmem:$0x1E500] =	vst v63  }
0x31: {  	_ =	swait.ge [sflag:s24], $0x4000  }
0x32: {  	[sflag:s24] =	ssyncset.done $0x0  }
0x33: {  	s28 =	simm.s32 $0x100;
	[sflag:s24] =	ssyncadd.s32 $0xFFFFC000  }
0x34: {  	[tilespmem:s18], [sflag:$0x3] =	stream.indirect.gather [hbm4b:s1+s17], $0x80, s28, s17, $0xb8;
	[tilespmem:$0x1E500] =	vst v63  }
0x35: {  	_ = 	snop  }
0x36: {  	[tilespmem:s13], [sflag:$0x1] =	stream.linear.gather [hbm4b:s11+s4], $0x80, $0x38;
	[tilespmem:$0x1E500] =	vst v63  }
0x37: {  	_ =	swait.ge [sflag:s25], $0x4000  }
0x38: {  	[sflag:s25] =	ssyncset.done $0x0  }
0x39: {  	s28 =	simm.s32 $0x180;
	[sflag:s25] =	ssyncadd.s32 $0xFFFFC000  }
0x3a: {  	[tilespmem:s19], [sflag:$0x4] =	stream.indirect.gather [hbm4b:s1+s17], $0x80, s28, s17, $0xb8;
	[tilespmem:$0x1E500] =	vst v63  }
0x3b: {  	s30 =	sadd.s32 $0x10, s11;
	s29 =	sadd.s32 $0x20, s11;
	s28 =	simm.s32 $0xFFFF6800  }
.LBB2_2:
0x3c: {  	[tilespmem:s14], [sflag:$0x2] =	stream.linear.gather [hbm4b:s30+s4], $0x80, $0x38;
	[tilespmem:$0x1E500] =	vst v63  }
0x3d: {  	s30 =	smov.u32 s28  }
0x3e: {  	p0 =	sne.s32 s28, $0xFFFFFC00;
	s28 =	sadd.s32 $0x400, s28;
	_ =	swait.ge [sflag:s20], $0x4000  }
0x3f: {  	[sflag:s20] =	ssyncset.done $0x0  }
0x40: {  	[sflag:s20] =	ssyncadd.s32 $0xFFFFC000  }
0x41: {  	_ =	swait.ge [sflag:s21], $0x80  }
0x42: {  	[sflag:s21] =	ssyncset.done $0x0  }
0x43: {  	[sflag:s21] =	ssyncadd.s32 $0xFFFFFF80  }
0x44: {  	[spmem:s3] =	stream.indirect.scatter.add.f32 [tilespmem:s18], [sflag:$0x5], $0x80, s13, s17, $0xb8;
	[tilespmem:$0x1E500] =	vst v63  }
0x45: {  	_ =	swait.ge [sflag:s22], $0x4000  }
0x46: {  	[sflag:s22] =	ssyncset.done $0x0  }
0x47: {  	[sflag:s22] =	ssyncadd.s32 $0xFFFFC000  }
0x48: {  	_ =	swait.ge [sflag:s23], $0x80  }
0x49: {  	[sflag:s23] =	ssyncset.done $0x0  }
0x4a: {  	[sflag:s23] =	ssyncadd.s32 $0xFFFFFF80  }
0x4b: {  	[spmem:s3] =	stream.indirect.scatter.add.f32 [tilespmem:s19], [sflag:$0x6], $0x80, s14, s17, $0xb8;
	[tilespmem:$0x1E500] =	vst v63  }
0x4c: {  	_ =	swait.ge [sflag:s24], $0x4000  }
0x4d: {  	s30 =	sshra.s32 s30, $0x2;
	[sflag:s24] =	ssyncset.done $0x0  }
0x4e: {  	s31 =	sadd.s32 $0x2800, s30;
	[sflag:s24] =	ssyncadd.s32 $0xFFFFC000  }
0x4f: {  	[tilespmem:s18], [sflag:$0x3] =	stream.indirect.gather [hbm4b:s1+s17], $0x80, s31, s17, $0xb8;
	[tilespmem:$0x1E500] =	vst v63  }
0x50: {  	_ = 	snop  }
0x51: {  	[tilespmem:s13], [sflag:$0x1] =	stream.linear.gather [hbm4b:s29+s4], $0x80, $0x38;
	[tilespmem:$0x1E500] =	vst v63  }
.Ltmp0:
0x52: {  	_ =	swait.ge [sflag:s25], $0x4000;
	(pc) =	sbr.rel @p0 .LBB2_2-.Ltmp0, $4  }
0x53: {  	[sflag:s25] =	ssyncset.done $0x0  }
0x54: {  	s30 =	sadd.s32 $0x2880, s30;
	[sflag:s25] =	ssyncadd.s32 $0xFFFFC000  }
0x55: {  	[tilespmem:s19], [sflag:$0x4] =	stream.indirect.gather [hbm4b:s1+s17], $0x80, s30, s17, $0xb8;
	[tilespmem:$0x1E500] =	vst v63  }
0x56: {  	s30 =	sadd.s32 $0x10, s29;
	s29 =	sadd.s32 $0x20, s29  }
0x57: {  	[tilespmem:s14], [sflag:$0x2] =	stream.linear.gather [hbm4b:s30+s4], $0x80, $0x38;
	[tilespmem:$0x1E500] =	vst v63  }
0x58: {  	_ =	swait.ge [sflag:s20], $0x4000  }
0x59: {  	[sflag:s20] =	ssyncset.done $0x0  }
0x5a: {  	[sflag:s20] =	ssyncadd.s32 $0xFFFFC000  }
0x5b: {  	_ =	swait.ge [sflag:s21], $0x80  }
0x5c: {  	[sflag:s21] =	ssyncset.done $0x0  }
0x5d: {  	[sflag:s21] =	ssyncadd.s32 $0xFFFFFF80  }
0x5e: {  	[spmem:s3] =	stream.indirect.scatter.add.f32 [tilespmem:s18], [sflag:$0x5], $0x80, s13, s17, $0xb8;
	[tilespmem:$0x1E500] =	vst v63  }
0x5f: {  	_ =	swait.ge [sflag:s22], $0x4000  }
0x60: {  	[sflag:s22] =	ssyncset.done $0x0  }
0x61: {  	[sflag:s22] =	ssyncadd.s32 $0xFFFFC000  }
0x62: {  	_ =	swait.ge [sflag:s23], $0x80  }
0x63: {  	[sflag:s23] =	ssyncset.done $0x0  }
0x64: {  	[sflag:s23] =	ssyncadd.s32 $0xFFFFFF80  }
0x65: {  	[spmem:s3] =	stream.indirect.scatter.add.f32 [tilespmem:s19], [sflag:$0x6], $0x80, s14, s17, $0xb8;
	[tilespmem:$0x1E500] =	vst v63  }
0x66: {  	_ =	swait.ge [sflag:s24], $0x4000  }
0x67: {  	[sflag:s24] =	ssyncset.done $0x0  }
0x68: {  	[sflag:s24] =	ssyncadd.s32 $0xFFFFC000  }
0x69: {  	_ =	swait.ge [sflag:s25], $0x4000  }
0x6a: {  	s26 =	sadd.s32 $0x1, s26;
	[sflag:s25] =	ssyncset.done $0x0  }
0x6b: {  	p0 =	sne.s32 s26, s10;
	[sflag:s25] =	ssyncadd.s32 $0xFFFFC000  }
.Ltmp1:
0x6c: {  	[bflag:$0x0] =	sbarrier.arrive $0xFFFF;
	(pc) =	sbr.rel @p0 .LBB2_1-.Ltmp1, $4  }
0x6d: {  	[hbm:s9], [sflag:s15] =	dma.local [spmem:s16], $0x2780  }
0x6e: {  	_ =	swait.ge [sflag:s12], $0x2780  }
0x6f: {  	[sflag:s12] =	ssyncset.done $0x0  }
0x70: {  	[sflag:s12] =	ssyncadd.s32 $0xFFFFD880  }
0x71: {  	_ =	sfence.sel $0x180000  }
0x72: {  	[bflag:$0x0] =	sbarrier.arrive $0xFFFF  }
0x73: {  	p0 =	sne.s32 s0, $0x0;
	_ =	strace $0x9000004A  }
0x74: {  	s0 =	sadd.s32 @!p0 $0x100000, s2;
	[bflag:$0x2] =	sbarrier.arrive $0xFFFF  }
0x75: {  	[sflag:s0] =	ssyncadd.tile.s32 @!p0 $0x1;
	_ =	shalt  }
.Lfunc_end2:
_tile_overlayer_lowered:
.L_overlay_start_2:
0x76: {  	(tag) =	ssettag $0x2  }
0x77: {  	s0 =	rddreg [dreg:$0x0];
	s2 =	stileid.u32  }
0x78: {  	s1 =	rddreg [dreg:$0x1];
	p0 =	sne.s32 s2, $0x0  }
0x79: {  	s3 =	rddreg [dreg:$0x2];
	[bflag:$0x3] =	sbarrier.arrive $0xFFFF;
	s2 =	simm.s32 @!p0 $0x1C07  }
0x7a: {  	[timem:s3], [sflag:s2] =	dma.local @!p0 [hbm:s0], s1  }
0x7b: {  	s0 =	simm.s32 @!p0 $0x7  }
0x7c: {  	_ =	swait.ge @!p0 [sflag:s0], s1  }
0x7d: {  	s1 =	ssub.s32 @!p0 $0x0, s1;
	[sflag:s0] =	ssyncset.done @!p0 $0x0  }
0x7e: {  	[sflag:s0] =	ssyncadd.s32 @!p0 s1  }
0x7f: {  	[bflag:$0x3] =	sbarrier.arrive $0xFFFF  }
0x80: {  	_ =	shalt  }

// kernel: kernel.18.cloned.1.call-start
scs
__scs_entry_jumppad:
0x0: {  	(pc) =	sbr.rel $0x88, $3  }
0x1: {  	(tag) =	ssettag $0x0;
	lr =	simm.s32 $0x1  }
0x2: {  	[smem:$0x3F93] =	sst lr;
	_ =	strace $0xD0000000  }
0x3: {  	_ = 	snop  }
0x4: {  	_ = 	snop  }
0x5: {  	_ = 	snop  }
0x6: {  	_ = 	snop  }
0x7: {  	_ = 	snop  }
__scs_overlays_trampoline_lowered:
0x8: {  	[smem:$0x3FA2] =	sst s0  }
0x9: {  	[smem:$0x3FA3] =	sst s1  }
0xa: {  	[smem:$0x3FA4] =	sst s2  }
0xb: {  	[smem:$0x3FA5] =	sst s3  }
0xc: {  	[smem:$0x3FA6] =	sst s4  }
0xd: {  	[smem:$0x3FA7] =	sst s5  }
0xe: {  	[smem:$0x3FA8] =	sst s6  }
0xf: {  	[smem:$0x3FA9] =	sst s7  }
0x10: {  	[smem:$0x3FAA] =	sst s8  }
0x11: {  	[smem:$0x3FAB] =	sst s9;
	s0 =	simm.s32 @!p0 $0x0  }
0x12: {  	s1 =	sld [smem:$0x3F91];
	s0 =	simm.s32 @p0 $0x1  }
0x13: {  	[smem:$0x3FAC] =	sst s0;
	s0 =	simm.s32 @!p1 $0x0  }
0x14: {  	s2 =	sld [smem:$0x3F90];
	s0 =	simm.s32 @p1 $0x1  }
0x15: {  	[smem:$0x3FAD] =	sst s0;
	s0 =	simm.s32 @!p2 $0x0  }
0x16: {  	s3 =	sld [smem:$0x3FDB];
	s0 =	simm.s32 @p2 $0x1  }
0x17: {  	s4 =	simm.s32 $0x1BF5;
	[smem:$0x3FAF] =	sst s0  }
0x18: {  	s0 =	sld [smem:$0x3F92];
	_ =	swait.ge [sflag:s4], $0x0  }
0x19: {  	s7 =	sld [smem:$0x3F93]  }
0x1a: {  	s8 =	sadd.s32 $0xFFFFE003, lr  }
0x1b: {  	s9 =	sadd.s32 $0xFFFFFEF7, lr;
	s5 =	simm.s32 $0xFFFFFFFF;
	p2 =	slt.u32 s8, $0xFFFFF086  }
0x1c: {  	p1 =	slt.u32 s9, $0xF7A;
	s5 =	simm.s32 @!p2 $0x0  }
0x1d: {  	s5 =	simm.s32 @p1 $0x1;
	p0 =	seq.s32 s7, s2  }
0x1e: {  	s7 =	smul.u32 @!p0 $0xF7A, s2;
	p2 =	seq.s32 @!p0 s5, $0x0  }
0x1f: {  	s9 =	smul.u32 $0xF7A, s1;
	s8 =	simm.s32 @!p0 $0x1BF5;
	p2 =	por !p2, p0  }
0x20: {  	[sflag:s8] =	ssyncset.s32 @!p0 $0xFFFFF086;
	s6 =	sadd.s32 @!p0 s3, s7;
	s7 =	simm.s32 @!p0 $0x108  }
0x21: {  	s3 =	sadd.s32 s3, s9;
	s6 =	sadd.s32 @!p0 $0x88, s6;
	s7 =	simm.s32 @p2 $0x1082  }
0x22: {  	[simem:s7], [sflag:s8] =	dma.local @!p0 [hbm:s6], $0xF7A  }
0x23: {  	s9 =	sor.u32 $0xD0000000, s2;
	s6 =	simm.s32 $0x108;
	_ =	swait.ge @!p0 [sflag:s8], $0x0  }
0x24: {  	s3 =	sadd.s32 $0x88, s3;
	s6 =	simm.s32 @!p1 $0x1082;
	[sflag:s4] =	ssyncset.s32 $0xFFFFF086  }
0x25: {  	[simem:s6], [sflag:s4] =	dma.local [hbm:s3], $0xF7A  }
0x26: {  	[smem:$0x3F93] =	sst s1;
	(tag) =	ssettag s2;
	_ =	strace s9  }
0x27: {  	s1 =	sld [smem:$0x3FA3]  }
0x28: {  	s2 =	sld [smem:$0x3FA4]  }
0x29: {  	s4 =	sld [smem:$0x3FA6]  }
0x2a: {  	p0 =	seq.s32 s5, $0x0;
	s5 =	sld [smem:$0x3FA7]  }
0x2b: {  	s6 =	sld [smem:$0x3FA8]  }
0x2c: {  	s7 =	sld [smem:$0x3FA9]  }
0x2d: {  	s3 =	simm.s32 $0x108;
	s8 =	sld [smem:$0x3FAA]  }
0x2e: {  	s3 =	simm.s32 @!p0 $0x1082;
	s9 =	sld [smem:$0x3FAB]  }
0x2f: {  	lr =	sadd.s32 s0, s3;
	s0 =	sld [smem:$0x3FA2]  }
0x30: {  	s3 =	sld [smem:$0x3FA5]  }
0x31: {  	[smem:$0x3FAE] =	sst s10  }
0x32: {  	s10 =	sld [smem:$0x3FAC];
	_ =	sdelay $0x3  }
0x33: {  	p0 =	seq.s32 s10, $0x1;
	s10 =	sld [smem:$0x3FAE];
	_ =	sdelay $0x3  }
0x34: {  	[smem:$0x3FAE] =	sst s10  }
0x35: {  	s10 =	sld [smem:$0x3FAD];
	_ =	sdelay $0x3  }
0x36: {  	p1 =	seq.s32 s10, $0x1;
	s10 =	sld [smem:$0x3FAE];
	_ =	sdelay $0x3  }
0x37: {  	[smem:$0x3FAE] =	sst s10  }
0x38: {  	s10 =	sld [smem:$0x3FAF]  }
0x39: {  	_ = 	snop;
	(pc) =	sbr.ind lr, $3  }
0x3a: {  	_ = 	snop  }
0x3b: {  	_ = 	snop  }
0x3c: {  	p2 =	seq.s32 s10, $0x1;
	s10 =	sld [smem:$0x3FAE]  }
0x3d: {  	_ =	shalt  }
0x3e: {  	_ =	shalt  }
0x3f: {  	_ =	shalt  }
0x40: {  	_ =	shalt  }
0x41: {  	_ =	shalt  }
0x42: {  	_ =	shalt  }
0x43: {  	_ =	shalt  }
0x44: {  	_ =	shalt  }
0x45: {  	_ =	shalt  }
0x46: {  	_ =	shalt  }
0x47: {  	_ =	shalt  }
0x48: {  	_ =	shalt  }
0x49: {  	_ =	shalt  }
0x4a: {  	_ =	shalt  }
0x4b: {  	_ =	shalt  }
0x4c: {  	_ =	shalt  }
0x4d: {  	_ =	shalt  }
0x4e: {  	_ =	shalt  }
0x4f: {  	_ =	shalt  }
0x50: {  	_ =	shalt  }
0x51: {  	_ =	shalt  }
0x52: {  	_ =	shalt  }
0x53: {  	_ =	shalt  }
0x54: {  	_ =	shalt  }
0x55: {  	_ =	shalt  }
0x56: {  	_ =	shalt  }
0x57: {  	_ =	shalt  }
0x58: {  	_ =	shalt  }
0x59: {  	_ =	shalt  }
0x5a: {  	_ =	shalt  }
0x5b: {  	_ =	shalt  }
0x5c: {  	_ =	shalt  }
0x5d: {  	_ =	shalt  }
0x5e: {  	_ =	shalt  }
0x5f: {  	_ =	shalt  }
0x60: {  	_ =	shalt  }
0x61: {  	_ =	shalt  }
0x62: {  	_ =	shalt  }
0x63: {  	_ =	shalt  }
0x64: {  	_ =	shalt  }
0x65: {  	_ =	shalt  }
0x66: {  	_ =	shalt  }
0x67: {  	_ =	shalt  }
0x68: {  	_ =	shalt  }
0x69: {  	_ =	shalt  }
0x6a: {  	_ =	shalt  }
0x6b: {  	_ =	shalt  }
0x6c: {  	_ =	shalt  }
0x6d: {  	_ =	shalt  }
0x6e: {  	_ =	shalt  }
0x6f: {  	_ =	shalt  }
0x70: {  	_ =	shalt  }
0x71: {  	_ =	shalt  }
0x72: {  	_ =	shalt  }
0x73: {  	_ =	shalt  }
0x74: {  	_ =	shalt  }
0x75: {  	_ =	shalt  }
0x76: {  	_ =	shalt  }
0x77: {  	_ =	shalt  }
0x78: {  	_ =	shalt  }
0x79: {  	_ =	shalt  }
0x7a: {  	_ =	shalt  }
0x7b: {  	_ =	shalt  }
0x7c: {  	_ =	shalt  }
0x7d: {  	_ =	shalt  }
0x7e: {  	_ =	shalt  }
0x7f: {  	_ =	shalt  }
0x80: {  	_ =	shalt  }
0x81: {  	_ =	shalt  }
0x82: {  	_ =	shalt  }
0x83: {  	_ =	shalt  }
0x84: {  	_ =	shalt  }
0x85: {  	_ =	shalt  }
0x86: {  	_ =	shalt  }
0x87: {  	_ =	shalt  }
.Lfunc_end0:
.L_simem_size_0:
called_computation.2_lowered:
.L_overlay_start_0:
0x88: {  	s2 =	sld [smem:$0x3FD9]  }
0x89: {  	s3 =	sld [smem:$0x3FFE];
	_ =	sdelay $0x1  }
0x8a: {  	s1 =	srdreg.scid  }
0x8b: {  	s0 =	sand.u32 $0x1, s1  }
0x8c: {  	s14 =	sshll.u32 s0, $0xA;
	s2 =	sadd.s32 s3, s2  }
0x8d: {  	s2 =	sadd.s32 s2, s14  }
0x8e: {  	[smem:$0x3FBA] =	sst s2  }
0x8f: {  	_ = 	snop  }
0x90: {  	s2 =	sld [smem:$0x3FD0];
	_ =	sdelay $0x2  }
0x91: {  	s15 =	simm.s32 $0xA;
	s4 =	simm.s32 $0x10  }
0x92: {  	[smem:s4], [sflag:s15] =	dma.local [hbm:s2], $0x1  }
0x93: {  	_ =	swait.eq [sflag:s15], $0x1  }
0x94: {  	[sflag:s15] =	ssyncset.done $0x0  }
0x95: {  	s16 =	sld [smem:$0x13];
	[sflag:s15] =	ssyncadd.s32 $0xFFFFFFFF  }
0x96: {  	s17 =	sld [smem:$0x14];
	(tm) =	ssettm $0x1  }
0x97: {  	s18 =	sld [smem:$0x3FFB];
	_ =	sdelay $0x3  }
0x98: {  	_ =	strace s18  }
0x99: {  	s4 =	sld [smem:$0x3FFC];
	_ =	sdelay $0x3  }
0x9a: {  	_ =	strace s4  }
0x9b: {  	s4 =	sld [smem:$0x3FFD];
	_ =	sdelay $0x3  }
0x9c: {  	_ =	strace s4  }
0x9d: {  	_ =	strace $0x8FFFFFFF  }
0x9e: {  	s19 =	sld [smem:$0x3FDB];
	_ =	sdelay $0x1  }
0x9f: {  	s5 =	simm.s32 $_scs_section_size  }
0xa0: {  	s6 =	simm.s32 $_size__tile_overlayer_lowered;
	s7 =	simm.s32 $_tile_overlayer_lowered  }
0xa1: {  	s22 =	simm.s32 $0x1BFF;
	s21 =	sshll.u32 s7, $0x1;
	s4 =	sadd.s32 s5, s19  }
0xa2: {  	s8 =	simm.s32 $0x0;
	s20 =	sshll.u32 s6, $0x1;
	s6 =	sadd.s32 s21, s4  }
0xa3: {  	[timem:s8], [sflag:s22] =	dma.local [hbm:s6], s20  }
0xa4: {  	_ =	swait.ge [sflag:s22], s20  }
0xa5: {  	s5 =	ssub.s32 $0x0, s20;
	[sflag:s22] =	ssyncset.done $0x0  }
0xa6: {  	[sflag:s22] =	ssyncadd.s32 s5;
	_ =	sdelay $0x1  }
0xa7: {  	s23 =	simm.s32 $0x1B8B  }
0xa8: {  	_ =	swait.ge [sflag:s23], $0x1  }
0xa9: {  	[sflag:s23] =	ssyncset.done $0x0  }
0xaa: {  	s25 =	simm.s32 $0x1B8E;
	s24 =	sld [smem:$0x3FFE];
	[sflag:s23] =	ssyncadd.s32 $0xFFFFFFFF  }
0xab: {  	s26 =	simm.s32 $execute0_lowered;
	[smem:$0x3FD2] =	sst s25  }
0xac: {  	s6 =	sshll.u32 s26, $0x1;
	_ =	strace $0x8000004C;
	[dreg:$0x1] =	wrdreg $0xFFFFFFFF  }
0xad: {  	s28 =	simm.s32 $_size_execute0_lowered;
	s4 =	sadd.s32 s4, s6;
	[dreg:$0x0] =	wrdreg $0x0  }
0xae: {  	s6 =	sshll.u32 s28, $0x1;
	[dreg:$0x2] =	wrdreg s4  }
0xaf: {  	[dreg:$0x3] =	wrdreg s6  }
0xb0: {  	[dreg:$0x4] =	wrdreg $0xC0  }
0xb1: {  	_ =	task [dreg:s8], $0x5FFFF  }
0xb2: {  	[dreg:$0x1] =	wrdreg $0xFFFFFFFF  }
0xb3: {  	[dreg:$0x0] =	wrdreg $0x60  }
0xb4: {  	[dreg:$0x2] =	wrdreg s16  }
0xb5: {  	[dreg:$0x3] =	wrdreg s17  }
0xb6: {  	[dreg:$0x4] =	wrdreg s24  }
0xb7: {  	[dreg:$0x5] =	wrdreg $0xA9000  }
0xb8: {  	[dreg:$0x6] =	wrdreg $0x9  }
0xb9: {  	_ =	task.clear_ibuf [dreg:s8], $0x7FFFF;
	_ =	strace $0x9000004C  }
0xba: {  	s29 =	simm.s32 $0x9;
	_ =	strace $0x8000004E  }
0xbb: {  	_ =	swait.ge [sflag:s29], $0x1  }
0xbc: {  	[sflag:s29] =	ssyncadd.s32 $0xFFFFFFFF  }
0xbd: {  	_ =	strace $0x9000004E  }
0xbe: {  	_ =	sfence  }
0xbf: {  	s30 =	sld [smem:$0x0];
	_ =	sdelay $0x2  }
0xc0: {  	s31 =	sshll.u32 s1, $0xD;
	s1 =	sshrl.u32 s1, $0x2  }
0xc1: {  	s3 =	sand.u32 $0x4000, s31;
	s1 =	sadd.s32 s1, s30  }
0xc2: {  	s0 =	sor.u32 s3, s0;
	s1 =	sshll.u32 s1, $0x11  }
0xc3: {  	s0 =	sor.u32 s1, s0  }
0xc4: {  	s0 =	sadd.s32 $0x8F2B, s0  }
0xc5: {  	[sflag:s0] =	ssyncadd.remote.s32 $0x1  }
0xc6: {  	_ =	sfence.sel $0xFFFF  }
0xc7: {  	[dreg:$0x0] =	wrdreg $0xFFFFFFFF;
	(pc) =	sbr.abs _section_cstart, $3  }
0xc8: {  	[dreg:$0x1] =	wrdreg $0xFFFFFFFF  }
0xc9: {  	_ =	task.clear_ibuf [dreg:s8], $0x2FFFF;
	_ =	strace $0x9FFFFFFF  }
0xca: {  	(tm) =	ssettm $0x7FFFFFFF  }
0xcb: {  	_ =	shalt  }
tec
execute0_lowered:
.L_overlay_start_1:
0x0: {  	(tag) =	ssettag $0x1  }
0x1: {  	s1 =	rddreg [dreg:$0x0]  }
0x2: {  	s6 =	rddreg [dreg:$0x1]  }
0x3: {  	s7 =	rddreg [dreg:$0x2]  }
0x4: {  	s0 =	stileid.u32;
	s2 =	srdreg.scid  }
0x5: {  	s3 =	rddreg [dreg:$0x3];
	s4 =	simm.s32 $0x0;
	s14 =	simm.s32 $0x2880  }
0x6: {  	s17 =	simm.s32 $0x80;
	s18 =	simm.s32 $0x2900;
	s19 =	simm.s32 $0x6900  }
0x7: {  	s20 =	simm.s32 $0x3;
	s21 =	simm.s32 $0x1;
	s5 =	smul.u32 $0x500, s0  }
0x8: {  	s22 =	simm.s32 $0x4;
	s23 =	simm.s32 $0x2;
	s9 =	smul.u32 $0x2780, s0  }
0x9: {  	s24 =	simm.s32 $0x5;
	s25 =	simm.s32 $0x6;
	s11 =	smul.u32 $0x50, s0  }
0xa: {  	s8 =	sand.u32 $0x1, s2;
	s2 =	rddreg [dreg:$0x4];
	s29 =	smul.u32 $0x4F000, s0  }
0xb: {  	s26 =	simm.s32 $0x0;
	[smem:$0x7FF] =	sst s4;
	s10 =	smul.u32 $0x27800, s8  }
0xc: {  	s15 =	sshll.u32 s0, $0x6;
	_ =	strace $0x8000004D;
	s13 =	smul.u32 $0x500, s8  }
0xd: {  	s8 =	ssub.s32 $0x2, s8;
	s15 =	sor.u32 $0x1C07, s15;
	s12 =	sadd.s32 s5, s7  }
0xe: {  	s5 =	sadd.s32 $0x9A00, s7;
	s28 =	sshrl.u32 s8, $0x1;
	s31 =	sshrl.u32 s29, $0x2  }
0xf: {  	s9 =	sadd.s32 s9, s10;
	s11 =	sadd.s32 s11, s13;
	s10 =	ssub.s32 s8, s28  }
0x10: {  	s8 =	sadd.s32 $0x4A10, s12;
	s16 =	sadd.s32 s31, s3;
	s13 =	simm.s32 $0x2800  }
0x11: {  	s9 =	sadd.s32 s9, s7;
	s30 =	sshll.u32 s11, $0x4;
	s7 =	sadd.s32 $0x4A00, s12  }
0x12: {  	s10 =	smax.u32 s10, $0x1;
	s11 =	sadd.s32 $0x4A20, s12;
	s12 =	simm.s32 $0x7  }
0x13: {  	s16 =	sshrl.u32 s16, $0x3;
	s6 =	sadd.s32 s6, s30;
	s9 =	sadd.s32 $0x5B200, s9  }
.LBB2_1:
0x14: {  	[tilespmem:s4], [sflag:$0x7] =	stream.linear.gather [hbm4b:s6+s4], $0x2800, $0x38;
	[tilespmem:$0x1E500] =	vst v63  }
0x15: {  	_ =	swait.ge [sflag:s12], $0x2800  }
0x16: {  	[sflag:s12] =	ssyncset.done $0x0  }
0x17: {  	[sflag:s12] =	ssyncadd.s32 $0xFFFFD800  }
0x18: {  	[tilespmem:s13], [sflag:$0x1] =	stream.linear.gather [hbm4b:s7+s4], $0x80, $0x38;
	[tilespmem:$0x1E500] =	vst v63  }
0x19: {  	_ = 	snop  }
0x1a: {  	[tilespmem:s14], [sflag:$0x2] =	stream.linear.gather [hbm4b:s8+s4], $0x80, $0x38;
	[tilespmem:$0x1E500] =	vst v63  }
0x1b: {  	[spmem:s16], [sflag:s15] =	dma.local [hbm:s5], $0x2780  }
0x1c: {  	_ =	swait.ge [sflag:s12], $0x2780  }
0x1d: {  	[sflag:s12] =	ssyncset.done $0x0  }
0x1e: {  	[sflag:s12] =	ssyncadd.s32 $0xFFFFD880  }
0x1f: {  	[bflag:$0x0] =	sbarrier.arrive $0xFFFF  }
0x20: {  	[tilespmem:s18], [sflag:$0x3] =	stream.indirect.gather [hbm4b:s1+s17], $0x80, s4, s17, $0xb8;
	[tilespmem:$0x1E500] =	vst v63  }
0x21: {  	_ = 	snop  }
0x22: {  	[tilespmem:s19], [sflag:$0x4] =	stream.indirect.gather [hbm4b:s1+s17], $0x80, s17, s17, $0xb8;
	[tilespmem:$0x1E500] =	vst v63  }
0x23: {  	_ =	swait.ge [sflag:s20], $0x4000  }
0x24: {  	[sflag:s20] =	ssyncset.done $0x0  }
0x25: {  	[sflag:s20] =	ssyncadd.s32 $0xFFFFC000  }
0x26: {  	_ =	swait.ge [sflag:s21], $0x80  }
0x27: {  	[sflag:s21] =	ssyncset.done $0x0  }
0x28: {  	[sflag:s21] =	ssyncadd.s32 $0xFFFFFF80  }
0x29: {  	[spmem:s3] =	stream.indirect.scatter.add.f32 [tilespmem:s18], [sflag:$0x5], $0x80, s13, s17, $0xb8;
	[tilespmem:$0x1E500] =	vst v63  }
0x2a: {  	_ =	swait.ge [sflag:s22], $0x4000  }
0x2b: {  	[sflag:s22] =	ssyncset.done $0x0  }
0x2c: {  	[sflag:s22] =	ssyncadd.s32 $0xFFFFC000  }
0x2d: {  	_ =	swait.ge [sflag:s23], $0x80  }
0x2e: {  	[sflag:s23] =	ssyncset.done $0x0  }
0x2f: {  	[sflag:s23] =	ssyncadd.s32 $0xFFFFFF80  }
0x30: {  	[spmem:s3] =	stream.indirect.scatter.add.f32 [tilespmem:s19], [sflag:$0x6], $0x80, s14, s17, $0xb8;
	[tilespmem:$0x1E500] =	vst v63  }
0x31: {  	_ =	swait.ge [sflag:s24], $0x4000  }
0x32: {  	[sflag:s24] =	ssyncset.done $0x0  }
0x33: {  	s28 =	simm.s32 $0x100;
	[sflag:s24] =	ssyncadd.s32 $0xFFFFC000  }
0x34: {  	[tilespmem:s18], [sflag:$0x3] =	stream.indirect.gather [hbm4b:s1+s17], $0x80, s28, s17, $0xb8;
	[tilespmem:$0x1E500] =	vst v63  }
0x35: {  	_ = 	snop  }
0x36: {  	[tilespmem:s13], [sflag:$0x1] =	stream.linear.gather [hbm4b:s11+s4], $0x80, $0x38;
	[tilespmem:$0x1E500] =	vst v63  }
0x37: {  	_ =	swait.ge [sflag:s25], $0x4000  }
0x38: {  	[sflag:s25] =	ssyncset.done $0x0  }
0x39: {  	s28 =	simm.s32 $0x180;
	[sflag:s25] =	ssyncadd.s32 $0xFFFFC000  }
0x3a: {  	[tilespmem:s19], [sflag:$0x4] =	stream.indirect.gather [hbm4b:s1+s17], $0x80, s28, s17, $0xb8;
	[tilespmem:$0x1E500] =	vst v63  }
0x3b: {  	s30 =	sadd.s32 $0x10, s11;
	s29 =	sadd.s32 $0x20, s11;
	s28 =	simm.s32 $0xFFFF6800  }
.LBB2_2:
0x3c: {  	[tilespmem:s14], [sflag:$0x2] =	stream.linear.gather [hbm4b:s30+s4], $0x80, $0x38;
	[tilespmem:$0x1E500] =	vst v63  }
0x3d: {  	s30 =	smov.u32 s28  }
0x3e: {  	p0 =	sne.s32 s28, $0xFFFFFC00;
	s28 =	sadd.s32 $0x400, s28;
	_ =	swait.ge [sflag:s20], $0x4000  }
0x3f: {  	[sflag:s20] =	ssyncset.done $0x0  }
0x40: {  	[sflag:s20] =	ssyncadd.s32 $0xFFFFC000  }
0x41: {  	_ =	swait.ge [sflag:s21], $0x80  }
0x42: {  	[sflag:s21] =	ssyncset.done $0x0  }
0x43: {  	[sflag:s21] =	ssyncadd.s32 $0xFFFFFF80  }
0x44: {  	[spmem:s3] =	stream.indirect.scatter.add.f32 [tilespmem:s18], [sflag:$0x5], $0x80, s13, s17, $0xb8;
	[tilespmem:$0x1E500] =	vst v63  }
0x45: {  	_ =	swait.ge [sflag:s22], $0x4000  }
0x46: {  	[sflag:s22] =	ssyncset.done $0x0  }
0x47: {  	[sflag:s22] =	ssyncadd.s32 $0xFFFFC000  }
0x48: {  	_ =	swait.ge [sflag:s23], $0x80  }
0x49: {  	[sflag:s23] =	ssyncset.done $0x0  }
0x4a: {  	[sflag:s23] =	ssyncadd.s32 $0xFFFFFF80  }
0x4b: {  	[spmem:s3] =	stream.indirect.scatter.add.f32 [tilespmem:s19], [sflag:$0x6], $0x80, s14, s17, $0xb8;
	[tilespmem:$0x1E500] =	vst v63  }
0x4c: {  	_ =	swait.ge [sflag:s24], $0x4000  }
0x4d: {  	s30 =	sshra.s32 s30, $0x2;
	[sflag:s24] =	ssyncset.done $0x0  }
0x4e: {  	s31 =	sadd.s32 $0x2800, s30;
	[sflag:s24] =	ssyncadd.s32 $0xFFFFC000  }
0x4f: {  	[tilespmem:s18], [sflag:$0x3] =	stream.indirect.gather [hbm4b:s1+s17], $0x80, s31, s17, $0xb8;
	[tilespmem:$0x1E500] =	vst v63  }
0x50: {  	_ = 	snop  }
0x51: {  	[tilespmem:s13], [sflag:$0x1] =	stream.linear.gather [hbm4b:s29+s4], $0x80, $0x38;
	[tilespmem:$0x1E500] =	vst v63  }
.Ltmp0:
0x52: {  	_ =	swait.ge [sflag:s25], $0x4000;
	(pc) =	sbr.rel @p0 .LBB2_2-.Ltmp0, $4  }
0x53: {  	[sflag:s25] =	ssyncset.done $0x0  }
0x54: {  	s30 =	sadd.s32 $0x2880, s30;
	[sflag:s25] =	ssyncadd.s32 $0xFFFFC000  }
0x55: {  	[tilespmem:s19], [sflag:$0x4] =	stream.indirect.gather [hbm4b:s1+s17], $0x80, s30, s17, $0xb8;
	[tilespmem:$0x1E500] =	vst v63  }
0x56: {  	s30 =	sadd.s32 $0x10, s29;
	s29 =	sadd.s32 $0x20, s29  }
0x57: {  	[tilespmem:s14], [sflag:$0x2] =	stream.linear.gather [hbm4b:s30+s4], $0x80, $0x38;
	[tilespmem:$0x1E500] =	vst v63  }
0x58: {  	_ =	swait.ge [sflag:s20], $0x4000  }
0x59: {  	[sflag:s20] =	ssyncset.done $0x0  }
0x5a: {  	[sflag:s20] =	ssyncadd.s32 $0xFFFFC000  }
0x5b: {  	_ =	swait.ge [sflag:s21], $0x80  }
0x5c: {  	[sflag:s21] =	ssyncset.done $0x0  }
0x5d: {  	[sflag:s21] =	ssyncadd.s32 $0xFFFFFF80  }
0x5e: {  	[spmem:s3] =	stream.indirect.scatter.add.f32 [tilespmem:s18], [sflag:$0x5], $0x80, s13, s17, $0xb8;
	[tilespmem:$0x1E500] =	vst v63  }
0x5f: {  	_ =	swait.ge [sflag:s22], $0x4000  }
0x60: {  	[sflag:s22] =	ssyncset.done $0x0  }
0x61: {  	[sflag:s22] =	ssyncadd.s32 $0xFFFFC000  }
0x62: {  	_ =	swait.ge [sflag:s23], $0x80  }
0x63: {  	[sflag:s23] =	ssyncset.done $0x0  }
0x64: {  	[sflag:s23] =	ssyncadd.s32 $0xFFFFFF80  }
0x65: {  	[spmem:s3] =	stream.indirect.scatter.add.f32 [tilespmem:s19], [sflag:$0x6], $0x80, s14, s17, $0xb8;
	[tilespmem:$0x1E500] =	vst v63  }
0x66: {  	_ =	swait.ge [sflag:s24], $0x4000  }
0x67: {  	[sflag:s24] =	ssyncset.done $0x0  }
0x68: {  	[sflag:s24] =	ssyncadd.s32 $0xFFFFC000  }
0x69: {  	_ =	swait.ge [sflag:s25], $0x4000  }
0x6a: {  	s26 =	sadd.s32 $0x1, s26;
	[sflag:s25] =	ssyncset.done $0x0  }
0x6b: {  	p0 =	sne.s32 s26, s10;
	[sflag:s25] =	ssyncadd.s32 $0xFFFFC000  }
.Ltmp1:
0x6c: {  	[bflag:$0x0] =	sbarrier.arrive $0xFFFF;
	(pc) =	sbr.rel @p0 .LBB2_1-.Ltmp1, $4  }
0x6d: {  	[hbm:s9], [sflag:s15] =	dma.local [spmem:s16], $0x2780  }
0x6e: {  	_ =	swait.ge [sflag:s12], $0x2780  }
0x6f: {  	[sflag:s12] =	ssyncset.done $0x0  }
0x70: {  	[sflag:s12] =	ssyncadd.s32 $0xFFFFD880  }
0x71: {  	_ =	sfence.sel $0x180000  }
0x72: {  	[bflag:$0x0] =	sbarrier.arrive $0xFFFF  }
0x73: {  	p0 =	sne.s32 s0, $0x0;
	_ =	strace $0x9000004D  }
0x74: {  	s0 =	sadd.s32 @!p0 $0x100000, s2;
	[bflag:$0x2] =	sbarrier.arrive $0xFFFF  }
0x75: {  	[sflag:s0] =	ssyncadd.tile.s32 @!p0 $0x1;
	_ =	shalt  }
.Lfunc_end2:
_tile_overlayer_lowered:
.L_overlay_start_2:
0x76: {  	(tag) =	ssettag $0x2  }
0x77: {  	s0 =	rddreg [dreg:$0x0];
	s2 =	stileid.u32  }
0x78: {  	s1 =	rddreg [dreg:$0x1];
	p0 =	sne.s32 s2, $0x0  }
0x79: {  	s3 =	rddreg [dreg:$0x2];
	[bflag:$0x3] =	sbarrier.arrive $0xFFFF;
	s2 =	simm.s32 @!p0 $0x1C07  }
0x7a: {  	[timem:s3], [sflag:s2] =	dma.local @!p0 [hbm:s0], s1  }
0x7b: {  	s0 =	simm.s32 @!p0 $0x7  }
0x7c: {  	_ =	swait.ge @!p0 [sflag:s0], s1  }
0x7d: {  	s1 =	ssub.s32 @!p0 $0x0, s1;
	[sflag:s0] =	ssyncset.done @!p0 $0x0  }
0x7e: {  	[sflag:s0] =	ssyncadd.s32 @!p0 s1  }
0x7f: {  	[bflag:$0x3] =	sbarrier.arrive $0xFFFF  }
0x80: {  	_ =	shalt  }

// kernel: kernel.21.cloned.1.call-start
scs
__scs_entry_jumppad:
0x0: {  	(pc) =	sbr.rel $0x88, $3  }
0x1: {  	(tag) =	ssettag $0x0;
	lr =	simm.s32 $0x1  }
0x2: {  	[smem:$0x3F93] =	sst lr;
	_ =	strace $0xD0000000  }
0x3: {  	_ = 	snop  }
0x4: {  	_ = 	snop  }
0x5: {  	_ = 	snop  }
0x6: {  	_ = 	snop  }
0x7: {  	_ = 	snop  }
__scs_overlays_trampoline_lowered:
0x8: {  	[smem:$0x3FA2] =	sst s0  }
0x9: {  	[smem:$0x3FA3] =	sst s1  }
0xa: {  	[smem:$0x3FA4] =	sst s2  }
0xb: {  	[smem:$0x3FA5] =	sst s3  }
0xc: {  	[smem:$0x3FA6] =	sst s4  }
0xd: {  	[smem:$0x3FA7] =	sst s5  }
0xe: {  	[smem:$0x3FA8] =	sst s6  }
0xf: {  	[smem:$0x3FA9] =	sst s7  }
0x10: {  	[smem:$0x3FAA] =	sst s8  }
0x11: {  	[smem:$0x3FAB] =	sst s9;
	s0 =	simm.s32 @!p0 $0x0  }
0x12: {  	s1 =	sld [smem:$0x3F91];
	s0 =	simm.s32 @p0 $0x1  }
0x13: {  	[smem:$0x3FAC] =	sst s0;
	s0 =	simm.s32 @!p1 $0x0  }
0x14: {  	s2 =	sld [smem:$0x3F90];
	s0 =	simm.s32 @p1 $0x1  }
0x15: {  	[smem:$0x3FAD] =	sst s0;
	s0 =	simm.s32 @!p2 $0x0  }
0x16: {  	s3 =	sld [smem:$0x3FDB];
	s0 =	simm.s32 @p2 $0x1  }
0x17: {  	s4 =	simm.s32 $0x1BF5;
	[smem:$0x3FAF] =	sst s0  }
0x18: {  	s0 =	sld [smem:$0x3F92];
	_ =	swait.ge [sflag:s4], $0x0  }
0x19: {  	s7 =	sld [smem:$0x3F93]  }
0x1a: {  	s8 =	sadd.s32 $0xFFFFE003, lr  }
0x1b: {  	s9 =	sadd.s32 $0xFFFFFEF7, lr;
	s5 =	simm.s32 $0xFFFFFFFF;
	p2 =	slt.u32 s8, $0xFFFFF086  }
0x1c: {  	p1 =	slt.u32 s9, $0xF7A;
	s5 =	simm.s32 @!p2 $0x0  }
0x1d: {  	s5 =	simm.s32 @p1 $0x1;
	p0 =	seq.s32 s7, s2  }
0x1e: {  	s7 =	smul.u32 @!p0 $0xF7A, s2;
	p2 =	seq.s32 @!p0 s5, $0x0  }
0x1f: {  	s9 =	smul.u32 $0xF7A, s1;
	s8 =	simm.s32 @!p0 $0x1BF5;
	p2 =	por !p2, p0  }
0x20: {  	[sflag:s8] =	ssyncset.s32 @!p0 $0xFFFFF086;
	s6 =	sadd.s32 @!p0 s3, s7;
	s7 =	simm.s32 @!p0 $0x108  }
0x21: {  	s3 =	sadd.s32 s3, s9;
	s6 =	sadd.s32 @!p0 $0x88, s6;
	s7 =	simm.s32 @p2 $0x1082  }
0x22: {  	[simem:s7], [sflag:s8] =	dma.local @!p0 [hbm:s6], $0xF7A  }
0x23: {  	s9 =	sor.u32 $0xD0000000, s2;
	s6 =	simm.s32 $0x108;
	_ =	swait.ge @!p0 [sflag:s8], $0x0  }
0x24: {  	s3 =	sadd.s32 $0x88, s3;
	s6 =	simm.s32 @!p1 $0x1082;
	[sflag:s4] =	ssyncset.s32 $0xFFFFF086  }
0x25: {  	[simem:s6], [sflag:s4] =	dma.local [hbm:s3], $0xF7A  }
0x26: {  	[smem:$0x3F93] =	sst s1;
	(tag) =	ssettag s2;
	_ =	strace s9  }
0x27: {  	s1 =	sld [smem:$0x3FA3]  }
0x28: {  	s2 =	sld [smem:$0x3FA4]  }
0x29: {  	s4 =	sld [smem:$0x3FA6]  }
0x2a: {  	p0 =	seq.s32 s5, $0x0;
	s5 =	sld [smem:$0x3FA7]  }
0x2b: {  	s6 =	sld [smem:$0x3FA8]  }
0x2c: {  	s7 =	sld [smem:$0x3FA9]  }
0x2d: {  	s3 =	simm.s32 $0x108;
	s8 =	sld [smem:$0x3FAA]  }
0x2e: {  	s3 =	simm.s32 @!p0 $0x1082;
	s9 =	sld [smem:$0x3FAB]  }
0x2f: {  	lr =	sadd.s32 s0, s3;
	s0 =	sld [smem:$0x3FA2]  }
0x30: {  	s3 =	sld [smem:$0x3FA5]  }
0x31: {  	[smem:$0x3FAE] =	sst s10  }
0x32: {  	s10 =	sld [smem:$0x3FAC];
	_ =	sdelay $0x3  }
0x33: {  	p0 =	seq.s32 s10, $0x1;
	s10 =	sld [smem:$0x3FAE];
	_ =	sdelay $0x3  }
0x34: {  	[smem:$0x3FAE] =	sst s10  }
0x35: {  	s10 =	sld [smem:$0x3FAD];
	_ =	sdelay $0x3  }
0x36: {  	p1 =	seq.s32 s10, $0x1;
	s10 =	sld [smem:$0x3FAE];
	_ =	sdelay $0x3  }
0x37: {  	[smem:$0x3FAE] =	sst s10  }
0x38: {  	s10 =	sld [smem:$0x3FAF]  }
0x39: {  	_ = 	snop;
	(pc) =	sbr.ind lr, $3  }
0x3a: {  	_ = 	snop  }
0x3b: {  	_ = 	snop  }
0x3c: {  	p2 =	seq.s32 s10, $0x1;
	s10 =	sld [smem:$0x3FAE]  }
0x3d: {  	_ =	shalt  }
0x3e: {  	_ =	shalt  }
0x3f: {  	_ =	shalt  }
0x40: {  	_ =	shalt  }
0x41: {  	_ =	shalt  }
0x42: {  	_ =	shalt  }
0x43: {  	_ =	shalt  }
0x44: {  	_ =	shalt  }
0x45: {  	_ =	shalt  }
0x46: {  	_ =	shalt  }
0x47: {  	_ =	shalt  }
0x48: {  	_ =	shalt  }
0x49: {  	_ =	shalt  }
0x4a: {  	_ =	shalt  }
0x4b: {  	_ =	shalt  }
0x4c: {  	_ =	shalt  }
0x4d: {  	_ =	shalt  }
0x4e: {  	_ =	shalt  }
0x4f: {  	_ =	shalt  }
0x50: {  	_ =	shalt  }
0x51: {  	_ =	shalt  }
0x52: {  	_ =	shalt  }
0x53: {  	_ =	shalt  }
0x54: {  	_ =	shalt  }
0x55: {  	_ =	shalt  }
0x56: {  	_ =	shalt  }
0x57: {  	_ =	shalt  }
0x58: {  	_ =	shalt  }
0x59: {  	_ =	shalt  }
0x5a: {  	_ =	shalt  }
0x5b: {  	_ =	shalt  }
0x5c: {  	_ =	shalt  }
0x5d: {  	_ =	shalt  }
0x5e: {  	_ =	shalt  }
0x5f: {  	_ =	shalt  }
0x60: {  	_ =	shalt  }
0x61: {  	_ =	shalt  }
0x62: {  	_ =	shalt  }
0x63: {  	_ =	shalt  }
0x64: {  	_ =	shalt  }
0x65: {  	_ =	shalt  }
0x66: {  	_ =	shalt  }
0x67: {  	_ =	shalt  }
0x68: {  	_ =	shalt  }
0x69: {  	_ =	shalt  }
0x6a: {  	_ =	shalt  }
0x6b: {  	_ =	shalt  }
0x6c: {  	_ =	shalt  }
0x6d: {  	_ =	shalt  }
0x6e: {  	_ =	shalt  }
0x6f: {  	_ =	shalt  }
0x70: {  	_ =	shalt  }
0x71: {  	_ =	shalt  }
0x72: {  	_ =	shalt  }
0x73: {  	_ =	shalt  }
0x74: {  	_ =	shalt  }
0x75: {  	_ =	shalt  }
0x76: {  	_ =	shalt  }
0x77: {  	_ =	shalt  }
0x78: {  	_ =	shalt  }
0x79: {  	_ =	shalt  }
0x7a: {  	_ =	shalt  }
0x7b: {  	_ =	shalt  }
0x7c: {  	_ =	shalt  }
0x7d: {  	_ =	shalt  }
0x7e: {  	_ =	shalt  }
0x7f: {  	_ =	shalt  }
0x80: {  	_ =	shalt  }
0x81: {  	_ =	shalt  }
0x82: {  	_ =	shalt  }
0x83: {  	_ =	shalt  }
0x84: {  	_ =	shalt  }
0x85: {  	_ =	shalt  }
0x86: {  	_ =	shalt  }
0x87: {  	_ =	shalt  }
.Lfunc_end0:
.L_simem_size_0:
called_computation.3_lowered:
.L_overlay_start_0:
0x88: {  	s2 =	sld [smem:$0x3FD9]  }
0x89: {  	s3 =	sld [smem:$0x3FFE];
	_ =	sdelay $0x1  }
0x8a: {  	s1 =	srdreg.scid  }
0x8b: {  	s0 =	sand.u32 $0x1, s1  }
0x8c: {  	s14 =	sshll.u32 s0, $0xA;
	s2 =	sadd.s32 s3, s2  }
0x8d: {  	s2 =	sadd.s32 s2, s14  }
0x8e: {  	[smem:$0x3FBA] =	sst s2  }
0x8f: {  	_ = 	snop  }
0x90: {  	s2 =	sld [smem:$0x3FD0];
	_ =	sdelay $0x2  }
0x91: {  	s15 =	simm.s32 $0xA;
	s4 =	simm.s32 $0x10  }
0x92: {  	[smem:s4], [sflag:s15] =	dma.local [hbm:s2], $0x1  }
0x93: {  	_ =	swait.eq [sflag:s15], $0x1  }
0x94: {  	[sflag:s15] =	ssyncset.done $0x0  }
0x95: {  	s16 =	sld [smem:$0x13];
	[sflag:s15] =	ssyncadd.s32 $0xFFFFFFFF  }
0x96: {  	s17 =	sld [smem:$0x14];
	(tm) =	ssettm $0x1  }
0x97: {  	s18 =	sld [smem:$0x3FFB];
	_ =	sdelay $0x3  }
0x98: {  	_ =	strace s18  }
0x99: {  	s4 =	sld [smem:$0x3FFC];
	_ =	sdelay $0x3  }
0x9a: {  	_ =	strace s4  }
0x9b: {  	s4 =	sld [smem:$0x3FFD];
	_ =	sdelay $0x3  }
0x9c: {  	_ =	strace s4  }
0x9d: {  	_ =	strace $0x8FFFFFFF  }
0x9e: {  	s19 =	sld [smem:$0x3FDB];
	_ =	sdelay $0x1  }
0x9f: {  	s5 =	simm.s32 $_scs_section_size  }
0xa0: {  	s6 =	simm.s32 $_size__tile_overlayer_lowered;
	s7 =	simm.s32 $_tile_overlayer_lowered  }
0xa1: {  	s22 =	simm.s32 $0x1BFF;
	s21 =	sshll.u32 s7, $0x1;
	s4 =	sadd.s32 s5, s19  }
0xa2: {  	s8 =	simm.s32 $0x0;
	s20 =	sshll.u32 s6, $0x1;
	s6 =	sadd.s32 s21, s4  }
0xa3: {  	[timem:s8], [sflag:s22] =	dma.local [hbm:s6], s20  }
0xa4: {  	_ =	swait.ge [sflag:s22], s20  }
0xa5: {  	s5 =	ssub.s32 $0x0, s20;
	[sflag:s22] =	ssyncset.done $0x0  }
0xa6: {  	[sflag:s22] =	ssyncadd.s32 s5;
	_ =	sdelay $0x1  }
0xa7: {  	s23 =	simm.s32 $0x1B8B  }
0xa8: {  	_ =	swait.ge [sflag:s23], $0x1  }
0xa9: {  	[sflag:s23] =	ssyncset.done $0x0  }
0xaa: {  	s25 =	simm.s32 $0x1B8E;
	s24 =	sld [smem:$0x3FFE];
	[sflag:s23] =	ssyncadd.s32 $0xFFFFFFFF  }
0xab: {  	s26 =	simm.s32 $execute0_lowered;
	[smem:$0x3FD2] =	sst s25  }
0xac: {  	s6 =	sshll.u32 s26, $0x1;
	_ =	strace $0x8000004F;
	[dreg:$0x1] =	wrdreg $0xFFFFFFFF  }
0xad: {  	s28 =	simm.s32 $_size_execute0_lowered;
	s4 =	sadd.s32 s4, s6;
	[dreg:$0x0] =	wrdreg $0x0  }
0xae: {  	s6 =	sshll.u32 s28, $0x1;
	[dreg:$0x2] =	wrdreg s4  }
0xaf: {  	[dreg:$0x3] =	wrdreg s6  }
0xb0: {  	[dreg:$0x4] =	wrdreg $0xC0  }
0xb1: {  	_ =	task [dreg:s8], $0x5FFFF  }
0xb2: {  	[dreg:$0x1] =	wrdreg $0xFFFFFFFF  }
0xb3: {  	[dreg:$0x0] =	wrdreg $0x60  }
0xb4: {  	[dreg:$0x2] =	wrdreg s16  }
0xb5: {  	[dreg:$0x3] =	wrdreg s17  }
0xb6: {  	[dreg:$0x4] =	wrdreg s24  }
0xb7: {  	[dreg:$0x5] =	wrdreg $0xA9000  }
0xb8: {  	[dreg:$0x6] =	wrdreg $0x9  }
0xb9: {  	_ =	task.clear_ibuf [dreg:s8], $0x7FFFF;
	_ =	strace $0x9000004F  }
0xba: {  	s29 =	simm.s32 $0x9;
	_ =	strace $0x80000051  }
0xbb: {  	_ =	swait.ge [sflag:s29], $0x1  }
0xbc: {  	[sflag:s29] =	ssyncadd.s32 $0xFFFFFFFF  }
0xbd: {  	_ =	strace $0x90000051  }
0xbe: {  	_ =	sfence  }
0xbf: {  	s30 =	sld [smem:$0x0];
	_ =	sdelay $0x2  }
0xc0: {  	s31 =	sshll.u32 s1, $0xD;
	s1 =	sshrl.u32 s1, $0x2  }
0xc1: {  	s3 =	sand.u32 $0x4000, s31;
	s1 =	sadd.s32 s1, s30  }
0xc2: {  	s0 =	sor.u32 s3, s0;
	s1 =	sshll.u32 s1, $0x11  }
0xc3: {  	s0 =	sor.u32 s1, s0  }
0xc4: {  	s0 =	sadd.s32 $0x8F2B, s0  }
0xc5: {  	[sflag:s0] =	ssyncadd.remote.s32 $0x1  }
0xc6: {  	_ =	sfence.sel $0xFFFF  }
0xc7: {  	[dreg:$0x0] =	wrdreg $0xFFFFFFFF;
	(pc) =	sbr.abs _section_cstart, $3  }
0xc8: {  	[dreg:$0x1] =	wrdreg $0xFFFFFFFF  }
0xc9: {  	_ =	task.clear_ibuf [dreg:s8], $0x2FFFF;
	_ =	strace $0x9FFFFFFF  }
0xca: {  	(tm) =	ssettm $0x7FFFFFFF  }
0xcb: {  	_ =	shalt  }
tec
execute0_lowered:
.L_overlay_start_1:
0x0: {  	(tag) =	ssettag $0x1  }
0x1: {  	s1 =	rddreg [dreg:$0x0]  }
0x2: {  	s6 =	rddreg [dreg:$0x1]  }
0x3: {  	s7 =	rddreg [dreg:$0x2]  }
0x4: {  	s0 =	stileid.u32;
	s2 =	srdreg.scid  }
0x5: {  	s3 =	rddreg [dreg:$0x3];
	s4 =	simm.s32 $0x0;
	s14 =	simm.s32 $0x2880  }
0x6: {  	s17 =	simm.s32 $0x80;
	s18 =	simm.s32 $0x2900;
	s19 =	simm.s32 $0x6900  }
0x7: {  	s20 =	simm.s32 $0x3;
	s21 =	simm.s32 $0x1;
	s5 =	smul.u32 $0x500, s0  }
0x8: {  	s22 =	simm.s32 $0x4;
	s23 =	simm.s32 $0x2;
	s9 =	smul.u32 $0x2780, s0  }
0x9: {  	s24 =	simm.s32 $0x5;
	s25 =	simm.s32 $0x6;
	s11 =	smul.u32 $0x50, s0  }
0xa: {  	s8 =	sand.u32 $0x1, s2;
	s2 =	rddreg [dreg:$0x4];
	s29 =	smul.u32 $0x4F000, s0  }
0xb: {  	s26 =	simm.s32 $0x0;
	[smem:$0x7FF] =	sst s4;
	s10 =	smul.u32 $0x27800, s8  }
0xc: {  	s15 =	sshll.u32 s0, $0x6;
	_ =	strace $0x80000050;
	s13 =	smul.u32 $0x500, s8  }
0xd: {  	s8 =	ssub.s32 $0x2, s8;
	s15 =	sor.u32 $0x1C07, s15;
	s12 =	sadd.s32 s5, s7  }
0xe: {  	s5 =	sadd.s32 $0x9A00, s7;
	s28 =	sshrl.u32 s8, $0x1;
	s31 =	sshrl.u32 s29, $0x2  }
0xf: {  	s9 =	sadd.s32 s9, s10;
	s11 =	sadd.s32 s11, s13;
	s10 =	ssub.s32 s8, s28  }
0x10: {  	s8 =	sadd.s32 $0x4A10, s12;
	s16 =	sadd.s32 s31, s3;
	s13 =	simm.s32 $0x2800  }
0x11: {  	s9 =	sadd.s32 s9, s7;
	s30 =	sshll.u32 s11, $0x4;
	s7 =	sadd.s32 $0x4A00, s12  }
0x12: {  	s10 =	smax.u32 s10, $0x1;
	s11 =	sadd.s32 $0x4A20, s12;
	s12 =	simm.s32 $0x7  }
0x13: {  	s16 =	sshrl.u32 s16, $0x3;
	s6 =	sadd.s32 s6, s30;
	s9 =	sadd.s32 $0x5B200, s9  }
.LBB2_1:
0x14: {  	[tilespmem:s4], [sflag:$0x7] =	stream.linear.gather [hbm4b:s6+s4], $0x2800, $0x38;
	[tilespmem:$0x1E500] =	vst v63  }
0x15: {  	_ =	swait.ge [sflag:s12], $0x2800  }
0x16: {  	[sflag:s12] =	ssyncset.done $0x0  }
0x17: {  	[sflag:s12] =	ssyncadd.s32 $0xFFFFD800  }
0x18: {  	[tilespmem:s13], [sflag:$0x1] =	stream.linear.gather [hbm4b:s7+s4], $0x80, $0x38;
	[tilespmem:$0x1E500] =	vst v63  }
0x19: {  	_ = 	snop  }
0x1a: {  	[tilespmem:s14], [sflag:$0x2] =	stream.linear.gather [hbm4b:s8+s4], $0x80, $0x38;
	[tilespmem:$0x1E500] =	vst v63  }
0x1b: {  	[spmem:s16], [sflag:s15] =	dma.local [hbm:s5], $0x2780  }
0x1c: {  	_ =	swait.ge [sflag:s12], $0x2780  }
0x1d: {  	[sflag:s12] =	ssyncset.done $0x0  }
0x1e: {  	[sflag:s12] =	ssyncadd.s32 $0xFFFFD880  }
0x1f: {  	[bflag:$0x0] =	sbarrier.arrive $0xFFFF  }
0x20: {  	[tilespmem:s18], [sflag:$0x3] =	stream.indirect.gather [hbm4b:s1+s17], $0x80, s4, s17, $0xb8;
	[tilespmem:$0x1E500] =	vst v63  }
0x21: {  	_ = 	snop  }
0x22: {  	[tilespmem:s19], [sflag:$0x4] =	stream.indirect.gather [hbm4b:s1+s17], $0x80, s17, s17, $0xb8;
	[tilespmem:$0x1E500] =	vst v63  }
0x23: {  	_ =	swait.ge [sflag:s20], $0x4000  }
0x24: {  	[sflag:s20] =	ssyncset.done $0x0  }
0x25: {  	[sflag:s20] =	ssyncadd.s32 $0xFFFFC000  }
0x26: {  	_ =	swait.ge [sflag:s21], $0x80  }
0x27: {  	[sflag:s21] =	ssyncset.done $0x0  }
0x28: {  	[sflag:s21] =	ssyncadd.s32 $0xFFFFFF80  }
0x29: {  	[spmem:s3] =	stream.indirect.scatter.add.f32 [tilespmem:s18], [sflag:$0x5], $0x80, s13, s17, $0xb8;
	[tilespmem:$0x1E500] =	vst v63  }
0x2a: {  	_ =	swait.ge [sflag:s22], $0x4000  }
0x2b: {  	[sflag:s22] =	ssyncset.done $0x0  }
0x2c: {  	[sflag:s22] =	ssyncadd.s32 $0xFFFFC000  }
0x2d: {  	_ =	swait.ge [sflag:s23], $0x80  }
0x2e: {  	[sflag:s23] =	ssyncset.done $0x0  }
0x2f: {  	[sflag:s23] =	ssyncadd.s32 $0xFFFFFF80  }
0x30: {  	[spmem:s3] =	stream.indirect.scatter.add.f32 [tilespmem:s19], [sflag:$0x6], $0x80, s14, s17, $0xb8;
	[tilespmem:$0x1E500] =	vst v63  }
0x31: {  	_ =	swait.ge [sflag:s24], $0x4000  }
0x32: {  	[sflag:s24] =	ssyncset.done $0x0  }
0x33: {  	s28 =	simm.s32 $0x100;
	[sflag:s24] =	ssyncadd.s32 $0xFFFFC000  }
0x34: {  	[tilespmem:s18], [sflag:$0x3] =	stream.indirect.gather [hbm4b:s1+s17], $0x80, s28, s17, $0xb8;
	[tilespmem:$0x1E500] =	vst v63  }
0x35: {  	_ = 	snop  }
0x36: {  	[tilespmem:s13], [sflag:$0x1] =	stream.linear.gather [hbm4b:s11+s4], $0x80, $0x38;
	[tilespmem:$0x1E500] =	vst v63  }
0x37: {  	_ =	swait.ge [sflag:s25], $0x4000  }
0x38: {  	[sflag:s25] =	ssyncset.done $0x0  }
0x39: {  	s28 =	simm.s32 $0x180;
	[sflag:s25] =	ssyncadd.s32 $0xFFFFC000  }
0x3a: {  	[tilespmem:s19], [sflag:$0x4] =	stream.indirect.gather [hbm4b:s1+s17], $0x80, s28, s17, $0xb8;
	[tilespmem:$0x1E500] =	vst v63  }
0x3b: {  	s30 =	sadd.s32 $0x10, s11;
	s29 =	sadd.s32 $0x20, s11;
	s28 =	simm.s32 $0xFFFF6800  }
.LBB2_2:
0x3c: {  	[tilespmem:s14], [sflag:$0x2] =	stream.linear.gather [hbm4b:s30+s4], $0x80, $0x38;
	[tilespmem:$0x1E500] =	vst v63  }
0x3d: {  	s30 =	smov.u32 s28  }
0x3e: {  	p0 =	sne.s32 s28, $0xFFFFFC00;
	s28 =	sadd.s32 $0x400, s28;
	_ =	swait.ge [sflag:s20], $0x4000  }
0x3f: {  	[sflag:s20] =	ssyncset.done $0x0  }
0x40: {  	[sflag:s20] =	ssyncadd.s32 $0xFFFFC000  }
0x41: {  	_ =	swait.ge [sflag:s21], $0x80  }
0x42: {  	[sflag:s21] =	ssyncset.done $0x0  }
0x43: {  	[sflag:s21] =	ssyncadd.s32 $0xFFFFFF80  }
0x44: {  	[spmem:s3] =	stream.indirect.scatter.add.f32 [tilespmem:s18], [sflag:$0x5], $0x80, s13, s17, $0xb8;
	[tilespmem:$0x1E500] =	vst v63  }
0x45: {  	_ =	swait.ge [sflag:s22], $0x4000  }
0x46: {  	[sflag:s22] =	ssyncset.done $0x0  }
0x47: {  	[sflag:s22] =	ssyncadd.s32 $0xFFFFC000  }
0x48: {  	_ =	swait.ge [sflag:s23], $0x80  }
0x49: {  	[sflag:s23] =	ssyncset.done $0x0  }
0x4a: {  	[sflag:s23] =	ssyncadd.s32 $0xFFFFFF80  }
0x4b: {  	[spmem:s3] =	stream.indirect.scatter.add.f32 [tilespmem:s19], [sflag:$0x6], $0x80, s14, s17, $0xb8;
	[tilespmem:$0x1E500] =	vst v63  }
0x4c: {  	_ =	swait.ge [sflag:s24], $0x4000  }
0x4d: {  	s30 =	sshra.s32 s30, $0x2;
	[sflag:s24] =	ssyncset.done $0x0  }
0x4e: {  	s31 =	sadd.s32 $0x2800, s30;
	[sflag:s24] =	ssyncadd.s32 $0xFFFFC000  }
0x4f: {  	[tilespmem:s18], [sflag:$0x3] =	stream.indirect.gather [hbm4b:s1+s17], $0x80, s31, s17, $0xb8;
	[tilespmem:$0x1E500] =	vst v63  }
0x50: {  	_ = 	snop  }
0x51: {  	[tilespmem:s13], [sflag:$0x1] =	stream.linear.gather [hbm4b:s29+s4], $0x80, $0x38;
	[tilespmem:$0x1E500] =	vst v63  }
.Ltmp0:
0x52: {  	_ =	swait.ge [sflag:s25], $0x4000;
	(pc) =	sbr.rel @p0 .LBB2_2-.Ltmp0, $4  }
0x53: {  	[sflag:s25] =	ssyncset.done $0x0  }
0x54: {  	s30 =	sadd.s32 $0x2880, s30;
	[sflag:s25] =	ssyncadd.s32 $0xFFFFC000  }
0x55: {  	[tilespmem:s19], [sflag:$0x4] =	stream.indirect.gather [hbm4b:s1+s17], $0x80, s30, s17, $0xb8;
	[tilespmem:$0x1E500] =	vst v63  }
0x56: {  	s30 =	sadd.s32 $0x10, s29;
	s29 =	sadd.s32 $0x20, s29  }
0x57: {  	[tilespmem:s14], [sflag:$0x2] =	stream.linear.gather [hbm4b:s30+s4], $0x80, $0x38;
	[tilespmem:$0x1E500] =	vst v63  }
0x58: {  	_ =	swait.ge [sflag:s20], $0x4000  }
0x59: {  	[sflag:s20] =	ssyncset.done $0x0  }
0x5a: {  	[sflag:s20] =	ssyncadd.s32 $0xFFFFC000  }
0x5b: {  	_ =	swait.ge [sflag:s21], $0x80  }
0x5c: {  	[sflag:s21] =	ssyncset.done $0x0  }
0x5d: {  	[sflag:s21] =	ssyncadd.s32 $0xFFFFFF80  }
0x5e: {  	[spmem:s3] =	stream.indirect.scatter.add.f32 [tilespmem:s18], [sflag:$0x5], $0x80, s13, s17, $0xb8;
	[tilespmem:$0x1E500] =	vst v63  }
0x5f: {  	_ =	swait.ge [sflag:s22], $0x4000  }
0x60: {  	[sflag:s22] =	ssyncset.done $0x0  }
0x61: {  	[sflag:s22] =	ssyncadd.s32 $0xFFFFC000  }
0x62: {  	_ =	swait.ge [sflag:s23], $0x80  }
0x63: {  	[sflag:s23] =	ssyncset.done $0x0  }
0x64: {  	[sflag:s23] =	ssyncadd.s32 $0xFFFFFF80  }
0x65: {  	[spmem:s3] =	stream.indirect.scatter.add.f32 [tilespmem:s19], [sflag:$0x6], $0x80, s14, s17, $0xb8;
	[tilespmem:$0x1E500] =	vst v63  }
0x66: {  	_ =	swait.ge [sflag:s24], $0x4000  }
0x67: {  	[sflag:s24] =	ssyncset.done $0x0  }
0x68: {  	[sflag:s24] =	ssyncadd.s32 $0xFFFFC000  }
0x69: {  	_ =	swait.ge [sflag:s25], $0x4000  }
0x6a: {  	s26 =	sadd.s32 $0x1, s26;
	[sflag:s25] =	ssyncset.done $0x0  }
0x6b: {  	p0 =	sne.s32 s26, s10;
	[sflag:s25] =	ssyncadd.s32 $0xFFFFC000  }
.Ltmp1:
0x6c: {  	[bflag:$0x0] =	sbarrier.arrive $0xFFFF;
	(pc) =	sbr.rel @p0 .LBB2_1-.Ltmp1, $4  }
0x6d: {  	[hbm:s9], [sflag:s15] =	dma.local [spmem:s16], $0x2780  }
0x6e: {  	_ =	swait.ge [sflag:s12], $0x2780  }
0x6f: {  	[sflag:s12] =	ssyncset.done $0x0  }
0x70: {  	[sflag:s12] =	ssyncadd.s32 $0xFFFFD880  }
0x71: {  	_ =	sfence.sel $0x180000  }
0x72: {  	[bflag:$0x0] =	sbarrier.arrive $0xFFFF  }
0x73: {  	p0 =	sne.s32 s0, $0x0;
	_ =	strace $0x90000050  }
0x74: {  	s0 =	sadd.s32 @!p0 $0x100000, s2;
	[bflag:$0x2] =	sbarrier.arrive $0xFFFF  }
0x75: {  	[sflag:s0] =	ssyncadd.tile.s32 @!p0 $0x1;
	_ =	shalt  }
.Lfunc_end2:
_tile_overlayer_lowered:
.L_overlay_start_2:
0x76: {  	(tag) =	ssettag $0x2  }
0x77: {  	s0 =	rddreg [dreg:$0x0];
	s2 =	stileid.u32  }
0x78: {  	s1 =	rddreg [dreg:$0x1];
	p0 =	sne.s32 s2, $0x0  }
0x79: {  	s3 =	rddreg [dreg:$0x2];
	[bflag:$0x3] =	sbarrier.arrive $0xFFFF;
	s2 =	simm.s32 @!p0 $0x1C07  }
0x7a: {  	[timem:s3], [sflag:s2] =	dma.local @!p0 [hbm:s0], s1  }
0x7b: {  	s0 =	simm.s32 @!p0 $0x7  }
0x7c: {  	_ =	swait.ge @!p0 [sflag:s0], s1  }
0x7d: {  	s1 =	ssub.s32 @!p0 $0x0, s1;
	[sflag:s0] =	ssyncset.done @!p0 $0x0  }
0x7e: {  	[sflag:s0] =	ssyncadd.s32 @!p0 s1  }
0x7f: {  	[bflag:$0x3] =	sbarrier.arrive $0xFFFF  }
0x80: {  	_ =	shalt  }

// kernel: kernel.24.cloned.1.call-start
scs
__scs_entry_jumppad:
0x0: {  	(pc) =	sbr.rel $0x88, $3  }
0x1: {  	(tag) =	ssettag $0x0;
	lr =	simm.s32 $0x1  }
0x2: {  	[smem:$0x3F93] =	sst lr;
	_ =	strace $0xD0000000  }
0x3: {  	_ = 	snop  }
0x4: {  	_ = 	snop  }
0x5: {  	_ = 	snop  }
0x6: {  	_ = 	snop  }
0x7: {  	_ = 	snop  }
__scs_overlays_trampoline_lowered:
0x8: {  	[smem:$0x3FA2] =	sst s0  }
0x9: {  	[smem:$0x3FA3] =	sst s1  }
0xa: {  	[smem:$0x3FA4] =	sst s2  }
0xb: {  	[smem:$0x3FA5] =	sst s3  }
0xc: {  	[smem:$0x3FA6] =	sst s4  }
0xd: {  	[smem:$0x3FA7] =	sst s5  }
0xe: {  	[smem:$0x3FA8] =	sst s6  }
0xf: {  	[smem:$0x3FA9] =	sst s7  }
0x10: {  	[smem:$0x3FAA] =	sst s8  }
0x11: {  	[smem:$0x3FAB] =	sst s9;
	s0 =	simm.s32 @!p0 $0x0  }
0x12: {  	s1 =	sld [smem:$0x3F91];
	s0 =	simm.s32 @p0 $0x1  }
0x13: {  	[smem:$0x3FAC] =	sst s0;
	s0 =	simm.s32 @!p1 $0x0  }
0x14: {  	s2 =	sld [smem:$0x3F90];
	s0 =	simm.s32 @p1 $0x1  }
0x15: {  	[smem:$0x3FAD] =	sst s0;
	s0 =	simm.s32 @!p2 $0x0  }
0x16: {  	s3 =	sld [smem:$0x3FDB];
	s0 =	simm.s32 @p2 $0x1  }
0x17: {  	s4 =	simm.s32 $0x1BF5;
	[smem:$0x3FAF] =	sst s0  }
0x18: {  	s0 =	sld [smem:$0x3F92];
	_ =	swait.ge [sflag:s4], $0x0  }
0x19: {  	s7 =	sld [smem:$0x3F93]  }
0x1a: {  	s8 =	sadd.s32 $0xFFFFE003, lr  }
0x1b: {  	s9 =	sadd.s32 $0xFFFFFEF7, lr;
	s5 =	simm.s32 $0xFFFFFFFF;
	p2 =	slt.u32 s8, $0xFFFFF086  }
0x1c: {  	p1 =	slt.u32 s9, $0xF7A;
	s5 =	simm.s32 @!p2 $0x0  }
0x1d: {  	s5 =	simm.s32 @p1 $0x1;
	p0 =	seq.s32 s7, s2  }
0x1e: {  	s7 =	smul.u32 @!p0 $0xF7A, s2;
	p2 =	seq.s32 @!p0 s5, $0x0  }
0x1f: {  	s9 =	smul.u32 $0xF7A, s1;
	s8 =	simm.s32 @!p0 $0x1BF5;
	p2 =	por !p2, p0  }
0x20: {  	[sflag:s8] =	ssyncset.s32 @!p0 $0xFFFFF086;
	s6 =	sadd.s32 @!p0 s3, s7;
	s7 =	simm.s32 @!p0 $0x108  }
0x21: {  	s3 =	sadd.s32 s3, s9;
	s6 =	sadd.s32 @!p0 $0x88, s6;
	s7 =	simm.s32 @p2 $0x1082  }
0x22: {  	[simem:s7], [sflag:s8] =	dma.local @!p0 [hbm:s6], $0xF7A  }
0x23: {  	s9 =	sor.u32 $0xD0000000, s2;
	s6 =	simm.s32 $0x108;
	_ =	swait.ge @!p0 [sflag:s8], $0x0  }
0x24: {  	s3 =	sadd.s32 $0x88, s3;
	s6 =	simm.s32 @!p1 $0x1082;
	[sflag:s4] =	ssyncset.s32 $0xFFFFF086  }
0x25: {  	[simem:s6], [sflag:s4] =	dma.local [hbm:s3], $0xF7A  }
0x26: {  	[smem:$0x3F93] =	sst s1;
	(tag) =	ssettag s2;
	_ =	strace s9  }
0x27: {  	s1 =	sld [smem:$0x3FA3]  }
0x28: {  	s2 =	sld [smem:$0x3FA4]  }
0x29: {  	s4 =	sld [smem:$0x3FA6]  }
0x2a: {  	p0 =	seq.s32 s5, $0x0;
	s5 =	sld [smem:$0x3FA7]  }
0x2b: {  	s6 =	sld [smem:$0x3FA8]  }
0x2c: {  	s7 =	sld [smem:$0x3FA9]  }
0x2d: {  	s3 =	simm.s32 $0x108;
	s8 =	sld [smem:$0x3FAA]  }
0x2e: {  	s3 =	simm.s32 @!p0 $0x1082;
	s9 =	sld [smem:$0x3FAB]  }
0x2f: {  	lr =	sadd.s32 s0, s3;
	s0 =	sld [smem:$0x3FA2]  }
0x30: {  	s3 =	sld [smem:$0x3FA5]  }
0x31: {  	[smem:$0x3FAE] =	sst s10  }
0x32: {  	s10 =	sld [smem:$0x3FAC];
	_ =	sdelay $0x3  }
0x33: {  	p0 =	seq.s32 s10, $0x1;
	s10 =	sld [smem:$0x3FAE];
	_ =	sdelay $0x3  }
0x34: {  	[smem:$0x3FAE] =	sst s10  }
0x35: {  	s10 =	sld [smem:$0x3FAD];
	_ =	sdelay $0x3  }
0x36: {  	p1 =	seq.s32 s10, $0x1;
	s10 =	sld [smem:$0x3FAE];
	_ =	sdelay $0x3  }
0x37: {  	[smem:$0x3FAE] =	sst s10  }
0x38: {  	s10 =	sld [smem:$0x3FAF]  }
0x39: {  	_ = 	snop;
	(pc) =	sbr.ind lr, $3  }
0x3a: {  	_ = 	snop  }
0x3b: {  	_ = 	snop  }
0x3c: {  	p2 =	seq.s32 s10, $0x1;
	s10 =	sld [smem:$0x3FAE]  }
0x3d: {  	_ =	shalt  }
0x3e: {  	_ =	shalt  }
0x3f: {  	_ =	shalt  }
0x40: {  	_ =	shalt  }
0x41: {  	_ =	shalt  }
0x42: {  	_ =	shalt  }
0x43: {  	_ =	shalt  }
0x44: {  	_ =	shalt  }
0x45: {  	_ =	shalt  }
0x46: {  	_ =	shalt  }
0x47: {  	_ =	shalt  }
0x48: {  	_ =	shalt  }
0x49: {  	_ =	shalt  }
0x4a: {  	_ =	shalt  }
0x4b: {  	_ =	shalt  }
0x4c: {  	_ =	shalt  }
0x4d: {  	_ =	shalt  }
0x4e: {  	_ =	shalt  }
0x4f: {  	_ =	shalt  }
0x50: {  	_ =	shalt  }
0x51: {  	_ =	shalt  }
0x52: {  	_ =	shalt  }
0x53: {  	_ =	shalt  }
0x54: {  	_ =	shalt  }
0x55: {  	_ =	shalt  }
0x56: {  	_ =	shalt  }
0x57: {  	_ =	shalt  }
0x58: {  	_ =	shalt  }
0x59: {  	_ =	shalt  }
0x5a: {  	_ =	shalt  }
0x5b: {  	_ =	shalt  }
0x5c: {  	_ =	shalt  }
0x5d: {  	_ =	shalt  }
0x5e: {  	_ =	shalt  }
0x5f: {  	_ =	shalt  }
0x60: {  	_ =	shalt  }
0x61: {  	_ =	shalt  }
0x62: {  	_ =	shalt  }
0x63: {  	_ =	shalt  }
0x64: {  	_ =	shalt  }
0x65: {  	_ =	shalt  }
0x66: {  	_ =	shalt  }
0x67: {  	_ =	shalt  }
0x68: {  	_ =	shalt  }
0x69: {  	_ =	shalt  }
0x6a: {  	_ =	shalt  }
0x6b: {  	_ =	shalt  }
0x6c: {  	_ =	shalt  }
0x6d: {  	_ =	shalt  }
0x6e: {  	_ =	shalt  }
0x6f: {  	_ =	shalt  }
0x70: {  	_ =	shalt  }
0x71: {  	_ =	shalt  }
0x72: {  	_ =	shalt  }
0x73: {  	_ =	shalt  }
0x74: {  	_ =	shalt  }
0x75: {  	_ =	shalt  }
0x76: {  	_ =	shalt  }
0x77: {  	_ =	shalt  }
0x78: {  	_ =	shalt  }
0x79: {  	_ =	shalt  }
0x7a: {  	_ =	shalt  }
0x7b: {  	_ =	shalt  }
0x7c: {  	_ =	shalt  }
0x7d: {  	_ =	shalt  }
0x7e: {  	_ =	shalt  }
0x7f: {  	_ =	shalt  }
0x80: {  	_ =	shalt  }
0x81: {  	_ =	shalt  }
0x82: {  	_ =	shalt  }
0x83: {  	_ =	shalt  }
0x84: {  	_ =	shalt  }
0x85: {  	_ =	shalt  }
0x86: {  	_ =	shalt  }
0x87: {  	_ =	shalt  }
.Lfunc_end0:
.L_simem_size_0:
called_computation.4_lowered:
.L_overlay_start_0:
0x88: {  	s2 =	sld [smem:$0x3FD9]  }
0x89: {  	s3 =	sld [smem:$0x3FFE];
	_ =	sdelay $0x1  }
0x8a: {  	s1 =	srdreg.scid  }
0x8b: {  	s0 =	sand.u32 $0x1, s1  }
0x8c: {  	s14 =	sshll.u32 s0, $0xA;
	s2 =	sadd.s32 s3, s2  }
0x8d: {  	s2 =	sadd.s32 s2, s14  }
0x8e: {  	[smem:$0x3FBA] =	sst s2  }
0x8f: {  	_ = 	snop  }
0x90: {  	s2 =	sld [smem:$0x3FD0];
	_ =	sdelay $0x2  }
0x91: {  	s15 =	simm.s32 $0xA;
	s4 =	simm.s32 $0x10  }
0x92: {  	[smem:s4], [sflag:s15] =	dma.local [hbm:s2], $0x1  }
0x93: {  	_ =	swait.eq [sflag:s15], $0x1  }
0x94: {  	[sflag:s15] =	ssyncset.done $0x0  }
0x95: {  	s16 =	sld [smem:$0x13];
	[sflag:s15] =	ssyncadd.s32 $0xFFFFFFFF  }
0x96: {  	s17 =	sld [smem:$0x14];
	(tm) =	ssettm $0x1  }
0x97: {  	s18 =	sld [smem:$0x3FFB];
	_ =	sdelay $0x3  }
0x98: {  	_ =	strace s18  }
0x99: {  	s4 =	sld [smem:$0x3FFC];
	_ =	sdelay $0x3  }
0x9a: {  	_ =	strace s4  }
0x9b: {  	s4 =	sld [smem:$0x3FFD];
	_ =	sdelay $0x3  }
0x9c: {  	_ =	strace s4  }
0x9d: {  	_ =	strace $0x8FFFFFFF  }
0x9e: {  	s19 =	sld [smem:$0x3FDB];
	_ =	sdelay $0x1  }
0x9f: {  	s5 =	simm.s32 $_scs_section_size  }
0xa0: {  	s6 =	simm.s32 $_size__tile_overlayer_lowered;
	s7 =	simm.s32 $_tile_overlayer_lowered  }
0xa1: {  	s22 =	simm.s32 $0x1BFF;
	s21 =	sshll.u32 s7, $0x1;
	s4 =	sadd.s32 s5, s19  }
0xa2: {  	s8 =	simm.s32 $0x0;
	s20 =	sshll.u32 s6, $0x1;
	s6 =	sadd.s32 s21, s4  }
0xa3: {  	[timem:s8], [sflag:s22] =	dma.local [hbm:s6], s20  }
0xa4: {  	_ =	swait.ge [sflag:s22], s20  }
0xa5: {  	s5 =	ssub.s32 $0x0, s20;
	[sflag:s22] =	ssyncset.done $0x0  }
0xa6: {  	[sflag:s22] =	ssyncadd.s32 s5;
	_ =	sdelay $0x1  }
0xa7: {  	s23 =	simm.s32 $0x1B8B  }
0xa8: {  	_ =	swait.ge [sflag:s23], $0x1  }
0xa9: {  	[sflag:s23] =	ssyncset.done $0x0  }
0xaa: {  	s25 =	simm.s32 $0x1B8E;
	s24 =	sld [smem:$0x3FFE];
	[sflag:s23] =	ssyncadd.s32 $0xFFFFFFFF  }
0xab: {  	s26 =	simm.s32 $execute0_lowered;
	[smem:$0x3FD2] =	sst s25  }
0xac: {  	s6 =	sshll.u32 s26, $0x1;
	_ =	strace $0x80000052;
	[dreg:$0x1] =	wrdreg $0xFFFFFFFF  }
0xad: {  	s28 =	simm.s32 $_size_execute0_lowered;
	s4 =	sadd.s32 s4, s6;
	[dreg:$0x0] =	wrdreg $0x0  }
0xae: {  	s6 =	sshll.u32 s28, $0x1;
	[dreg:$0x2] =	wrdreg s4  }
0xaf: {  	[dreg:$0x3] =	wrdreg s6  }
0xb0: {  	[dreg:$0x4] =	wrdreg $0xC0  }
0xb1: {  	_ =	task [dreg:s8], $0x5FFFF  }
0xb2: {  	[dreg:$0x1] =	wrdreg $0xFFFFFFFF  }
0xb3: {  	[dreg:$0x0] =	wrdreg $0x60  }
0xb4: {  	[dreg:$0x2] =	wrdreg s16  }
0xb5: {  	[dreg:$0x3] =	wrdreg s17  }
0xb6: {  	[dreg:$0x4] =	wrdreg s24  }
0xb7: {  	[dreg:$0x5] =	wrdreg $0xA9000  }
0xb8: {  	[dreg:$0x6] =	wrdreg $0x9  }
0xb9: {  	_ =	task.clear_ibuf [dreg:s8], $0x7FFFF;
	_ =	strace $0x90000052  }
0xba: {  	s29 =	simm.s32 $0x9;
	_ =	strace $0x80000054  }
0xbb: {  	_ =	swait.ge [sflag:s29], $0x1  }
0xbc: {  	[sflag:s29] =	ssyncadd.s32 $0xFFFFFFFF  }
0xbd: {  	_ =	strace $0x90000054  }
0xbe: {  	_ =	sfence  }
0xbf: {  	s30 =	sld [smem:$0x0];
	_ =	sdelay $0x2  }
0xc0: {  	s31 =	sshll.u32 s1, $0xD;
	s1 =	sshrl.u32 s1, $0x2  }
0xc1: {  	s3 =	sand.u32 $0x4000, s31;
	s1 =	sadd.s32 s1, s30  }
0xc2: {  	s0 =	sor.u32 s3, s0;
	s1 =	sshll.u32 s1, $0x11  }
0xc3: {  	s0 =	sor.u32 s1, s0  }
0xc4: {  	s0 =	sadd.s32 $0x8F2B, s0  }
0xc5: {  	[sflag:s0] =	ssyncadd.remote.s32 $0x1  }
0xc6: {  	_ =	sfence.sel $0xFFFF  }
0xc7: {  	[dreg:$0x0] =	wrdreg $0xFFFFFFFF;
	(pc) =	sbr.abs _section_cstart, $3  }
0xc8: {  	[dreg:$0x1] =	wrdreg $0xFFFFFFFF  }
0xc9: {  	_ =	task.clear_ibuf [dreg:s8], $0x2FFFF;
	_ =	strace $0x9FFFFFFF  }
0xca: {  	(tm) =	ssettm $0x7FFFFFFF  }
0xcb: {  	_ =	shalt  }
tec
execute0_lowered:
.L_overlay_start_1:
0x0: {  	(tag) =	ssettag $0x1  }
0x1: {  	s1 =	rddreg [dreg:$0x0]  }
0x2: {  	s6 =	rddreg [dreg:$0x1]  }
0x3: {  	s7 =	rddreg [dreg:$0x2]  }
0x4: {  	s0 =	stileid.u32;
	s2 =	srdreg.scid  }
0x5: {  	s3 =	rddreg [dreg:$0x3];
	s4 =	simm.s32 $0x0;
	s14 =	simm.s32 $0x2880  }
0x6: {  	s17 =	simm.s32 $0x80;
	s18 =	simm.s32 $0x2900;
	s19 =	simm.s32 $0x6900  }
0x7: {  	s20 =	simm.s32 $0x3;
	s21 =	simm.s32 $0x1;
	s5 =	smul.u32 $0x500, s0  }
0x8: {  	s22 =	simm.s32 $0x4;
	s23 =	simm.s32 $0x2;
	s9 =	smul.u32 $0x2780, s0  }
0x9: {  	s24 =	simm.s32 $0x5;
	s25 =	simm.s32 $0x6;
	s11 =	smul.u32 $0x50, s0  }
0xa: {  	s8 =	sand.u32 $0x1, s2;
	s2 =	rddreg [dreg:$0x4];
	s29 =	smul.u32 $0x4F000, s0  }
0xb: {  	s26 =	simm.s32 $0x0;
	[smem:$0x7FF] =	sst s4;
	s10 =	smul.u32 $0x27800, s8  }
0xc: {  	s15 =	sshll.u32 s0, $0x6;
	_ =	strace $0x80000053;
	s13 =	smul.u32 $0x500, s8  }
0xd: {  	s8 =	ssub.s32 $0x2, s8;
	s15 =	sor.u32 $0x1C07, s15;
	s12 =	sadd.s32 s5, s7  }
0xe: {  	s5 =	sadd.s32 $0x9A00, s7;
	s28 =	sshrl.u32 s8, $0x1;
	s31 =	sshrl.u32 s29, $0x2  }
0xf: {  	s9 =	sadd.s32 s9, s10;
	s11 =	sadd.s32 s11, s13;
	s10 =	ssub.s32 s8, s28  }
0x10: {  	s8 =	sadd.s32 $0x4A10, s12;
	s16 =	sadd.s32 s31, s3;
	s13 =	simm.s32 $0x2800  }
0x11: {  	s9 =	sadd.s32 s9, s7;
	s30 =	sshll.u32 s11, $0x4;
	s7 =	sadd.s32 $0x4A00, s12  }
0x12: {  	s10 =	smax.u32 s10, $0x1;
	s11 =	sadd.s32 $0x4A20, s12;
	s12 =	simm.s32 $0x7  }
0x13: {  	s16 =	sshrl.u32 s16, $0x3;
	s6 =	sadd.s32 s6, s30;
	s9 =	sadd.s32 $0x5B200, s9  }
.LBB2_1:
0x14: {  	[tilespmem:s4], [sflag:$0x7] =	stream.linear.gather [hbm4b:s6+s4], $0x2800, $0x38;
	[tilespmem:$0x1E500] =	vst v63  }
0x15: {  	_ =	swait.ge [sflag:s12], $0x2800  }
0x16: {  	[sflag:s12] =	ssyncset.done $0x0  }
0x17: {  	[sflag:s12] =	ssyncadd.s32 $0xFFFFD800  }
0x18: {  	[tilespmem:s13], [sflag:$0x1] =	stream.linear.gather [hbm4b:s7+s4], $0x80, $0x38;
	[tilespmem:$0x1E500] =	vst v63  }
0x19: {  	_ = 	snop  }
0x1a: {  	[tilespmem:s14], [sflag:$0x2] =	stream.linear.gather [hbm4b:s8+s4], $0x80, $0x38;
	[tilespmem:$0x1E500] =	vst v63  }
0x1b: {  	[spmem:s16], [sflag:s15] =	dma.local [hbm:s5], $0x2780  }
0x1c: {  	_ =	swait.ge [sflag:s12], $0x2780  }
0x1d: {  	[sflag:s12] =	ssyncset.done $0x0  }
0x1e: {  	[sflag:s12] =	ssyncadd.s32 $0xFFFFD880  }
0x1f: {  	[bflag:$0x0] =	sbarrier.arrive $0xFFFF  }
0x20: {  	[tilespmem:s18], [sflag:$0x3] =	stream.indirect.gather [hbm4b:s1+s17], $0x80, s4, s17, $0xb8;
	[tilespmem:$0x1E500] =	vst v63  }
0x21: {  	_ = 	snop  }
0x22: {  	[tilespmem:s19], [sflag:$0x4] =	stream.indirect.gather [hbm4b:s1+s17], $0x80, s17, s17, $0xb8;
	[tilespmem:$0x1E500] =	vst v63  }
0x23: {  	_ =	swait.ge [sflag:s20], $0x4000  }
0x24: {  	[sflag:s20] =	ssyncset.done $0x0  }
0x25: {  	[sflag:s20] =	ssyncadd.s32 $0xFFFFC000  }
0x26: {  	_ =	swait.ge [sflag:s21], $0x80  }
0x27: {  	[sflag:s21] =	ssyncset.done $0x0  }
0x28: {  	[sflag:s21] =	ssyncadd.s32 $0xFFFFFF80  }
0x29: {  	[spmem:s3] =	stream.indirect.scatter.add.f32 [tilespmem:s18], [sflag:$0x5], $0x80, s13, s17, $0xb8;
	[tilespmem:$0x1E500] =	vst v63  }
0x2a: {  	_ =	swait.ge [sflag:s22], $0x4000  }
0x2b: {  	[sflag:s22] =	ssyncset.done $0x0  }
0x2c: {  	[sflag:s22] =	ssyncadd.s32 $0xFFFFC000  }
0x2d: {  	_ =	swait.ge [sflag:s23], $0x80  }
0x2e: {  	[sflag:s23] =	ssyncset.done $0x0  }
0x2f: {  	[sflag:s23] =	ssyncadd.s32 $0xFFFFFF80  }
0x30: {  	[spmem:s3] =	stream.indirect.scatter.add.f32 [tilespmem:s19], [sflag:$0x6], $0x80, s14, s17, $0xb8;
	[tilespmem:$0x1E500] =	vst v63  }
0x31: {  	_ =	swait.ge [sflag:s24], $0x4000  }
0x32: {  	[sflag:s24] =	ssyncset.done $0x0  }
0x33: {  	s28 =	simm.s32 $0x100;
	[sflag:s24] =	ssyncadd.s32 $0xFFFFC000  }
0x34: {  	[tilespmem:s18], [sflag:$0x3] =	stream.indirect.gather [hbm4b:s1+s17], $0x80, s28, s17, $0xb8;
	[tilespmem:$0x1E500] =	vst v63  }
0x35: {  	_ = 	snop  }
0x36: {  	[tilespmem:s13], [sflag:$0x1] =	stream.linear.gather [hbm4b:s11+s4], $0x80, $0x38;
	[tilespmem:$0x1E500] =	vst v63  }
0x37: {  	_ =	swait.ge [sflag:s25], $0x4000  }
0x38: {  	[sflag:s25] =	ssyncset.done $0x0  }
0x39: {  	s28 =	simm.s32 $0x180;
	[sflag:s25] =	ssyncadd.s32 $0xFFFFC000  }
0x3a: {  	[tilespmem:s19], [sflag:$0x4] =	stream.indirect.gather [hbm4b:s1+s17], $0x80, s28, s17, $0xb8;
	[tilespmem:$0x1E500] =	vst v63  }
0x3b: {  	s30 =	sadd.s32 $0x10, s11;
	s29 =	sadd.s32 $0x20, s11;
	s28 =	simm.s32 $0xFFFF6800  }
.LBB2_2:
0x3c: {  	[tilespmem:s14], [sflag:$0x2] =	stream.linear.gather [hbm4b:s30+s4], $0x80, $0x38;
	[tilespmem:$0x1E500] =	vst v63  }
0x3d: {  	s30 =	smov.u32 s28  }
0x3e: {  	p0 =	sne.s32 s28, $0xFFFFFC00;
	s28 =	sadd.s32 $0x400, s28;
	_ =	swait.ge [sflag:s20], $0x4000  }
0x3f: {  	[sflag:s20] =	ssyncset.done $0x0  }
0x40: {  	[sflag:s20] =	ssyncadd.s32 $0xFFFFC000  }
0x41: {  	_ =	swait.ge [sflag:s21], $0x80  }
0x42: {  	[sflag:s21] =	ssyncset.done $0x0  }
0x43: {  	[sflag:s21] =	ssyncadd.s32 $0xFFFFFF80  }
0x44: {  	[spmem:s3] =	stream.indirect.scatter.add.f32 [tilespmem:s18], [sflag:$0x5], $0x80, s13, s17, $0xb8;
	[tilespmem:$0x1E500] =	vst v63  }
0x45: {  	_ =	swait.ge [sflag:s22], $0x4000  }
0x46: {  	[sflag:s22] =	ssyncset.done $0x0  }
0x47: {  	[sflag:s22] =	ssyncadd.s32 $0xFFFFC000  }
0x48: {  	_ =	swait.ge [sflag:s23], $0x80  }
0x49: {  	[sflag:s23] =	ssyncset.done $0x0  }
0x4a: {  	[sflag:s23] =	ssyncadd.s32 $0xFFFFFF80  }
0x4b: {  	[spmem:s3] =	stream.indirect.scatter.add.f32 [tilespmem:s19], [sflag:$0x6], $0x80, s14, s17, $0xb8;
	[tilespmem:$0x1E500] =	vst v63  }
0x4c: {  	_ =	swait.ge [sflag:s24], $0x4000  }
0x4d: {  	s30 =	sshra.s32 s30, $0x2;
	[sflag:s24] =	ssyncset.done $0x0  }
0x4e: {  	s31 =	sadd.s32 $0x2800, s30;
	[sflag:s24] =	ssyncadd.s32 $0xFFFFC000  }
0x4f: {  	[tilespmem:s18], [sflag:$0x3] =	stream.indirect.gather [hbm4b:s1+s17], $0x80, s31, s17, $0xb8;
	[tilespmem:$0x1E500] =	vst v63  }
0x50: {  	_ = 	snop  }
0x51: {  	[tilespmem:s13], [sflag:$0x1] =	stream.linear.gather [hbm4b:s29+s4], $0x80, $0x38;
	[tilespmem:$0x1E500] =	vst v63  }
.Ltmp0:
0x52: {  	_ =	swait.ge [sflag:s25], $0x4000;
	(pc) =	sbr.rel @p0 .LBB2_2-.Ltmp0, $4  }
0x53: {  	[sflag:s25] =	ssyncset.done $0x0  }
0x54: {  	s30 =	sadd.s32 $0x2880, s30;
	[sflag:s25] =	ssyncadd.s32 $0xFFFFC000  }
0x55: {  	[tilespmem:s19], [sflag:$0x4] =	stream.indirect.gather [hbm4b:s1+s17], $0x80, s30, s17, $0xb8;
	[tilespmem:$0x1E500] =	vst v63  }
0x56: {  	s30 =	sadd.s32 $0x10, s29;
	s29 =	sadd.s32 $0x20, s29  }
0x57: {  	[tilespmem:s14], [sflag:$0x2] =	stream.linear.gather [hbm4b:s30+s4], $0x80, $0x38;
	[tilespmem:$0x1E500] =	vst v63  }
0x58: {  	_ =	swait.ge [sflag:s20], $0x4000  }
0x59: {  	[sflag:s20] =	ssyncset.done $0x0  }
0x5a: {  	[sflag:s20] =	ssyncadd.s32 $0xFFFFC000  }
0x5b: {  	_ =	swait.ge [sflag:s21], $0x80  }
0x5c: {  	[sflag:s21] =	ssyncset.done $0x0  }
0x5d: {  	[sflag:s21] =	ssyncadd.s32 $0xFFFFFF80  }
0x5e: {  	[spmem:s3] =	stream.indirect.scatter.add.f32 [tilespmem:s18], [sflag:$0x5], $0x80, s13, s17, $0xb8;
	[tilespmem:$0x1E500] =	vst v63  }
0x5f: {  	_ =	swait.ge [sflag:s22], $0x4000  }
0x60: {  	[sflag:s22] =	ssyncset.done $0x0  }
0x61: {  	[sflag:s22] =	ssyncadd.s32 $0xFFFFC000  }
0x62: {  	_ =	swait.ge [sflag:s23], $0x80  }
0x63: {  	[sflag:s23] =	ssyncset.done $0x0  }
0x64: {  	[sflag:s23] =	ssyncadd.s32 $0xFFFFFF80  }
0x65: {  	[spmem:s3] =	stream.indirect.scatter.add.f32 [tilespmem:s19], [sflag:$0x6], $0x80, s14, s17, $0xb8;
	[tilespmem:$0x1E500] =	vst v63  }
0x66: {  	_ =	swait.ge [sflag:s24], $0x4000  }
0x67: {  	[sflag:s24] =	ssyncset.done $0x0  }
0x68: {  	[sflag:s24] =	ssyncadd.s32 $0xFFFFC000  }
0x69: {  	_ =	swait.ge [sflag:s25], $0x4000  }
0x6a: {  	s26 =	sadd.s32 $0x1, s26;
	[sflag:s25] =	ssyncset.done $0x0  }
0x6b: {  	p0 =	sne.s32 s26, s10;
	[sflag:s25] =	ssyncadd.s32 $0xFFFFC000  }
.Ltmp1:
0x6c: {  	[bflag:$0x0] =	sbarrier.arrive $0xFFFF;
	(pc) =	sbr.rel @p0 .LBB2_1-.Ltmp1, $4  }
0x6d: {  	[hbm:s9], [sflag:s15] =	dma.local [spmem:s16], $0x2780  }
0x6e: {  	_ =	swait.ge [sflag:s12], $0x2780  }
0x6f: {  	[sflag:s12] =	ssyncset.done $0x0  }
0x70: {  	[sflag:s12] =	ssyncadd.s32 $0xFFFFD880  }
0x71: {  	_ =	sfence.sel $0x180000  }
0x72: {  	[bflag:$0x0] =	sbarrier.arrive $0xFFFF  }
0x73: {  	p0 =	sne.s32 s0, $0x0;
	_ =	strace $0x90000053  }
0x74: {  	s0 =	sadd.s32 @!p0 $0x100000, s2;
	[bflag:$0x2] =	sbarrier.arrive $0xFFFF  }
0x75: {  	[sflag:s0] =	ssyncadd.tile.s32 @!p0 $0x1;
	_ =	shalt  }
.Lfunc_end2:
_tile_overlayer_lowered:
.L_overlay_start_2:
0x76: {  	(tag) =	ssettag $0x2  }
0x77: {  	s0 =	rddreg [dreg:$0x0];
	s2 =	stileid.u32  }
0x78: {  	s1 =	rddreg [dreg:$0x1];
	p0 =	sne.s32 s2, $0x0  }
0x79: {  	s3 =	rddreg [dreg:$0x2];
	[bflag:$0x3] =	sbarrier.arrive $0xFFFF;
	s2 =	simm.s32 @!p0 $0x1C07  }
0x7a: {  	[timem:s3], [sflag:s2] =	dma.local @!p0 [hbm:s0], s1  }
0x7b: {  	s0 =	simm.s32 @!p0 $0x7  }
0x7c: {  	_ =	swait.ge @!p0 [sflag:s0], s1  }
0x7d: {  	s1 =	ssub.s32 @!p0 $0x0, s1;
	[sflag:s0] =	ssyncset.done @!p0 $0x0  }
0x7e: {  	[sflag:s0] =	ssyncadd.s32 @!p0 s1  }
0x7f: {  	[bflag:$0x3] =	sbarrier.arrive $0xFFFF  }
0x80: {  	_ =	shalt  }

</sc_bundles>
